<compile_context>
chip_gen: v7x
topology: tpu7x:2x2x1
jax: 0.10.2.dev20260603
libtpu: 0.0.44.dev20260713+nightly
codegen_flags: <defaults>
</compile_context>

<pallas_src>
import functools

import jax
import jax.numpy as jnp
from jax import lax
from jax.experimental import pallas as pl
from jax.experimental.pallas import tpu as pltpu
from jax.experimental.pallas import tpu_sc as plsc

N = 10000
E = 320000
D = 128
DC = 40

NC = 2
NS = 16
NW = NC * NS
CH = 128
NCH = 80
EPW = CH * NCH
EPAD = NW * EPW
NPAD = 10240
RPT = NPAD // NS
CPW = 64

_mesh = plsc.VectorSubcoreMesh(core_axis_name="c", subcore_axis_name="s")



@functools.partial(
    pl.kernel,
    out_type=jax.ShapeDtypeStruct((NC, NPAD, 16), jnp.float32),
    mesh=_mesh,
    scratch_types=[
        pltpu.VMEM((NCH, CH), jnp.int32),
        pltpu.VMEM((CH, 16), jnp.float32),
        pltpu.VMEM((CPW, 16), jnp.float32),
        pltpu.VMEM_SHARED((NPAD, 16), jnp.float32),
    ],
)
def _deg_kernel(col_hbm, out_hbm, colbuf, onesbuf, cpbuf, degsh):
    c = lax.axis_index("c")
    s = lax.axis_index("s")
    wid = s * NC + c
    base = s * RPT
    pltpu.sync_copy(col_hbm.at[wid], colbuf)
    onev = jnp.ones((16,), jnp.float32)
    zerov = jnp.zeros((16,), jnp.float32)

    def fill(i, carry):
        onesbuf[i, :] = onev
        return carry

    lax.fori_loop(0, CH, fill, 0)

    def zfill(i, carry):
        cpbuf[i, :] = zerov
        return carry

    lax.fori_loop(0, CPW, zfill, 0)
    for k in range(RPT // CPW):
        pltpu.sync_copy(cpbuf, degsh.at[pl.ds(base + k * CPW, CPW)])
    plsc.subcore_barrier()

    def body(j, carry):
        pltpu.sync_copy(onesbuf, degsh.at[colbuf.at[j]], add=True)
        return carry

    lax.fori_loop(0, NCH, body, 0)
    plsc.subcore_barrier()
    for k in range(RPT // CPW):
        pltpu.sync_copy(degsh.at[pl.ds(base + k * CPW, CPW)], cpbuf)
        pltpu.sync_copy(cpbuf, out_hbm.at[c, pl.ds(base + k * CPW, CPW)])


HST = 40
NST = NCH // HST


HC = CH // 2


@functools.partial(
    pl.kernel,
    out_type=jax.ShapeDtypeStruct((NC, NPAD, D), jnp.float32),
    mesh=_mesh,
    scratch_types=[
        pltpu.VMEM((HST, CH), jnp.int32),
        pltpu.VMEM((HST, CH), jnp.int32),
        pltpu.VMEM((CH, D), jnp.float32),
        pltpu.VMEM((CH, D), jnp.float32),
        pltpu.VMEM_SHARED((NPAD, D), jnp.float32),
        pltpu.SemaphoreType.DMA,
        pltpu.SemaphoreType.DMA,
    ],
)
def _scatter_kernel(y_hbm, row_hbm, col_hbm, out_hbm,
                    rowbuf, colbuf, ga, gb, zsh, sema, semb):
    c = lax.axis_index("c")
    s = lax.axis_index("s")
    wid = s * NC + c
    base = s * RPT
    zerov = jnp.zeros((16,), jnp.float32)

    def zfill(i, carry):
        for q in range(D // 16):
            ga[i, pl.ds(q * 16, 16)] = zerov
        return carry

    lax.fori_loop(0, CH, zfill, 0)
    for k in range(RPT // CH):
        pltpu.sync_copy(ga, zsh.at[pl.ds(base + k * CH, CH)])
    plsc.subcore_barrier()

    def fire(j, buf, sem):
        pltpu.async_copy(y_hbm.at[rowbuf.at[j, pl.ds(0, HC)]],
                         buf.at[pl.ds(0, HC)], sem)
        pltpu.async_copy(y_hbm.at[rowbuf.at[j, pl.ds(HC, HC)]],
                         buf.at[pl.ds(HC, HC)], sem)

    def drain(j, buf, sem):
        pltpu.make_async_copy(y_hbm.at[rowbuf.at[j, pl.ds(0, HC)]],
                              buf.at[pl.ds(0, HC)], sem).wait()
        pltpu.make_async_copy(y_hbm.at[rowbuf.at[j, pl.ds(HC, HC)]],
                              buf.at[pl.ds(HC, HC)], sem).wait()

    def stage(t, carry):
        pltpu.sync_copy(row_hbm.at[wid, pl.ds(t * HST, HST)], rowbuf)
        pltpu.sync_copy(col_hbm.at[wid, pl.ds(t * HST, HST)], colbuf)
        fire(0, ga, sema)

        def pair(p, carry2):
            a = 2 * p
            b = a + 1
            fire(b, gb, semb)
            drain(a, ga, sema)
            pltpu.sync_copy(ga, zsh.at[colbuf.at[a]], add=True)

            @pl.when(p < HST // 2 - 1)
            def _():
                fire(a + 2, ga, sema)

            drain(b, gb, semb)
            pltpu.sync_copy(gb, zsh.at[colbuf.at[b]], add=True)
            return carry2

        lax.fori_loop(0, HST // 2, pair, 0)
        return carry

    lax.fori_loop(0, NST, stage, 0)
    plsc.subcore_barrier()
    for k in range(RPT // CH):
        pltpu.sync_copy(zsh.at[pl.ds(base + k * CH, CH)], ga)
        pltpu.sync_copy(ga, out_hbm.at[c, pl.ds(base + k * CH, CH)])



RB = 1000


def _pre_body(x_ref, w_ref, dp_ref, y_ref):
    d = dp_ref[0, :, 0:1] + dp_ref[1, :, 0:1]
    dinv = lax.rsqrt(d)
    y_ref[...] = jnp.dot(x_ref[...], w_ref[...],
                         preferred_element_type=jnp.float32) * dinv


def _mid_body(zp_ref, y_ref, dp_ref, b_ref, w_ref, o_ref):
    d = dp_ref[0, :, 0:1] + dp_ref[1, :, 0:1]
    dinv = lax.rsqrt(d)
    agg = zp_ref[0] + zp_ref[1] + y_ref[...]
    h = jnp.maximum(agg * dinv + b_ref[...], 0.0)
    o_ref[...] = jnp.dot(h, w_ref[...],
                         preferred_element_type=jnp.float32) * dinv


def _out_body(zp_ref, y_ref, dp_ref, b_ref, wc_ref, bc_ref, o_ref):
    d = dp_ref[0, :, 0:1] + dp_ref[1, :, 0:1]
    dinv = lax.rsqrt(d)
    agg = zp_ref[0] + zp_ref[1] + y_ref[...]
    h = jnp.maximum(agg * dinv + b_ref[...], 0.0)
    o_ref[...] = jnp.dot(h, wc_ref[...],
                         preferred_element_type=jnp.float32) + bc_ref[...]


def _tc_pre(x, W1, degp):
    return pl.pallas_call(
        _pre_body,
        grid=(N // RB,),
        in_specs=[
            pl.BlockSpec((RB, D), lambda i: (i, 0)),
            pl.BlockSpec((D, D), lambda i: (0, 0)),
            pl.BlockSpec((NC, RB, 16), lambda i: (0, i, 0)),
        ],
        out_specs=pl.BlockSpec((RB, D), lambda i: (i, 0)),
        out_shape=jax.ShapeDtypeStruct((N, D), jnp.float32),
    )(x, W1, degp)


def _tc_mid(zp, y, degp, b, W):
    return pl.pallas_call(
        _mid_body,
        grid=(N // RB,),
        in_specs=[
            pl.BlockSpec((NC, RB, D), lambda i: (0, i, 0)),
            pl.BlockSpec((RB, D), lambda i: (i, 0)),
            pl.BlockSpec((NC, RB, 16), lambda i: (0, i, 0)),
            pl.BlockSpec((1, D), lambda i: (0, 0)),
            pl.BlockSpec((D, D), lambda i: (0, 0)),
        ],
        out_specs=pl.BlockSpec((RB, D), lambda i: (i, 0)),
        out_shape=jax.ShapeDtypeStruct((N, D), jnp.float32),
    )(zp, y, degp, b, W)


def _tc_out(zp, y, degp, b, Wc, bc):
    return pl.pallas_call(
        _out_body,
        grid=(N // RB,),
        in_specs=[
            pl.BlockSpec((NC, RB, D), lambda i: (0, i, 0)),
            pl.BlockSpec((RB, D), lambda i: (i, 0)),
            pl.BlockSpec((NC, RB, 16), lambda i: (0, i, 0)),
            pl.BlockSpec((1, D), lambda i: (0, 0)),
            pl.BlockSpec((D, DC), lambda i: (0, 0)),
            pl.BlockSpec((1, DC), lambda i: (0, 0)),
        ],
        out_specs=pl.BlockSpec((RB, DC), lambda i: (i, 0)),
        out_shape=jax.ShapeDtypeStruct((N, DC), jnp.float32),
    )(zp, y, degp, b, Wc, bc)


def kernel(x, edge_index, W1, b1, W2, b2, Wc, bc):
    row = edge_index[0].astype(jnp.int32)
    col = edge_index[1].astype(jnp.int32)
    pad = EPAD - E
    junk = N + (jnp.arange(pad, dtype=jnp.int32) % (NPAD - N))
    rowp = jnp.concatenate([row, jnp.zeros((pad,), jnp.int32)]).reshape(NW, NCH, CH)
    colp = jnp.concatenate([col, junk]).reshape(NW, NCH, CH)

    degp = _deg_kernel(colp)
    y1 = _tc_pre(x, W1, degp)
    z1 = _scatter_kernel(y1, rowp, colp)
    y2 = _tc_mid(z1, y1, degp, b1.reshape(1, D), W2)
    z2 = _scatter_kernel(y2, rowp, colp)
    return _tc_out(z2, y2, degp, b2.reshape(1, D), Wc, bc.reshape(1, DC))

# --- scband reference (transcript-rebuilt; emitter-appended) ---
"""Pipeline reference for scband-tangent-gnn-54176717472198 (READ-ONLY COPY).

The authoritative reference and input builder live on the scoring server;
editing this copy changes nothing except your own understanding.
"""

import jax, jax.numpy as jnp
import numpy as np

N_NODES = 10000
N_EDGES = 320000
D_IN = 128
D_HID = 128
N_CLASSES = 40


def setup_inputs(seed: int = 0) -> dict:
    key = jax.random.key(seed)
    ks = jax.random.split(key, 8)
    x = jax.random.normal(ks[0], (N_NODES, D_IN), dtype=jnp.float32)
    edge_index = jax.random.randint(ks[1], (2, N_EDGES), 0, N_NODES, dtype=jnp.int64)
    s1 = 1.0 / np.sqrt(D_IN)
    s2 = 1.0 / np.sqrt(D_HID)
    W1 = jax.random.uniform(ks[2], (D_IN, D_HID), dtype=jnp.float32, minval=-s1, maxval=s1)
    b1 = jnp.zeros((D_HID,), dtype=jnp.float32)
    W2 = jax.random.uniform(ks[3], (D_HID, D_HID), dtype=jnp.float32, minval=-s2, maxval=s2)
    b2 = jnp.zeros((D_HID,), dtype=jnp.float32)
    Wc = jax.random.uniform(ks[4], (D_HID, N_CLASSES), dtype=jnp.float32, minval=-s2, maxval=s2)
    bc = jax.random.uniform(ks[5], (N_CLASSES,), dtype=jnp.float32, minval=-s2, maxval=s2)
    return {"x": x, "edge_index": edge_index, "W1": W1, "b1": b1, "W2": W2, "b2": b2, "Wc": Wc, "bc": bc}


def gcn_conv(x, edge_index, W, b, n_nodes):
    # linear transform
    xw = x @ W
    # add self-loops (PyG GCNConv default add_self_loops=True)
    loops = jnp.arange(n_nodes, dtype=edge_index.dtype)
    row = jnp.concatenate([edge_index[0], loops])
    col = jnp.concatenate([edge_index[1], loops])
    # symmetric normalization: deg computed on dst (col) with self-loops
    ones = jnp.ones_like(col, dtype=xw.dtype)
    deg = jax.ops.segment_sum(ones, col, num_segments=n_nodes)
    deg_inv_sqrt = jnp.where(deg > 0, 1.0 / jnp.sqrt(deg), 0.0)
    norm = deg_inv_sqrt[row] * deg_inv_sqrt[col]
    # message passing: gather from src, scale, scatter-add at dst
    msgs = norm[:, None] * jnp.take(xw, row, axis=0)
    out = jax.ops.segment_sum(msgs, col, num_segments=n_nodes)
    return out + b


def reference(x, edge_index, W1, b1, W2, b2, Wc, bc):
    h = jax.nn.relu(gcn_conv(x, edge_index, W1, b1, N_NODES))
    h = jax.nn.relu(gcn_conv(h, edge_index, W2, b2, N_NODES))
    return h @ Wc + bc

if __name__ == "__main__":
    import jax
    _d = setup_inputs()
    print(jax.jit(kernel)(*tuple(_d.values())))

</pallas_src>

<mosaic_0001>
#map = affine_map<(d0, d1) -> (0, 0, 0)>
module attributes {stable_mosaic.version = 14 : i64} {
  func.func @_deg_kernel(%arg0: i32, %arg1: i32, %arg2: memref<32x80x128xi32, #tpu.memory_space<hbm>>, %arg3: memref<2x10240x16xf32, #tpu.memory_space<hbm>>, %arg4: memref<80x128xi32, #tpu.memory_space<vmem>>, %arg5: memref<128x16xf32, #tpu.memory_space<vmem>>, %arg6: memref<64x16xf32, #tpu.memory_space<vmem>>, %arg7: memref<10240x16xf32, #tpu.memory_space<vmem_shared>>) attributes {dimension_semantics = [#tpu.dimension_semantics<core_parallel>, #tpu.dimension_semantics<subcore_parallel>], iteration_bounds = array<i64: 2, 16>, scalar_prefetch = 0 : i64, scratch_operands = 4 : i64, tpu.core_type = #tpu.core_type<sc_vector_subcore>, window_params = [{transform_indices = #map}, {transform_indices = #map}]} {
    %mul3A = arith.constant 2 : i32
    %mul3A_0 = arith.muli %arg1, %mul3A : i32
    %add3A = arith.addi %mul3A_0, %arg0 : i32
    %mul3A_1 = arith.constant 640 : i32
    %mul3A_2 = arith.muli %arg1, %mul3A_1 : i32
    "tpu.region"() ({
      %run_scoped3A = tpu.sem_alloc : memref<!tpu.dma_semaphore, #tpu.memory_space<semaphore_mem>>
      %dma_start3A = arith.constant 0 : i32
      %dma_start3A_84 = arith.constant 0 : i32
      %dma_start3A_85 = tpu.memref_slice %arg2[%add3A, %dma_start3A, %dma_start3A_84] : memref<32x80x128xi32, #tpu.memory_space<hbm>> -> memref<1x80x128xi32, #tpu.memory_space<hbm>>
      %dma_start3A_86 = tpu.memref_squeeze %dma_start3A_85 : memref<1x80x128xi32, #tpu.memory_space<hbm>> -> memref<80x128xi32, #tpu.memory_space<hbm>>
      %dma_start3A_87 = arith.constant 0 : i32
      %dma_start3A_88 = arith.constant 0 : i32
      %dma_start3A_89 = tpu.memref_slice %arg2[%add3A, %dma_start3A_87, %dma_start3A_88] : memref<32x80x128xi32, #tpu.memory_space<hbm>> -> memref<1x80x128xi32, #tpu.memory_space<hbm>>
      %dma_start3A_90 = tpu.memref_squeeze %dma_start3A_89 : memref<1x80x128xi32, #tpu.memory_space<hbm>> -> memref<80x128xi32, #tpu.memory_space<hbm>>
      tpu.enqueue_dma source(%dma_start3A_90 : memref<80x128xi32, #tpu.memory_space<hbm>>) target(%arg4 : memref<80x128xi32, #tpu.memory_space<vmem>>) target_semaphore(%run_scoped3A : memref<!tpu.dma_semaphore, #tpu.memory_space<semaphore_mem>>)
      %dma_wait3A = arith.constant 0 : i32
      %dma_wait3A_91 = arith.constant 0 : i32
      %dma_wait3A_92 = tpu.memref_slice %arg2[%add3A, %dma_wait3A, %dma_wait3A_91] : memref<32x80x128xi32, #tpu.memory_space<hbm>> -> memref<1x80x128xi32, #tpu.memory_space<hbm>>
      %dma_wait3A_93 = tpu.memref_squeeze %dma_wait3A_92 : memref<1x80x128xi32, #tpu.memory_space<hbm>> -> memref<80x128xi32, #tpu.memory_space<hbm>>
      %dma_wait3A_94 = arith.constant 0 : i32
      %dma_wait3A_95 = arith.constant 0 : i32
      %dma_wait3A_96 = tpu.memref_slice %arg2[%add3A, %dma_wait3A_94, %dma_wait3A_95] : memref<32x80x128xi32, #tpu.memory_space<hbm>> -> memref<1x80x128xi32, #tpu.memory_space<hbm>>
      %dma_wait3A_97 = tpu.memref_squeeze %dma_wait3A_96 : memref<1x80x128xi32, #tpu.memory_space<hbm>> -> memref<80x128xi32, #tpu.memory_space<hbm>>
      tpu.wait_dma2 semaphore(%run_scoped3A : memref<!tpu.dma_semaphore, #tpu.memory_space<semaphore_mem>>) src(%dma_wait3A_97 : memref<80x128xi32, #tpu.memory_space<hbm>>) dst(%arg4 : memref<80x128xi32, #tpu.memory_space<vmem>>)
      tpu.yield
    }) : () -> ()
    %broadcast_in_dim3A = arith.constant 1.000000e+00 : f32
    %broadcast_in_dim3A_3 = vector.broadcast %broadcast_in_dim3A : f32 to vector<16xf32>
    %broadcast_in_dim3A_4 = arith.constant 0.000000e+00 : f32
    %broadcast_in_dim3A_5 = vector.broadcast %broadcast_in_dim3A_4 : f32 to vector<16xf32>
    %scan3A = arith.constant 0 : i32
    %scan3A_6 = arith.constant 0 : i32
    %scan3A_7 = arith.constant 128 : i32
    %scan3A_8 = arith.addi %scan3A_6, %scan3A_7 : i32
    %scan3A_9 = arith.constant 1 : i32
    scf.for %scan3A_84 = %scan3A_6 to %scan3A_8 step %scan3A_9  : i32 {
      %swap3A = arith.index_cast %scan3A_84 : i32 to index
      %swap3A_85 = arith.constant 0 : index
      %swap3A_86 = tpu.vector_load %arg5[%swap3A, %swap3A_85] {strides = array<i32>} : memref<128x16xf32, #tpu.memory_space<vmem>>, vector<1x16xf32>,
      %swap3A_87 = vector.shape_cast %swap3A_86 : vector<1x16xf32> to vector<16xf32>
      %swap3A_88 = vector.shape_cast %broadcast_in_dim3A_3 : vector<16xf32> to vector<1x16xf32>
      tpu.vector_store %arg5[%swap3A, %swap3A_85], %swap3A_88 {strides = array<i32>} : memref<128x16xf32, #tpu.memory_space<vmem>>, vector<1x16xf32>,
    }
    %scan3A_10 = arith.constant 128 : i32
    %scan3A_11 = arith.constant 0 : i32
    %scan3A_12 = arith.constant 0 : i32
    %scan3A_13 = arith.constant 64 : i32
    %scan3A_14 = arith.addi %scan3A_12, %scan3A_13 : i32
    %scan3A_15 = arith.constant 1 : i32
    scf.for %scan3A_84 = %scan3A_12 to %scan3A_14 step %scan3A_15  : i32 {
      %swap3A = arith.index_cast %scan3A_84 : i32 to index
      %swap3A_85 = arith.constant 0 : index
      %swap3A_86 = tpu.vector_load %arg6[%swap3A, %swap3A_85] {strides = array<i32>} : memref<64x16xf32, #tpu.memory_space<vmem>>, vector<1x16xf32>,
      %swap3A_87 = vector.shape_cast %swap3A_86 : vector<1x16xf32> to vector<16xf32>
      %swap3A_88 = vector.shape_cast %broadcast_in_dim3A_5 : vector<16xf32> to vector<1x16xf32>
      tpu.vector_store %arg6[%swap3A, %swap3A_85], %swap3A_88 {strides = array<i32>} : memref<64x16xf32, #tpu.memory_space<vmem>>, vector<1x16xf32>,
    }
    %scan3A_16 = arith.constant 64 : i32
    %add3A_17 = arith.constant 0 : i32
    %add3A_18 = arith.addi %mul3A_2, %add3A_17 : i32
    "tpu.region"() ({
      %run_scoped3A = tpu.sem_alloc : memref<!tpu.dma_semaphore, #tpu.memory_space<semaphore_mem>>
      %dma_start3A = arith.constant 0 : i32
      %dma_start3A_84 = tpu.memref_slice %arg7[%add3A_18, %dma_start3A] : memref<10240x16xf32, #tpu.memory_space<vmem_shared>> -> memref<64x16xf32, #tpu.memory_space<vmem_shared>>
      %dma_start3A_85 = arith.constant 0 : i32
      %dma_start3A_86 = tpu.memref_slice %arg7[%add3A_18, %dma_start3A_85] : memref<10240x16xf32, #tpu.memory_space<vmem_shared>> -> memref<64x16xf32, #tpu.memory_space<vmem_shared>>
      tpu.enqueue_dma source(%arg6 : memref<64x16xf32, #tpu.memory_space<vmem>>) target(%dma_start3A_86 : memref<64x16xf32, #tpu.memory_space<vmem_shared>>) target_semaphore(%run_scoped3A : memref<!tpu.dma_semaphore, #tpu.memory_space<semaphore_mem>>)
      %dma_wait3A = arith.constant 0 : i32
      %dma_wait3A_87 = tpu.memref_slice %arg7[%add3A_18, %dma_wait3A] : memref<10240x16xf32, #tpu.memory_space<vmem_shared>> -> memref<64x16xf32, #tpu.memory_space<vmem_shared>>
      %dma_wait3A_88 = arith.constant 0 : i32
      %dma_wait3A_89 = tpu.memref_slice %arg7[%add3A_18, %dma_wait3A_88] : memref<10240x16xf32, #tpu.memory_space<vmem_shared>> -> memref<64x16xf32, #tpu.memory_space<vmem_shared>>
      tpu.wait_dma2 semaphore(%run_scoped3A : memref<!tpu.dma_semaphore, #tpu.memory_space<semaphore_mem>>) src(%arg6 : memref<64x16xf32, #tpu.memory_space<vmem>>) dst(%dma_wait3A_89 : memref<64x16xf32, #tpu.memory_space<vmem_shared>>)
      tpu.yield
    }) : () -> ()
    %add3A_19 = arith.constant 64 : i32
    %add3A_20 = arith.addi %mul3A_2, %add3A_19 : i32
    "tpu.region"() ({
      %run_scoped3A = tpu.sem_alloc : memref<!tpu.dma_semaphore, #tpu.memory_space<semaphore_mem>>
      %dma_start3A = arith.constant 0 : i32
      %dma_start3A_84 = tpu.memref_slice %arg7[%add3A_20, %dma_start3A] : memref<10240x16xf32, #tpu.memory_space<vmem_shared>> -> memref<64x16xf32, #tpu.memory_space<vmem_shared>>
      %dma_start3A_85 = arith.constant 0 : i32
      %dma_start3A_86 = tpu.memref_slice %arg7[%add3A_20, %dma_start3A_85] : memref<10240x16xf32, #tpu.memory_space<vmem_shared>> -> memref<64x16xf32, #tpu.memory_space<vmem_shared>>
      tpu.enqueue_dma source(%arg6 : memref<64x16xf32, #tpu.memory_space<vmem>>) target(%dma_start3A_86 : memref<64x16xf32, #tpu.memory_space<vmem_shared>>) target_semaphore(%run_scoped3A : memref<!tpu.dma_semaphore, #tpu.memory_space<semaphore_mem>>)
      %dma_wait3A = arith.constant 0 : i32
      %dma_wait3A_87 = tpu.memref_slice %arg7[%add3A_20, %dma_wait3A] : memref<10240x16xf32, #tpu.memory_space<vmem_shared>> -> memref<64x16xf32, #tpu.memory_space<vmem_shared>>
      %dma_wait3A_88 = arith.constant 0 : i32
      %dma_wait3A_89 = tpu.memref_slice %arg7[%add3A_20, %dma_wait3A_88] : memref<10240x16xf32, #tpu.memory_space<vmem_shared>> -> memref<64x16xf32, #tpu.memory_space<vmem_shared>>
      tpu.wait_dma2 semaphore(%run_scoped3A : memref<!tpu.dma_semaphore, #tpu.memory_space<semaphore_mem>>) src(%arg6 : memref<64x16xf32, #tpu.memory_space<vmem>>) dst(%dma_wait3A_89 : memref<64x16xf32, #tpu.memory_space<vmem_shared>>)
      tpu.yield
    }) : () -> ()
    %add3A_21 = arith.constant 128 : i32
    %add3A_22 = arith.addi %mul3A_2, %add3A_21 : i32
    "tpu.region"() ({
      %run_scoped3A = tpu.sem_alloc : memref<!tpu.dma_semaphore, #tpu.memory_space<semaphore_mem>>
      %dma_start3A = arith.constant 0 : i32
      %dma_start3A_84 = tpu.memref_slice %arg7[%add3A_22, %dma_start3A] : memref<10240x16xf32, #tpu.memory_space<vmem_shared>> -> memref<64x16xf32, #tpu.memory_space<vmem_shared>>
      %dma_start3A_85 = arith.constant 0 : i32
      %dma_start3A_86 = tpu.memref_slice %arg7[%add3A_22, %dma_start3A_85] : memref<10240x16xf32, #tpu.memory_space<vmem_shared>> -> memref<64x16xf32, #tpu.memory_space<vmem_shared>>
      tpu.enqueue_dma source(%arg6 : memref<64x16xf32, #tpu.memory_space<vmem>>) target(%dma_start3A_86 : memref<64x16xf32, #tpu.memory_space<vmem_shared>>) target_semaphore(%run_scoped3A : memref<!tpu.dma_semaphore, #tpu.memory_space<semaphore_mem>>)
      %dma_wait3A = arith.constant 0 : i32
      %dma_wait3A_87 = tpu.memref_slice %arg7[%add3A_22, %dma_wait3A] : memref<10240x16xf32, #tpu.memory_space<vmem_shared>> -> memref<64x16xf32, #tpu.memory_space<vmem_shared>>
      %dma_wait3A_88 = arith.constant 0 : i32
      %dma_wait3A_89 = tpu.memref_slice %arg7[%add3A_22, %dma_wait3A_88] : memref<10240x16xf32, #tpu.memory_space<vmem_shared>> -> memref<64x16xf32, #tpu.memory_space<vmem_shared>>
      tpu.wait_dma2 semaphore(%run_scoped3A : memref<!tpu.dma_semaphore, #tpu.memory_space<semaphore_mem>>) src(%arg6 : memref<64x16xf32, #tpu.memory_space<vmem>>) dst(%dma_wait3A_89 : memref<64x16xf32, #tpu.memory_space<vmem_shared>>)
      tpu.yield
    }) : () -> ()
    %add3A_23 = arith.constant 192 : i32
    %add3A_24 = arith.addi %mul3A_2, %add3A_23 : i32
    "tpu.region"() ({
      %run_scoped3A = tpu.sem_alloc : memref<!tpu.dma_semaphore, #tpu.memory_space<semaphore_mem>>
      %dma_start3A = arith.constant 0 : i32
      %dma_start3A_84 = tpu.memref_slice %arg7[%add3A_24, %dma_start3A] : memref<10240x16xf32, #tpu.memory_space<vmem_shared>> -> memref<64x16xf32, #tpu.memory_space<vmem_shared>>
      %dma_start3A_85 = arith.constant 0 : i32
      %dma_start3A_86 = tpu.memref_slice %arg7[%add3A_24, %dma_start3A_85] : memref<10240x16xf32, #tpu.memory_space<vmem_shared>> -> memref<64x16xf32, #tpu.memory_space<vmem_shared>>
      tpu.enqueue_dma source(%arg6 : memref<64x16xf32, #tpu.memory_space<vmem>>) target(%dma_start3A_86 : memref<64x16xf32, #tpu.memory_space<vmem_shared>>) target_semaphore(%run_scoped3A : memref<!tpu.dma_semaphore, #tpu.memory_space<semaphore_mem>>)
      %dma_wait3A = arith.constant 0 : i32
      %dma_wait3A_87 = tpu.memref_slice %arg7[%add3A_24, %dma_wait3A] : memref<10240x16xf32, #tpu.memory_space<vmem_shared>> -> memref<64x16xf32, #tpu.memory_space<vmem_shared>>
      %dma_wait3A_88 = arith.constant 0 : i32
      %dma_wait3A_89 = tpu.memref_slice %arg7[%add3A_24, %dma_wait3A_88] : memref<10240x16xf32, #tpu.memory_space<vmem_shared>> -> memref<64x16xf32, #tpu.memory_space<vmem_shared>>
      tpu.wait_dma2 semaphore(%run_scoped3A : memref<!tpu.dma_semaphore, #tpu.memory_space<semaphore_mem>>) src(%arg6 : memref<64x16xf32, #tpu.memory_space<vmem>>) dst(%dma_wait3A_89 : memref<64x16xf32, #tpu.memory_space<vmem_shared>>)
      tpu.yield
    }) : () -> ()
    %add3A_25 = arith.constant 256 : i32
    %add3A_26 = arith.addi %mul3A_2, %add3A_25 : i32
    "tpu.region"() ({
      %run_scoped3A = tpu.sem_alloc : memref<!tpu.dma_semaphore, #tpu.memory_space<semaphore_mem>>
      %dma_start3A = arith.constant 0 : i32
      %dma_start3A_84 = tpu.memref_slice %arg7[%add3A_26, %dma_start3A] : memref<10240x16xf32, #tpu.memory_space<vmem_shared>> -> memref<64x16xf32, #tpu.memory_space<vmem_shared>>
      %dma_start3A_85 = arith.constant 0 : i32
      %dma_start3A_86 = tpu.memref_slice %arg7[%add3A_26, %dma_start3A_85] : memref<10240x16xf32, #tpu.memory_space<vmem_shared>> -> memref<64x16xf32, #tpu.memory_space<vmem_shared>>
      tpu.enqueue_dma source(%arg6 : memref<64x16xf32, #tpu.memory_space<vmem>>) target(%dma_start3A_86 : memref<64x16xf32, #tpu.memory_space<vmem_shared>>) target_semaphore(%run_scoped3A : memref<!tpu.dma_semaphore, #tpu.memory_space<semaphore_mem>>)
      %dma_wait3A = arith.constant 0 : i32
      %dma_wait3A_87 = tpu.memref_slice %arg7[%add3A_26, %dma_wait3A] : memref<10240x16xf32, #tpu.memory_space<vmem_shared>> -> memref<64x16xf32, #tpu.memory_space<vmem_shared>>
      %dma_wait3A_88 = arith.constant 0 : i32
      %dma_wait3A_89 = tpu.memref_slice %arg7[%add3A_26, %dma_wait3A_88] : memref<10240x16xf32, #tpu.memory_space<vmem_shared>> -> memref<64x16xf32, #tpu.memory_space<vmem_shared>>
      tpu.wait_dma2 semaphore(%run_scoped3A : memref<!tpu.dma_semaphore, #tpu.memory_space<semaphore_mem>>) src(%arg6 : memref<64x16xf32, #tpu.memory_space<vmem>>) dst(%dma_wait3A_89 : memref<64x16xf32, #tpu.memory_space<vmem_shared>>)
      tpu.yield
    }) : () -> ()
    %add3A_27 = arith.constant 320 : i32
    %add3A_28 = arith.addi %mul3A_2, %add3A_27 : i32
    "tpu.region"() ({
      %run_scoped3A = tpu.sem_alloc : memref<!tpu.dma_semaphore, #tpu.memory_space<semaphore_mem>>
      %dma_start3A = arith.constant 0 : i32
      %dma_start3A_84 = tpu.memref_slice %arg7[%add3A_28, %dma_start3A] : memref<10240x16xf32, #tpu.memory_space<vmem_shared>> -> memref<64x16xf32, #tpu.memory_space<vmem_shared>>
      %dma_start3A_85 = arith.constant 0 : i32
      %dma_start3A_86 = tpu.memref_slice %arg7[%add3A_28, %dma_start3A_85] : memref<10240x16xf32, #tpu.memory_space<vmem_shared>> -> memref<64x16xf32, #tpu.memory_space<vmem_shared>>
      tpu.enqueue_dma source(%arg6 : memref<64x16xf32, #tpu.memory_space<vmem>>) target(%dma_start3A_86 : memref<64x16xf32, #tpu.memory_space<vmem_shared>>) target_semaphore(%run_scoped3A : memref<!tpu.dma_semaphore, #tpu.memory_space<semaphore_mem>>)
      %dma_wait3A = arith.constant 0 : i32
      %dma_wait3A_87 = tpu.memref_slice %arg7[%add3A_28, %dma_wait3A] : memref<10240x16xf32, #tpu.memory_space<vmem_shared>> -> memref<64x16xf32, #tpu.memory_space<vmem_shared>>
      %dma_wait3A_88 = arith.constant 0 : i32
      %dma_wait3A_89 = tpu.memref_slice %arg7[%add3A_28, %dma_wait3A_88] : memref<10240x16xf32, #tpu.memory_space<vmem_shared>> -> memref<64x16xf32, #tpu.memory_space<vmem_shared>>
      tpu.wait_dma2 semaphore(%run_scoped3A : memref<!tpu.dma_semaphore, #tpu.memory_space<semaphore_mem>>) src(%arg6 : memref<64x16xf32, #tpu.memory_space<vmem>>) dst(%dma_wait3A_89 : memref<64x16xf32, #tpu.memory_space<vmem_shared>>)
      tpu.yield
    }) : () -> ()
    %add3A_29 = arith.constant 384 : i32
    %add3A_30 = arith.addi %mul3A_2, %add3A_29 : i32
    "tpu.region"() ({
      %run_scoped3A = tpu.sem_alloc : memref<!tpu.dma_semaphore, #tpu.memory_space<semaphore_mem>>
      %dma_start3A = arith.constant 0 : i32
      %dma_start3A_84 = tpu.memref_slice %arg7[%add3A_30, %dma_start3A] : memref<10240x16xf32, #tpu.memory_space<vmem_shared>> -> memref<64x16xf32, #tpu.memory_space<vmem_shared>>
      %dma_start3A_85 = arith.constant 0 : i32
      %dma_start3A_86 = tpu.memref_slice %arg7[%add3A_30, %dma_start3A_85] : memref<10240x16xf32, #tpu.memory_space<vmem_shared>> -> memref<64x16xf32, #tpu.memory_space<vmem_shared>>
      tpu.enqueue_dma source(%arg6 : memref<64x16xf32, #tpu.memory_space<vmem>>) target(%dma_start3A_86 : memref<64x16xf32, #tpu.memory_space<vmem_shared>>) target_semaphore(%run_scoped3A : memref<!tpu.dma_semaphore, #tpu.memory_space<semaphore_mem>>)
      %dma_wait3A = arith.constant 0 : i32
      %dma_wait3A_87 = tpu.memref_slice %arg7[%add3A_30, %dma_wait3A] : memref<10240x16xf32, #tpu.memory_space<vmem_shared>> -> memref<64x16xf32, #tpu.memory_space<vmem_shared>>
      %dma_wait3A_88 = arith.constant 0 : i32
      %dma_wait3A_89 = tpu.memref_slice %arg7[%add3A_30, %dma_wait3A_88] : memref<10240x16xf32, #tpu.memory_space<vmem_shared>> -> memref<64x16xf32, #tpu.memory_space<vmem_shared>>
      tpu.wait_dma2 semaphore(%run_scoped3A : memref<!tpu.dma_semaphore, #tpu.memory_space<semaphore_mem>>) src(%arg6 : memref<64x16xf32, #tpu.memory_space<vmem>>) dst(%dma_wait3A_89 : memref<64x16xf32, #tpu.memory_space<vmem_shared>>)
      tpu.yield
    }) : () -> ()
    %add3A_31 = arith.constant 448 : i32
    %add3A_32 = arith.addi %mul3A_2, %add3A_31 : i32
    "tpu.region"() ({
      %run_scoped3A = tpu.sem_alloc : memref<!tpu.dma_semaphore, #tpu.memory_space<semaphore_mem>>
      %dma_start3A = arith.constant 0 : i32
      %dma_start3A_84 = tpu.memref_slice %arg7[%add3A_32, %dma_start3A] : memref<10240x16xf32, #tpu.memory_space<vmem_shared>> -> memref<64x16xf32, #tpu.memory_space<vmem_shared>>
      %dma_start3A_85 = arith.constant 0 : i32
      %dma_start3A_86 = tpu.memref_slice %arg7[%add3A_32, %dma_start3A_85] : memref<10240x16xf32, #tpu.memory_space<vmem_shared>> -> memref<64x16xf32, #tpu.memory_space<vmem_shared>>
      tpu.enqueue_dma source(%arg6 : memref<64x16xf32, #tpu.memory_space<vmem>>) target(%dma_start3A_86 : memref<64x16xf32, #tpu.memory_space<vmem_shared>>) target_semaphore(%run_scoped3A : memref<!tpu.dma_semaphore, #tpu.memory_space<semaphore_mem>>)
      %dma_wait3A = arith.constant 0 : i32
      %dma_wait3A_87 = tpu.memref_slice %arg7[%add3A_32, %dma_wait3A] : memref<10240x16xf32, #tpu.memory_space<vmem_shared>> -> memref<64x16xf32, #tpu.memory_space<vmem_shared>>
      %dma_wait3A_88 = arith.constant 0 : i32
      %dma_wait3A_89 = tpu.memref_slice %arg7[%add3A_32, %dma_wait3A_88] : memref<10240x16xf32, #tpu.memory_space<vmem_shared>> -> memref<64x16xf32, #tpu.memory_space<vmem_shared>>
      tpu.wait_dma2 semaphore(%run_scoped3A : memref<!tpu.dma_semaphore, #tpu.memory_space<semaphore_mem>>) src(%arg6 : memref<64x16xf32, #tpu.memory_space<vmem>>) dst(%dma_wait3A_89 : memref<64x16xf32, #tpu.memory_space<vmem_shared>>)
      tpu.yield
    }) : () -> ()
    %add3A_33 = arith.constant 512 : i32
    %add3A_34 = arith.addi %mul3A_2, %add3A_33 : i32
    "tpu.region"() ({
      %run_scoped3A = tpu.sem_alloc : memref<!tpu.dma_semaphore, #tpu.memory_space<semaphore_mem>>
      %dma_start3A = arith.constant 0 : i32
      %dma_start3A_84 = tpu.memref_slice %arg7[%add3A_34, %dma_start3A] : memref<10240x16xf32, #tpu.memory_space<vmem_shared>> -> memref<64x16xf32, #tpu.memory_space<vmem_shared>>
      %dma_start3A_85 = arith.constant 0 : i32
      %dma_start3A_86 = tpu.memref_slice %arg7[%add3A_34, %dma_start3A_85] : memref<10240x16xf32, #tpu.memory_space<vmem_shared>> -> memref<64x16xf32, #tpu.memory_space<vmem_shared>>
      tpu.enqueue_dma source(%arg6 : memref<64x16xf32, #tpu.memory_space<vmem>>) target(%dma_start3A_86 : memref<64x16xf32, #tpu.memory_space<vmem_shared>>) target_semaphore(%run_scoped3A : memref<!tpu.dma_semaphore, #tpu.memory_space<semaphore_mem>>)
      %dma_wait3A = arith.constant 0 : i32
      %dma_wait3A_87 = tpu.memref_slice %arg7[%add3A_34, %dma_wait3A] : memref<10240x16xf32, #tpu.memory_space<vmem_shared>> -> memref<64x16xf32, #tpu.memory_space<vmem_shared>>
      %dma_wait3A_88 = arith.constant 0 : i32
      %dma_wait3A_89 = tpu.memref_slice %arg7[%add3A_34, %dma_wait3A_88] : memref<10240x16xf32, #tpu.memory_space<vmem_shared>> -> memref<64x16xf32, #tpu.memory_space<vmem_shared>>
      tpu.wait_dma2 semaphore(%run_scoped3A : memref<!tpu.dma_semaphore, #tpu.memory_space<semaphore_mem>>) src(%arg6 : memref<64x16xf32, #tpu.memory_space<vmem>>) dst(%dma_wait3A_89 : memref<64x16xf32, #tpu.memory_space<vmem_shared>>)
      tpu.yield
    }) : () -> ()
    %add3A_35 = arith.constant 576 : i32
    %add3A_36 = arith.addi %mul3A_2, %add3A_35 : i32
    "tpu.region"() ({
      %run_scoped3A = tpu.sem_alloc : memref<!tpu.dma_semaphore, #tpu.memory_space<semaphore_mem>>
      %dma_start3A = arith.constant 0 : i32
      %dma_start3A_84 = tpu.memref_slice %arg7[%add3A_36, %dma_start3A] : memref<10240x16xf32, #tpu.memory_space<vmem_shared>> -> memref<64x16xf32, #tpu.memory_space<vmem_shared>>
      %dma_start3A_85 = arith.constant 0 : i32
      %dma_start3A_86 = tpu.memref_slice %arg7[%add3A_36, %dma_start3A_85] : memref<10240x16xf32, #tpu.memory_space<vmem_shared>> -> memref<64x16xf32, #tpu.memory_space<vmem_shared>>
      tpu.enqueue_dma source(%arg6 : memref<64x16xf32, #tpu.memory_space<vmem>>) target(%dma_start3A_86 : memref<64x16xf32, #tpu.memory_space<vmem_shared>>) target_semaphore(%run_scoped3A : memref<!tpu.dma_semaphore, #tpu.memory_space<semaphore_mem>>)
      %dma_wait3A = arith.constant 0 : i32
      %dma_wait3A_87 = tpu.memref_slice %arg7[%add3A_36, %dma_wait3A] : memref<10240x16xf32, #tpu.memory_space<vmem_shared>> -> memref<64x16xf32, #tpu.memory_space<vmem_shared>>
      %dma_wait3A_88 = arith.constant 0 : i32
      %dma_wait3A_89 = tpu.memref_slice %arg7[%add3A_36, %dma_wait3A_88] : memref<10240x16xf32, #tpu.memory_space<vmem_shared>> -> memref<64x16xf32, #tpu.memory_space<vmem_shared>>
      tpu.wait_dma2 semaphore(%run_scoped3A : memref<!tpu.dma_semaphore, #tpu.memory_space<semaphore_mem>>) src(%arg6 : memref<64x16xf32, #tpu.memory_space<vmem>>) dst(%dma_wait3A_89 : memref<64x16xf32, #tpu.memory_space<vmem_shared>>)
      tpu.yield
    }) : () -> ()
    %barrier3A = arith.constant 0 : index
    tpu.barrier barrier_id(%barrier3A)
    %scan3A_37 = arith.constant 0 : i32
    %scan3A_38 = arith.constant 0 : i32
    %scan3A_39 = arith.constant 80 : i32
    %scan3A_40 = arith.addi %scan3A_38, %scan3A_39 : i32
    %scan3A_41 = arith.constant 1 : i32
    scf.for %scan3A_84 = %scan3A_38 to %scan3A_40 step %scan3A_41  : i32 {
      "tpu.region"() ({
        %run_scoped3A = tpu.sem_alloc : memref<!tpu.dma_semaphore, #tpu.memory_space<semaphore_mem>>
        %dma_start3A = arith.constant 0 : i32
        %dma_start3A_85 = tpu.memref_slice %arg4[%scan3A_84, %dma_start3A] : memref<80x128xi32, #tpu.memory_space<vmem>> -> memref<1x128xi32, #tpu.memory_space<vmem>>
        %dma_start3A_86 = tpu.memref_squeeze %dma_start3A_85 : memref<1x128xi32, #tpu.memory_space<vmem>> -> memref<128xi32, #tpu.memory_space<vmem>>
        %dma_start3A_87 = arith.constant 0 : i32
        %dma_start3A_88 = arith.constant 0 : i32
        %dma_start3A_89 = tpu.memref_slice %arg7[%dma_start3A_87, %dma_start3A_88] : memref<10240x16xf32, #tpu.memory_space<vmem_shared>> -> memref<10240x16xf32, #tpu.memory_space<vmem_shared>>
        tpu.enqueue_indirect_dma source(%arg5 : memref<128x16xf32, #tpu.memory_space<vmem>>) target(%dma_start3A_89 : memref<10240x16xf32, #tpu.memory_space<vmem_shared>>) offsets(%dma_start3A_86 : memref<128xi32, #tpu.memory_space<vmem>>) semaphore(%run_scoped3A : memref<!tpu.dma_semaphore, #tpu.memory_space<semaphore_mem>>) {add = true}
        %dma_wait3A = arith.constant 0 : i32
        %dma_wait3A_90 = tpu.memref_slice %arg4[%scan3A_84, %dma_wait3A] : memref<80x128xi32, #tpu.memory_space<vmem>> -> memref<1x128xi32, #tpu.memory_space<vmem>>
        %dma_wait3A_91 = tpu.memref_squeeze %dma_wait3A_90 : memref<1x128xi32, #tpu.memory_space<vmem>> -> memref<128xi32, #tpu.memory_space<vmem>>
        %dma_wait3A_92 = arith.constant 0 : i32
        %dma_wait3A_93 = arith.constant 0 : i32
        %dma_wait3A_94 = tpu.memref_slice %arg7[%dma_wait3A_92, %dma_wait3A_93] : memref<10240x16xf32, #tpu.memory_space<vmem_shared>> -> memref<10240x16xf32, #tpu.memory_space<vmem_shared>>
        tpu.wait_indirect_dma semaphore(%run_scoped3A : memref<!tpu.dma_semaphore, #tpu.memory_space<semaphore_mem>>) src(%arg5 : memref<128x16xf32, #tpu.memory_space<vmem>>) dst(%dma_wait3A_94 : memref<10240x16xf32, #tpu.memory_space<vmem_shared>>)
        tpu.yield
      }) : () -> ()
    }
    %scan3A_42 = arith.constant 80 : i32
    %barrier3A_43 = arith.constant 0 : index
    tpu.barrier barrier_id(%barrier3A_43)
    %add3A_44 = arith.constant 0 : i32
    %add3A_45 = arith.addi %mul3A_2, %add3A_44 : i32
    "tpu.region"() ({
      %run_scoped3A = tpu.sem_alloc : memref<!tpu.dma_semaphore, #tpu.memory_space<semaphore_mem>>
      %dma_start3A = arith.constant 0 : i32
      %dma_start3A_84 = tpu.memref_slice %arg7[%add3A_45, %dma_start3A] : memref<10240x16xf32, #tpu.memory_space<vmem_shared>> -> memref<64x16xf32, #tpu.memory_space<vmem_shared>>
      %dma_start3A_85 = arith.constant 0 : i32
      %dma_start3A_86 = tpu.memref_slice %arg7[%add3A_45, %dma_start3A_85] : memref<10240x16xf32, #tpu.memory_space<vmem_shared>> -> memref<64x16xf32, #tpu.memory_space<vmem_shared>>
      tpu.enqueue_dma source(%dma_start3A_86 : memref<64x16xf32, #tpu.memory_space<vmem_shared>>) target(%arg6 : memref<64x16xf32, #tpu.memory_space<vmem>>) target_semaphore(%run_scoped3A : memref<!tpu.dma_semaphore, #tpu.memory_space<semaphore_mem>>)
      %dma_wait3A = arith.constant 0 : i32
      %dma_wait3A_87 = tpu.memref_slice %arg7[%add3A_45, %dma_wait3A] : memref<10240x16xf32, #tpu.memory_space<vmem_shared>> -> memref<64x16xf32, #tpu.memory_space<vmem_shared>>
      %dma_wait3A_88 = arith.constant 0 : i32
      %dma_wait3A_89 = tpu.memref_slice %arg7[%add3A_45, %dma_wait3A_88] : memref<10240x16xf32, #tpu.memory_space<vmem_shared>> -> memref<64x16xf32, #tpu.memory_space<vmem_shared>>
      tpu.wait_dma2 semaphore(%run_scoped3A : memref<!tpu.dma_semaphore, #tpu.memory_space<semaphore_mem>>) src(%dma_wait3A_89 : memref<64x16xf32, #tpu.memory_space<vmem_shared>>) dst(%arg6 : memref<64x16xf32, #tpu.memory_space<vmem>>)
      tpu.yield
    }) : () -> ()
    %add3A_46 = arith.constant 0 : i32
    %add3A_47 = arith.addi %mul3A_2, %add3A_46 : i32
    "tpu.region"() ({
      %run_scoped3A = tpu.sem_alloc : memref<!tpu.dma_semaphore, #tpu.memory_space<semaphore_mem>>
      %dma_start3A = arith.constant 0 : i32
      %dma_start3A_84 = tpu.memref_slice %arg3[%arg0, %add3A_47, %dma_start3A] : memref<2x10240x16xf32, #tpu.memory_space<hbm>> -> memref<1x64x16xf32, #tpu.memory_space<hbm>>
      %dma_start3A_85 = tpu.memref_squeeze %dma_start3A_84 : memref<1x64x16xf32, #tpu.memory_space<hbm>> -> memref<64x16xf32, #tpu.memory_space<hbm>>
      %dma_start3A_86 = arith.constant 0 : i32
      %dma_start3A_87 = tpu.memref_slice %arg3[%arg0, %add3A_47, %dma_start3A_86] : memref<2x10240x16xf32, #tpu.memory_space<hbm>> -> memref<1x64x16xf32, #tpu.memory_space<hbm>>
      %dma_start3A_88 = tpu.memref_squeeze %dma_start3A_87 : memref<1x64x16xf32, #tpu.memory_space<hbm>> -> memref<64x16xf32, #tpu.memory_space<hbm>>
      tpu.enqueue_dma source(%arg6 : memref<64x16xf32, #tpu.memory_space<vmem>>) target(%dma_start3A_88 : memref<64x16xf32, #tpu.memory_space<hbm>>) target_semaphore(%run_scoped3A : memref<!tpu.dma_semaphore, #tpu.memory_space<semaphore_mem>>)
      %dma_wait3A = arith.constant 0 : i32
      %dma_wait3A_89 = tpu.memref_slice %arg3[%arg0, %add3A_47, %dma_wait3A] : memref<2x10240x16xf32, #tpu.memory_space<hbm>> -> memref<1x64x16xf32, #tpu.memory_space<hbm>>
      %dma_wait3A_90 = tpu.memref_squeeze %dma_wait3A_89 : memref<1x64x16xf32, #tpu.memory_space<hbm>> -> memref<64x16xf32, #tpu.memory_space<hbm>>
      %dma_wait3A_91 = arith.constant 0 : i32
      %dma_wait3A_92 = tpu.memref_slice %arg3[%arg0, %add3A_47, %dma_wait3A_91] : memref<2x10240x16xf32, #tpu.memory_space<hbm>> -> memref<1x64x16xf32, #tpu.memory_space<hbm>>
      %dma_wait3A_93 = tpu.memref_squeeze %dma_wait3A_92 : memref<1x64x16xf32, #tpu.memory_space<hbm>> -> memref<64x16xf32, #tpu.memory_space<hbm>>
      tpu.wait_dma2 semaphore(%run_scoped3A : memref<!tpu.dma_semaphore, #tpu.memory_space<semaphore_mem>>) src(%arg6 : memref<64x16xf32, #tpu.memory_space<vmem>>) dst(%dma_wait3A_93 : memref<64x16xf32, #tpu.memory_space<hbm>>)
      tpu.yield
    }) : () -> ()
    %add3A_48 = arith.constant 64 : i32
    %add3A_49 = arith.addi %mul3A_2, %add3A_48 : i32
    "tpu.region"() ({
      %run_scoped3A = tpu.sem_alloc : memref<!tpu.dma_semaphore, #tpu.memory_space<semaphore_mem>>
      %dma_start3A = arith.constant 0 : i32
      %dma_start3A_84 = tpu.memref_slice %arg7[%add3A_49, %dma_start3A] : memref<10240x16xf32, #tpu.memory_space<vmem_shared>> -> memref<64x16xf32, #tpu.memory_space<vmem_shared>>
      %dma_start3A_85 = arith.constant 0 : i32
      %dma_start3A_86 = tpu.memref_slice %arg7[%add3A_49, %dma_start3A_85] : memref<10240x16xf32, #tpu.memory_space<vmem_shared>> -> memref<64x16xf32, #tpu.memory_space<vmem_shared>>
      tpu.enqueue_dma source(%dma_start3A_86 : memref<64x16xf32, #tpu.memory_space<vmem_shared>>) target(%arg6 : memref<64x16xf32, #tpu.memory_space<vmem>>) target_semaphore(%run_scoped3A : memref<!tpu.dma_semaphore, #tpu.memory_space<semaphore_mem>>)
      %dma_wait3A = arith.constant 0 : i32
      %dma_wait3A_87 = tpu.memref_slice %arg7[%add3A_49, %dma_wait3A] : memref<10240x16xf32, #tpu.memory_space<vmem_shared>> -> memref<64x16xf32, #tpu.memory_space<vmem_shared>>
      %dma_wait3A_88 = arith.constant 0 : i32
      %dma_wait3A_89 = tpu.memref_slice %arg7[%add3A_49, %dma_wait3A_88] : memref<10240x16xf32, #tpu.memory_space<vmem_shared>> -> memref<64x16xf32, #tpu.memory_space<vmem_shared>>
      tpu.wait_dma2 semaphore(%run_scoped3A : memref<!tpu.dma_semaphore, #tpu.memory_space<semaphore_mem>>) src(%dma_wait3A_89 : memref<64x16xf32, #tpu.memory_space<vmem_shared>>) dst(%arg6 : memref<64x16xf32, #tpu.memory_space<vmem>>)
      tpu.yield
    }) : () -> ()
    %add3A_50 = arith.constant 64 : i32
    %add3A_51 = arith.addi %mul3A_2, %add3A_50 : i32
    "tpu.region"() ({
      %run_scoped3A = tpu.sem_alloc : memref<!tpu.dma_semaphore, #tpu.memory_space<semaphore_mem>>
      %dma_start3A = arith.constant 0 : i32
      %dma_start3A_84 = tpu.memref_slice %arg3[%arg0, %add3A_51, %dma_start3A] : memref<2x10240x16xf32, #tpu.memory_space<hbm>> -> memref<1x64x16xf32, #tpu.memory_space<hbm>>
      %dma_start3A_85 = tpu.memref_squeeze %dma_start3A_84 : memref<1x64x16xf32, #tpu.memory_space<hbm>> -> memref<64x16xf32, #tpu.memory_space<hbm>>
      %dma_start3A_86 = arith.constant 0 : i32
      %dma_start3A_87 = tpu.memref_slice %arg3[%arg0, %add3A_51, %dma_start3A_86] : memref<2x10240x16xf32, #tpu.memory_space<hbm>> -> memref<1x64x16xf32, #tpu.memory_space<hbm>>
      %dma_start3A_88 = tpu.memref_squeeze %dma_start3A_87 : memref<1x64x16xf32, #tpu.memory_space<hbm>> -> memref<64x16xf32, #tpu.memory_space<hbm>>
      tpu.enqueue_dma source(%arg6 : memref<64x16xf32, #tpu.memory_space<vmem>>) target(%dma_start3A_88 : memref<64x16xf32, #tpu.memory_space<hbm>>) target_semaphore(%run_scoped3A : memref<!tpu.dma_semaphore, #tpu.memory_space<semaphore_mem>>)
      %dma_wait3A = arith.constant 0 : i32
      %dma_wait3A_89 = tpu.memref_slice %arg3[%arg0, %add3A_51, %dma_wait3A] : memref<2x10240x16xf32, #tpu.memory_space<hbm>> -> memref<1x64x16xf32, #tpu.memory_space<hbm>>
      %dma_wait3A_90 = tpu.memref_squeeze %dma_wait3A_89 : memref<1x64x16xf32, #tpu.memory_space<hbm>> -> memref<64x16xf32, #tpu.memory_space<hbm>>
      %dma_wait3A_91 = arith.constant 0 : i32
      %dma_wait3A_92 = tpu.memref_slice %arg3[%arg0, %add3A_51, %dma_wait3A_91] : memref<2x10240x16xf32, #tpu.memory_space<hbm>> -> memref<1x64x16xf32, #tpu.memory_space<hbm>>
      %dma_wait3A_93 = tpu.memref_squeeze %dma_wait3A_92 : memref<1x64x16xf32, #tpu.memory_space<hbm>> -> memref<64x16xf32, #tpu.memory_space<hbm>>
      tpu.wait_dma2 semaphore(%run_scoped3A : memref<!tpu.dma_semaphore, #tpu.memory_space<semaphore_mem>>) src(%arg6 : memref<64x16xf32, #tpu.memory_space<vmem>>) dst(%dma_wait3A_93 : memref<64x16xf32, #tpu.memory_space<hbm>>)
      tpu.yield
    }) : () -> ()
    %add3A_52 = arith.constant 128 : i32
    %add3A_53 = arith.addi %mul3A_2, %add3A_52 : i32
    "tpu.region"() ({
      %run_scoped3A = tpu.sem_alloc : memref<!tpu.dma_semaphore, #tpu.memory_space<semaphore_mem>>
      %dma_start3A = arith.constant 0 : i32
      %dma_start3A_84 = tpu.memref_slice %arg7[%add3A_53, %dma_start3A] : memref<10240x16xf32, #tpu.memory_space<vmem_shared>> -> memref<64x16xf32, #tpu.memory_space<vmem_shared>>
      %dma_start3A_85 = arith.constant 0 : i32
      %dma_start3A_86 = tpu.memref_slice %arg7[%add3A_53, %dma_start3A_85] : memref<10240x16xf32, #tpu.memory_space<vmem_shared>> -> memref<64x16xf32, #tpu.memory_space<vmem_shared>>
      tpu.enqueue_dma source(%dma_start3A_86 : memref<64x16xf32, #tpu.memory_space<vmem_shared>>) target(%arg6 : memref<64x16xf32, #tpu.memory_space<vmem>>) target_semaphore(%run_scoped3A : memref<!tpu.dma_semaphore, #tpu.memory_space<semaphore_mem>>)
      %dma_wait3A = arith.constant 0 : i32
      %dma_wait3A_87 = tpu.memref_slice %arg7[%add3A_53, %dma_wait3A] : memref<10240x16xf32, #tpu.memory_space<vmem_shared>> -> memref<64x16xf32, #tpu.memory_space<vmem_shared>>
      %dma_wait3A_88 = arith.constant 0 : i32
      %dma_wait3A_89 = tpu.memref_slice %arg7[%add3A_53, %dma_wait3A_88] : memref<10240x16xf32, #tpu.memory_space<vmem_shared>> -> memref<64x16xf32, #tpu.memory_space<vmem_shared>>
      tpu.wait_dma2 semaphore(%run_scoped3A : memref<!tpu.dma_semaphore, #tpu.memory_space<semaphore_mem>>) src(%dma_wait3A_89 : memref<64x16xf32, #tpu.memory_space<vmem_shared>>) dst(%arg6 : memref<64x16xf32, #tpu.memory_space<vmem>>)
      tpu.yield
    }) : () -> ()
    %add3A_54 = arith.constant 128 : i32
    %add3A_55 = arith.addi %mul3A_2, %add3A_54 : i32
    "tpu.region"() ({
      %run_scoped3A = tpu.sem_alloc : memref<!tpu.dma_semaphore, #tpu.memory_space<semaphore_mem>>
      %dma_start3A = arith.constant 0 : i32
      %dma_start3A_84 = tpu.memref_slice %arg3[%arg0, %add3A_55, %dma_start3A] : memref<2x10240x16xf32, #tpu.memory_space<hbm>> -> memref<1x64x16xf32, #tpu.memory_space<hbm>>
      %dma_start3A_85 = tpu.memref_squeeze %dma_start3A_84 : memref<1x64x16xf32, #tpu.memory_space<hbm>> -> memref<64x16xf32, #tpu.memory_space<hbm>>
      %dma_start3A_86 = arith.constant 0 : i32
      %dma_start3A_87 = tpu.memref_slice %arg3[%arg0, %add3A_55, %dma_start3A_86] : memref<2x10240x16xf32, #tpu.memory_space<hbm>> -> memref<1x64x16xf32, #tpu.memory_space<hbm>>
      %dma_start3A_88 = tpu.memref_squeeze %dma_start3A_87 : memref<1x64x16xf32, #tpu.memory_space<hbm>> -> memref<64x16xf32, #tpu.memory_space<hbm>>
      tpu.enqueue_dma source(%arg6 : memref<64x16xf32, #tpu.memory_space<vmem>>) target(%dma_start3A_88 : memref<64x16xf32, #tpu.memory_space<hbm>>) target_semaphore(%run_scoped3A : memref<!tpu.dma_semaphore, #tpu.memory_space<semaphore_mem>>)
      %dma_wait3A = arith.constant 0 : i32
      %dma_wait3A_89 = tpu.memref_slice %arg3[%arg0, %add3A_55, %dma_wait3A] : memref<2x10240x16xf32, #tpu.memory_space<hbm>> -> memref<1x64x16xf32, #tpu.memory_space<hbm>>
      %dma_wait3A_90 = tpu.memref_squeeze %dma_wait3A_89 : memref<1x64x16xf32, #tpu.memory_space<hbm>> -> memref<64x16xf32, #tpu.memory_space<hbm>>
      %dma_wait3A_91 = arith.constant 0 : i32
      %dma_wait3A_92 = tpu.memref_slice %arg3[%arg0, %add3A_55, %dma_wait3A_91] : memref<2x10240x16xf32, #tpu.memory_space<hbm>> -> memref<1x64x16xf32, #tpu.memory_space<hbm>>
      %dma_wait3A_93 = tpu.memref_squeeze %dma_wait3A_92 : memref<1x64x16xf32, #tpu.memory_space<hbm>> -> memref<64x16xf32, #tpu.memory_space<hbm>>
      tpu.wait_dma2 semaphore(%run_scoped3A : memref<!tpu.dma_semaphore, #tpu.memory_space<semaphore_mem>>) src(%arg6 : memref<64x16xf32, #tpu.memory_space<vmem>>) dst(%dma_wait3A_93 : memref<64x16xf32, #tpu.memory_space<hbm>>)
      tpu.yield
    }) : () -> ()
    %add3A_56 = arith.constant 192 : i32
    %add3A_57 = arith.addi %mul3A_2, %add3A_56 : i32
    "tpu.region"() ({
      %run_scoped3A = tpu.sem_alloc : memref<!tpu.dma_semaphore, #tpu.memory_space<semaphore_mem>>
      %dma_start3A = arith.constant 0 : i32
      %dma_start3A_84 = tpu.memref_slice %arg7[%add3A_57, %dma_start3A] : memref<10240x16xf32, #tpu.memory_space<vmem_shared>> -> memref<64x16xf32, #tpu.memory_space<vmem_shared>>
      %dma_start3A_85 = arith.constant 0 : i32
      %dma_start3A_86 = tpu.memref_slice %arg7[%add3A_57, %dma_start3A_85] : memref<10240x16xf32, #tpu.memory_space<vmem_shared>> -> memref<64x16xf32, #tpu.memory_space<vmem_shared>>
      tpu.enqueue_dma source(%dma_start3A_86 : memref<64x16xf32, #tpu.memory_space<vmem_shared>>) target(%arg6 : memref<64x16xf32, #tpu.memory_space<vmem>>) target_semaphore(%run_scoped3A : memref<!tpu.dma_semaphore, #tpu.memory_space<semaphore_mem>>)
      %dma_wait3A = arith.constant 0 : i32
      %dma_wait3A_87 = tpu.memref_slice %arg7[%add3A_57, %dma_wait3A] : memref<10240x16xf32, #tpu.memory_space<vmem_shared>> -> memref<64x16xf32, #tpu.memory_space<vmem_shared>>
      %dma_wait3A_88 = arith.constant 0 : i32
      %dma_wait3A_89 = tpu.memref_slice %arg7[%add3A_57, %dma_wait3A_88] : memref<10240x16xf32, #tpu.memory_space<vmem_shared>> -> memref<64x16xf32, #tpu.memory_space<vmem_shared>>
      tpu.wait_dma2 semaphore(%run_scoped3A : memref<!tpu.dma_semaphore, #tpu.memory_space<semaphore_mem>>) src(%dma_wait3A_89 : memref<64x16xf32, #tpu.memory_space<vmem_shared>>) dst(%arg6 : memref<64x16xf32, #tpu.memory_space<vmem>>)
      tpu.yield
    }) : () -> ()
    %add3A_58 = arith.constant 192 : i32
    %add3A_59 = arith.addi %mul3A_2, %add3A_58 : i32
    "tpu.region"() ({
      %run_scoped3A = tpu.sem_alloc : memref<!tpu.dma_semaphore, #tpu.memory_space<semaphore_mem>>
      %dma_start3A = arith.constant 0 : i32
      %dma_start3A_84 = tpu.memref_slice %arg3[%arg0, %add3A_59, %dma_start3A] : memref<2x10240x16xf32, #tpu.memory_space<hbm>> -> memref<1x64x16xf32, #tpu.memory_space<hbm>>
      %dma_start3A_85 = tpu.memref_squeeze %dma_start3A_84 : memref<1x64x16xf32, #tpu.memory_space<hbm>> -> memref<64x16xf32, #tpu.memory_space<hbm>>
      %dma_start3A_86 = arith.constant 0 : i32
      %dma_start3A_87 = tpu.memref_slice %arg3[%arg0, %add3A_59, %dma_start3A_86] : memref<2x10240x16xf32, #tpu.memory_space<hbm>> -> memref<1x64x16xf32, #tpu.memory_space<hbm>>
      %dma_start3A_88 = tpu.memref_squeeze %dma_start3A_87 : memref<1x64x16xf32, #tpu.memory_space<hbm>> -> memref<64x16xf32, #tpu.memory_space<hbm>>
      tpu.enqueue_dma source(%arg6 : memref<64x16xf32, #tpu.memory_space<vmem>>) target(%dma_start3A_88 : memref<64x16xf32, #tpu.memory_space<hbm>>) target_semaphore(%run_scoped3A : memref<!tpu.dma_semaphore, #tpu.memory_space<semaphore_mem>>)
      %dma_wait3A = arith.constant 0 : i32
      %dma_wait3A_89 = tpu.memref_slice %arg3[%arg0, %add3A_59, %dma_wait3A] : memref<2x10240x16xf32, #tpu.memory_space<hbm>> -> memref<1x64x16xf32, #tpu.memory_space<hbm>>
      %dma_wait3A_90 = tpu.memref_squeeze %dma_wait3A_89 : memref<1x64x16xf32, #tpu.memory_space<hbm>> -> memref<64x16xf32, #tpu.memory_space<hbm>>
      %dma_wait3A_91 = arith.constant 0 : i32
      %dma_wait3A_92 = tpu.memref_slice %arg3[%arg0, %add3A_59, %dma_wait3A_91] : memref<2x10240x16xf32, #tpu.memory_space<hbm>> -> memref<1x64x16xf32, #tpu.memory_space<hbm>>
      %dma_wait3A_93 = tpu.memref_squeeze %dma_wait3A_92 : memref<1x64x16xf32, #tpu.memory_space<hbm>> -> memref<64x16xf32, #tpu.memory_space<hbm>>
      tpu.wait_dma2 semaphore(%run_scoped3A : memref<!tpu.dma_semaphore, #tpu.memory_space<semaphore_mem>>) src(%arg6 : memref<64x16xf32, #tpu.memory_space<vmem>>) dst(%dma_wait3A_93 : memref<64x16xf32, #tpu.memory_space<hbm>>)
      tpu.yield
    }) : () -> ()
    %add3A_60 = arith.constant 256 : i32
    %add3A_61 = arith.addi %mul3A_2, %add3A_60 : i32
    "tpu.region"() ({
      %run_scoped3A = tpu.sem_alloc : memref<!tpu.dma_semaphore, #tpu.memory_space<semaphore_mem>>
      %dma_start3A = arith.constant 0 : i32
      %dma_start3A_84 = tpu.memref_slice %arg7[%add3A_61, %dma_start3A] : memref<10240x16xf32, #tpu.memory_space<vmem_shared>> -> memref<64x16xf32, #tpu.memory_space<vmem_shared>>
      %dma_start3A_85 = arith.constant 0 : i32
      %dma_start3A_86 = tpu.memref_slice %arg7[%add3A_61, %dma_start3A_85] : memref<10240x16xf32, #tpu.memory_space<vmem_shared>> -> memref<64x16xf32, #tpu.memory_space<vmem_shared>>
      tpu.enqueue_dma source(%dma_start3A_86 : memref<64x16xf32, #tpu.memory_space<vmem_shared>>) target(%arg6 : memref<64x16xf32, #tpu.memory_space<vmem>>) target_semaphore(%run_scoped3A : memref<!tpu.dma_semaphore, #tpu.memory_space<semaphore_mem>>)
      %dma_wait3A = arith.constant 0 : i32
      %dma_wait3A_87 = tpu.memref_slice %arg7[%add3A_61, %dma_wait3A] : memref<10240x16xf32, #tpu.memory_space<vmem_shared>> -> memref<64x16xf32, #tpu.memory_space<vmem_shared>>
      %dma_wait3A_88 = arith.constant 0 : i32
      %dma_wait3A_89 = tpu.memref_slice %arg7[%add3A_61, %dma_wait3A_88] : memref<10240x16xf32, #tpu.memory_space<vmem_shared>> -> memref<64x16xf32, #tpu.memory_space<vmem_shared>>
      tpu.wait_dma2 semaphore(%run_scoped3A : memref<!tpu.dma_semaphore, #tpu.memory_space<semaphore_mem>>) src(%dma_wait3A_89 : memref<64x16xf32, #tpu.memory_space<vmem_shared>>) dst(%arg6 : memref<64x16xf32, #tpu.memory_space<vmem>>)
      tpu.yield
    }) : () -> ()
    %add3A_62 = arith.constant 256 : i32
    %add3A_63 = arith.addi %mul3A_2, %add3A_62 : i32
    "tpu.region"() ({
      %run_scoped3A = tpu.sem_alloc : memref<!tpu.dma_semaphore, #tpu.memory_space<semaphore_mem>>
      %dma_start3A = arith.constant 0 : i32
      %dma_start3A_84 = tpu.memref_slice %arg3[%arg0, %add3A_63, %dma_start3A] : memref<2x10240x16xf32, #tpu.memory_space<hbm>> -> memref<1x64x16xf32, #tpu.memory_space<hbm>>
      %dma_start3A_85 = tpu.memref_squeeze %dma_start3A_84 : memref<1x64x16xf32, #tpu.memory_space<hbm>> -> memref<64x16xf32, #tpu.memory_space<hbm>>
      %dma_start3A_86 = arith.constant 0 : i32
      %dma_start3A_87 = tpu.memref_slice %arg3[%arg0, %add3A_63, %dma_start3A_86] : memref<2x10240x16xf32, #tpu.memory_space<hbm>> -> memref<1x64x16xf32, #tpu.memory_space<hbm>>
      %dma_start3A_88 = tpu.memref_squeeze %dma_start3A_87 : memref<1x64x16xf32, #tpu.memory_space<hbm>> -> memref<64x16xf32, #tpu.memory_space<hbm>>
      tpu.enqueue_dma source(%arg6 : memref<64x16xf32, #tpu.memory_space<vmem>>) target(%dma_start3A_88 : memref<64x16xf32, #tpu.memory_space<hbm>>) target_semaphore(%run_scoped3A : memref<!tpu.dma_semaphore, #tpu.memory_space<semaphore_mem>>)
      %dma_wait3A = arith.constant 0 : i32
      %dma_wait3A_89 = tpu.memref_slice %arg3[%arg0, %add3A_63, %dma_wait3A] : memref<2x10240x16xf32, #tpu.memory_space<hbm>> -> memref<1x64x16xf32, #tpu.memory_space<hbm>>
      %dma_wait3A_90 = tpu.memref_squeeze %dma_wait3A_89 : memref<1x64x16xf32, #tpu.memory_space<hbm>> -> memref<64x16xf32, #tpu.memory_space<hbm>>
      %dma_wait3A_91 = arith.constant 0 : i32
      %dma_wait3A_92 = tpu.memref_slice %arg3[%arg0, %add3A_63, %dma_wait3A_91] : memref<2x10240x16xf32, #tpu.memory_space<hbm>> -> memref<1x64x16xf32, #tpu.memory_space<hbm>>
      %dma_wait3A_93 = tpu.memref_squeeze %dma_wait3A_92 : memref<1x64x16xf32, #tpu.memory_space<hbm>> -> memref<64x16xf32, #tpu.memory_space<hbm>>
      tpu.wait_dma2 semaphore(%run_scoped3A : memref<!tpu.dma_semaphore, #tpu.memory_space<semaphore_mem>>) src(%arg6 : memref<64x16xf32, #tpu.memory_space<vmem>>) dst(%dma_wait3A_93 : memref<64x16xf32, #tpu.memory_space<hbm>>)
      tpu.yield
    }) : () -> ()
    %add3A_64 = arith.constant 320 : i32
    %add3A_65 = arith.addi %mul3A_2, %add3A_64 : i32
    "tpu.region"() ({
      %run_scoped3A = tpu.sem_alloc : memref<!tpu.dma_semaphore, #tpu.memory_space<semaphore_mem>>
      %dma_start3A = arith.constant 0 : i32
      %dma_start3A_84 = tpu.memref_slice %arg7[%add3A_65, %dma_start3A] : memref<10240x16xf32, #tpu.memory_space<vmem_shared>> -> memref<64x16xf32, #tpu.memory_space<vmem_shared>>
      %dma_start3A_85 = arith.constant 0 : i32
      %dma_start3A_86 = tpu.memref_slice %arg7[%add3A_65, %dma_start3A_85] : memref<10240x16xf32, #tpu.memory_space<vmem_shared>> -> memref<64x16xf32, #tpu.memory_space<vmem_shared>>
      tpu.enqueue_dma source(%dma_start3A_86 : memref<64x16xf32, #tpu.memory_space<vmem_shared>>) target(%arg6 : memref<64x16xf32, #tpu.memory_space<vmem>>) target_semaphore(%run_scoped3A : memref<!tpu.dma_semaphore, #tpu.memory_space<semaphore_mem>>)
      %dma_wait3A = arith.constant 0 : i32
      %dma_wait3A_87 = tpu.memref_slice %arg7[%add3A_65, %dma_wait3A] : memref<10240x16xf32, #tpu.memory_space<vmem_shared>> -> memref<64x16xf32, #tpu.memory_space<vmem_shared>>
      %dma_wait3A_88 = arith.constant 0 : i32
      %dma_wait3A_89 = tpu.memref_slice %arg7[%add3A_65, %dma_wait3A_88] : memref<10240x16xf32, #tpu.memory_space<vmem_shared>> -> memref<64x16xf32, #tpu.memory_space<vmem_shared>>
      tpu.wait_dma2 semaphore(%run_scoped3A : memref<!tpu.dma_semaphore, #tpu.memory_space<semaphore_mem>>) src(%dma_wait3A_89 : memref<64x16xf32, #tpu.memory_space<vmem_shared>>) dst(%arg6 : memref<64x16xf32, #tpu.memory_space<vmem>>)
      tpu.yield
    }) : () -> ()
    %add3A_66 = arith.constant 320 : i32
    %add3A_67 = arith.addi %mul3A_2, %add3A_66 : i32
    "tpu.region"() ({
      %run_scoped3A = tpu.sem_alloc : memref<!tpu.dma_semaphore, #tpu.memory_space<semaphore_mem>>
      %dma_start3A = arith.constant 0 : i32
      %dma_start3A_84 = tpu.memref_slice %arg3[%arg0, %add3A_67, %dma_start3A] : memref<2x10240x16xf32, #tpu.memory_space<hbm>> -> memref<1x64x16xf32, #tpu.memory_space<hbm>>
      %dma_start3A_85 = tpu.memref_squeeze %dma_start3A_84 : memref<1x64x16xf32, #tpu.memory_space<hbm>> -> memref<64x16xf32, #tpu.memory_space<hbm>>
      %dma_start3A_86 = arith.constant 0 : i32
      %dma_start3A_87 = tpu.memref_slice %arg3[%arg0, %add3A_67, %dma_start3A_86] : memref<2x10240x16xf32, #tpu.memory_space<hbm>> -> memref<1x64x16xf32, #tpu.memory_space<hbm>>
      %dma_start3A_88 = tpu.memref_squeeze %dma_start3A_87 : memref<1x64x16xf32, #tpu.memory_space<hbm>> -> memref<64x16xf32, #tpu.memory_space<hbm>>
      tpu.enqueue_dma source(%arg6 : memref<64x16xf32, #tpu.memory_space<vmem>>) target(%dma_start3A_88 : memref<64x16xf32, #tpu.memory_space<hbm>>) target_semaphore(%run_scoped3A : memref<!tpu.dma_semaphore, #tpu.memory_space<semaphore_mem>>)
      %dma_wait3A = arith.constant 0 : i32
      %dma_wait3A_89 = tpu.memref_slice %arg3[%arg0, %add3A_67, %dma_wait3A] : memref<2x10240x16xf32, #tpu.memory_space<hbm>> -> memref<1x64x16xf32, #tpu.memory_space<hbm>>
      %dma_wait3A_90 = tpu.memref_squeeze %dma_wait3A_89 : memref<1x64x16xf32, #tpu.memory_space<hbm>> -> memref<64x16xf32, #tpu.memory_space<hbm>>
      %dma_wait3A_91 = arith.constant 0 : i32
      %dma_wait3A_92 = tpu.memref_slice %arg3[%arg0, %add3A_67, %dma_wait3A_91] : memref<2x10240x16xf32, #tpu.memory_space<hbm>> -> memref<1x64x16xf32, #tpu.memory_space<hbm>>
      %dma_wait3A_93 = tpu.memref_squeeze %dma_wait3A_92 : memref<1x64x16xf32, #tpu.memory_space<hbm>> -> memref<64x16xf32, #tpu.memory_space<hbm>>
      tpu.wait_dma2 semaphore(%run_scoped3A : memref<!tpu.dma_semaphore, #tpu.memory_space<semaphore_mem>>) src(%arg6 : memref<64x16xf32, #tpu.memory_space<vmem>>) dst(%dma_wait3A_93 : memref<64x16xf32, #tpu.memory_space<hbm>>)
      tpu.yield
    }) : () -> ()
    %add3A_68 = arith.constant 384 : i32
    %add3A_69 = arith.addi %mul3A_2, %add3A_68 : i32
    "tpu.region"() ({
      %run_scoped3A = tpu.sem_alloc : memref<!tpu.dma_semaphore, #tpu.memory_space<semaphore_mem>>
      %dma_start3A = arith.constant 0 : i32
      %dma_start3A_84 = tpu.memref_slice %arg7[%add3A_69, %dma_start3A] : memref<10240x16xf32, #tpu.memory_space<vmem_shared>> -> memref<64x16xf32, #tpu.memory_space<vmem_shared>>
      %dma_start3A_85 = arith.constant 0 : i32
      %dma_start3A_86 = tpu.memref_slice %arg7[%add3A_69, %dma_start3A_85] : memref<10240x16xf32, #tpu.memory_space<vmem_shared>> -> memref<64x16xf32, #tpu.memory_space<vmem_shared>>
      tpu.enqueue_dma source(%dma_start3A_86 : memref<64x16xf32, #tpu.memory_space<vmem_shared>>) target(%arg6 : memref<64x16xf32, #tpu.memory_space<vmem>>) target_semaphore(%run_scoped3A : memref<!tpu.dma_semaphore, #tpu.memory_space<semaphore_mem>>)
      %dma_wait3A = arith.constant 0 : i32
      %dma_wait3A_87 = tpu.memref_slice %arg7[%add3A_69, %dma_wait3A] : memref<10240x16xf32, #tpu.memory_space<vmem_shared>> -> memref<64x16xf32, #tpu.memory_space<vmem_shared>>
      %dma_wait3A_88 = arith.constant 0 : i32
      %dma_wait3A_89 = tpu.memref_slice %arg7[%add3A_69, %dma_wait3A_88] : memref<10240x16xf32, #tpu.memory_space<vmem_shared>> -> memref<64x16xf32, #tpu.memory_space<vmem_shared>>
      tpu.wait_dma2 semaphore(%run_scoped3A : memref<!tpu.dma_semaphore, #tpu.memory_space<semaphore_mem>>) src(%dma_wait3A_89 : memref<64x16xf32, #tpu.memory_space<vmem_shared>>) dst(%arg6 : memref<64x16xf32, #tpu.memory_space<vmem>>)
      tpu.yield
    }) : () -> ()
    %add3A_70 = arith.constant 384 : i32
    %add3A_71 = arith.addi %mul3A_2, %add3A_70 : i32
    "tpu.region"() ({
      %run_scoped3A = tpu.sem_alloc : memref<!tpu.dma_semaphore, #tpu.memory_space<semaphore_mem>>
      %dma_start3A = arith.constant 0 : i32
      %dma_start3A_84 = tpu.memref_slice %arg3[%arg0, %add3A_71, %dma_start3A] : memref<2x10240x16xf32, #tpu.memory_space<hbm>> -> memref<1x64x16xf32, #tpu.memory_space<hbm>>
      %dma_start3A_85 = tpu.memref_squeeze %dma_start3A_84 : memref<1x64x16xf32, #tpu.memory_space<hbm>> -> memref<64x16xf32, #tpu.memory_space<hbm>>
      %dma_start3A_86 = arith.constant 0 : i32
      %dma_start3A_87 = tpu.memref_slice %arg3[%arg0, %add3A_71, %dma_start3A_86] : memref<2x10240x16xf32, #tpu.memory_space<hbm>> -> memref<1x64x16xf32, #tpu.memory_space<hbm>>
      %dma_start3A_88 = tpu.memref_squeeze %dma_start3A_87 : memref<1x64x16xf32, #tpu.memory_space<hbm>> -> memref<64x16xf32, #tpu.memory_space<hbm>>
      tpu.enqueue_dma source(%arg6 : memref<64x16xf32, #tpu.memory_space<vmem>>) target(%dma_start3A_88 : memref<64x16xf32, #tpu.memory_space<hbm>>) target_semaphore(%run_scoped3A : memref<!tpu.dma_semaphore, #tpu.memory_space<semaphore_mem>>)
      %dma_wait3A = arith.constant 0 : i32
      %dma_wait3A_89 = tpu.memref_slice %arg3[%arg0, %add3A_71, %dma_wait3A] : memref<2x10240x16xf32, #tpu.memory_space<hbm>> -> memref<1x64x16xf32, #tpu.memory_space<hbm>>
      %dma_wait3A_90 = tpu.memref_squeeze %dma_wait3A_89 : memref<1x64x16xf32, #tpu.memory_space<hbm>> -> memref<64x16xf32, #tpu.memory_space<hbm>>
      %dma_wait3A_91 = arith.constant 0 : i32
      %dma_wait3A_92 = tpu.memref_slice %arg3[%arg0, %add3A_71, %dma_wait3A_91] : memref<2x10240x16xf32, #tpu.memory_space<hbm>> -> memref<1x64x16xf32, #tpu.memory_space<hbm>>
      %dma_wait3A_93 = tpu.memref_squeeze %dma_wait3A_92 : memref<1x64x16xf32, #tpu.memory_space<hbm>> -> memref<64x16xf32, #tpu.memory_space<hbm>>
      tpu.wait_dma2 semaphore(%run_scoped3A : memref<!tpu.dma_semaphore, #tpu.memory_space<semaphore_mem>>) src(%arg6 : memref<64x16xf32, #tpu.memory_space<vmem>>) dst(%dma_wait3A_93 : memref<64x16xf32, #tpu.memory_space<hbm>>)
      tpu.yield
    }) : () -> ()
    %add3A_72 = arith.constant 448 : i32
    %add3A_73 = arith.addi %mul3A_2, %add3A_72 : i32
    "tpu.region"() ({
      %run_scoped3A = tpu.sem_alloc : memref<!tpu.dma_semaphore, #tpu.memory_space<semaphore_mem>>
      %dma_start3A = arith.constant 0 : i32
      %dma_start3A_84 = tpu.memref_slice %arg7[%add3A_73, %dma_start3A] : memref<10240x16xf32, #tpu.memory_space<vmem_shared>> -> memref<64x16xf32, #tpu.memory_space<vmem_shared>>
      %dma_start3A_85 = arith.constant 0 : i32
      %dma_start3A_86 = tpu.memref_slice %arg7[%add3A_73, %dma_start3A_85] : memref<10240x16xf32, #tpu.memory_space<vmem_shared>> -> memref<64x16xf32, #tpu.memory_space<vmem_shared>>
      tpu.enqueue_dma source(%dma_start3A_86 : memref<64x16xf32, #tpu.memory_space<vmem_shared>>) target(%arg6 : memref<64x16xf32, #tpu.memory_space<vmem>>) target_semaphore(%run_scoped3A : memref<!tpu.dma_semaphore, #tpu.memory_space<semaphore_mem>>)
      %dma_wait3A = arith.constant 0 : i32
      %dma_wait3A_87 = tpu.memref_slice %arg7[%add3A_73, %dma_wait3A] : memref<10240x16xf32, #tpu.memory_space<vmem_shared>> -> memref<64x16xf32, #tpu.memory_space<vmem_shared>>
      %dma_wait3A_88 = arith.constant 0 : i32
      %dma_wait3A_89 = tpu.memref_slice %arg7[%add3A_73, %dma_wait3A_88] : memref<10240x16xf32, #tpu.memory_space<vmem_shared>> -> memref<64x16xf32, #tpu.memory_space<vmem_shared>>
      tpu.wait_dma2 semaphore(%run_scoped3A : memref<!tpu.dma_semaphore, #tpu.memory_space<semaphore_mem>>) src(%dma_wait3A_89 : memref<64x16xf32, #tpu.memory_space<vmem_shared>>) dst(%arg6 : memref<64x16xf32, #tpu.memory_space<vmem>>)
      tpu.yield
    }) : () -> ()
    %add3A_74 = arith.constant 448 : i32
    %add3A_75 = arith.addi %mul3A_2, %add3A_74 : i32
    "tpu.region"() ({
      %run_scoped3A = tpu.sem_alloc : memref<!tpu.dma_semaphore, #tpu.memory_space<semaphore_mem>>
      %dma_start3A = arith.constant 0 : i32
      %dma_start3A_84 = tpu.memref_slice %arg3[%arg0, %add3A_75, %dma_start3A] : memref<2x10240x16xf32, #tpu.memory_space<hbm>> -> memref<1x64x16xf32, #tpu.memory_space<hbm>>
      %dma_start3A_85 = tpu.memref_squeeze %dma_start3A_84 : memref<1x64x16xf32, #tpu.memory_space<hbm>> -> memref<64x16xf32, #tpu.memory_space<hbm>>
      %dma_start3A_86 = arith.constant 0 : i32
      %dma_start3A_87 = tpu.memref_slice %arg3[%arg0, %add3A_75, %dma_start3A_86] : memref<2x10240x16xf32, #tpu.memory_space<hbm>> -> memref<1x64x16xf32, #tpu.memory_space<hbm>>
      %dma_start3A_88 = tpu.memref_squeeze %dma_start3A_87 : memref<1x64x16xf32, #tpu.memory_space<hbm>> -> memref<64x16xf32, #tpu.memory_space<hbm>>
      tpu.enqueue_dma source(%arg6 : memref<64x16xf32, #tpu.memory_space<vmem>>) target(%dma_start3A_88 : memref<64x16xf32, #tpu.memory_space<hbm>>) target_semaphore(%run_scoped3A : memref<!tpu.dma_semaphore, #tpu.memory_space<semaphore_mem>>)
      %dma_wait3A = arith.constant 0 : i32
      %dma_wait3A_89 = tpu.memref_slice %arg3[%arg0, %add3A_75, %dma_wait3A] : memref<2x10240x16xf32, #tpu.memory_space<hbm>> -> memref<1x64x16xf32, #tpu.memory_space<hbm>>
      %dma_wait3A_90 = tpu.memref_squeeze %dma_wait3A_89 : memref<1x64x16xf32, #tpu.memory_space<hbm>> -> memref<64x16xf32, #tpu.memory_space<hbm>>
      %dma_wait3A_91 = arith.constant 0 : i32
      %dma_wait3A_92 = tpu.memref_slice %arg3[%arg0, %add3A_75, %dma_wait3A_91] : memref<2x10240x16xf32, #tpu.memory_space<hbm>> -> memref<1x64x16xf32, #tpu.memory_space<hbm>>
      %dma_wait3A_93 = tpu.memref_squeeze %dma_wait3A_92 : memref<1x64x16xf32, #tpu.memory_space<hbm>> -> memref<64x16xf32, #tpu.memory_space<hbm>>
      tpu.wait_dma2 semaphore(%run_scoped3A : memref<!tpu.dma_semaphore, #tpu.memory_space<semaphore_mem>>) src(%arg6 : memref<64x16xf32, #tpu.memory_space<vmem>>) dst(%dma_wait3A_93 : memref<64x16xf32, #tpu.memory_space<hbm>>)
      tpu.yield
    }) : () -> ()
    %add3A_76 = arith.constant 512 : i32
    %add3A_77 = arith.addi %mul3A_2, %add3A_76 : i32
    "tpu.region"() ({
      %run_scoped3A = tpu.sem_alloc : memref<!tpu.dma_semaphore, #tpu.memory_space<semaphore_mem>>
      %dma_start3A = arith.constant 0 : i32
      %dma_start3A_84 = tpu.memref_slice %arg7[%add3A_77, %dma_start3A] : memref<10240x16xf32, #tpu.memory_space<vmem_shared>> -> memref<64x16xf32, #tpu.memory_space<vmem_shared>>
      %dma_start3A_85 = arith.constant 0 : i32
      %dma_start3A_86 = tpu.memref_slice %arg7[%add3A_77, %dma_start3A_85] : memref<10240x16xf32, #tpu.memory_space<vmem_shared>> -> memref<64x16xf32, #tpu.memory_space<vmem_shared>>
      tpu.enqueue_dma source(%dma_start3A_86 : memref<64x16xf32, #tpu.memory_space<vmem_shared>>) target(%arg6 : memref<64x16xf32, #tpu.memory_space<vmem>>) target_semaphore(%run_scoped3A : memref<!tpu.dma_semaphore, #tpu.memory_space<semaphore_mem>>)
      %dma_wait3A = arith.constant 0 : i32
      %dma_wait3A_87 = tpu.memref_slice %arg7[%add3A_77, %dma_wait3A] : memref<10240x16xf32, #tpu.memory_space<vmem_shared>> -> memref<64x16xf32, #tpu.memory_space<vmem_shared>>
      %dma_wait3A_88 = arith.constant 0 : i32
      %dma_wait3A_89 = tpu.memref_slice %arg7[%add3A_77, %dma_wait3A_88] : memref<10240x16xf32, #tpu.memory_space<vmem_shared>> -> memref<64x16xf32, #tpu.memory_space<vmem_shared>>
      tpu.wait_dma2 semaphore(%run_scoped3A : memref<!tpu.dma_semaphore, #tpu.memory_space<semaphore_mem>>) src(%dma_wait3A_89 : memref<64x16xf32, #tpu.memory_space<vmem_shared>>) dst(%arg6 : memref<64x16xf32, #tpu.memory_space<vmem>>)
      tpu.yield
    }) : () -> ()
    %add3A_78 = arith.constant 512 : i32
    %add3A_79 = arith.addi %mul3A_2, %add3A_78 : i32
    "tpu.region"() ({
      %run_scoped3A = tpu.sem_alloc : memref<!tpu.dma_semaphore, #tpu.memory_space<semaphore_mem>>
      %dma_start3A = arith.constant 0 : i32
      %dma_start3A_84 = tpu.memref_slice %arg3[%arg0, %add3A_79, %dma_start3A] : memref<2x10240x16xf32, #tpu.memory_space<hbm>> -> memref<1x64x16xf32, #tpu.memory_space<hbm>>
      %dma_start3A_85 = tpu.memref_squeeze %dma_start3A_84 : memref<1x64x16xf32, #tpu.memory_space<hbm>> -> memref<64x16xf32, #tpu.memory_space<hbm>>
      %dma_start3A_86 = arith.constant 0 : i32
      %dma_start3A_87 = tpu.memref_slice %arg3[%arg0, %add3A_79, %dma_start3A_86] : memref<2x10240x16xf32, #tpu.memory_space<hbm>> -> memref<1x64x16xf32, #tpu.memory_space<hbm>>
      %dma_start3A_88 = tpu.memref_squeeze %dma_start3A_87 : memref<1x64x16xf32, #tpu.memory_space<hbm>> -> memref<64x16xf32, #tpu.memory_space<hbm>>
      tpu.enqueue_dma source(%arg6 : memref<64x16xf32, #tpu.memory_space<vmem>>) target(%dma_start3A_88 : memref<64x16xf32, #tpu.memory_space<hbm>>) target_semaphore(%run_scoped3A : memref<!tpu.dma_semaphore, #tpu.memory_space<semaphore_mem>>)
      %dma_wait3A = arith.constant 0 : i32
      %dma_wait3A_89 = tpu.memref_slice %arg3[%arg0, %add3A_79, %dma_wait3A] : memref<2x10240x16xf32, #tpu.memory_space<hbm>> -> memref<1x64x16xf32, #tpu.memory_space<hbm>>
      %dma_wait3A_90 = tpu.memref_squeeze %dma_wait3A_89 : memref<1x64x16xf32, #tpu.memory_space<hbm>> -> memref<64x16xf32, #tpu.memory_space<hbm>>
      %dma_wait3A_91 = arith.constant 0 : i32
      %dma_wait3A_92 = tpu.memref_slice %arg3[%arg0, %add3A_79, %dma_wait3A_91] : memref<2x10240x16xf32, #tpu.memory_space<hbm>> -> memref<1x64x16xf32, #tpu.memory_space<hbm>>
      %dma_wait3A_93 = tpu.memref_squeeze %dma_wait3A_92 : memref<1x64x16xf32, #tpu.memory_space<hbm>> -> memref<64x16xf32, #tpu.memory_space<hbm>>
      tpu.wait_dma2 semaphore(%run_scoped3A : memref<!tpu.dma_semaphore, #tpu.memory_space<semaphore_mem>>) src(%arg6 : memref<64x16xf32, #tpu.memory_space<vmem>>) dst(%dma_wait3A_93 : memref<64x16xf32, #tpu.memory_space<hbm>>)
      tpu.yield
    }) : () -> ()
    %add3A_80 = arith.constant 576 : i32
    %add3A_81 = arith.addi %mul3A_2, %add3A_80 : i32
    "tpu.region"() ({
      %run_scoped3A = tpu.sem_alloc : memref<!tpu.dma_semaphore, #tpu.memory_space<semaphore_mem>>
      %dma_start3A = arith.constant 0 : i32
      %dma_start3A_84 = tpu.memref_slice %arg7[%add3A_81, %dma_start3A] : memref<10240x16xf32, #tpu.memory_space<vmem_shared>> -> memref<64x16xf32, #tpu.memory_space<vmem_shared>>
      %dma_start3A_85 = arith.constant 0 : i32
      %dma_start3A_86 = tpu.memref_slice %arg7[%add3A_81, %dma_start3A_85] : memref<10240x16xf32, #tpu.memory_space<vmem_shared>> -> memref<64x16xf32, #tpu.memory_space<vmem_shared>>
      tpu.enqueue_dma source(%dma_start3A_86 : memref<64x16xf32, #tpu.memory_space<vmem_shared>>) target(%arg6 : memref<64x16xf32, #tpu.memory_space<vmem>>) target_semaphore(%run_scoped3A : memref<!tpu.dma_semaphore, #tpu.memory_space<semaphore_mem>>)
      %dma_wait3A = arith.constant 0 : i32
      %dma_wait3A_87 = tpu.memref_slice %arg7[%add3A_81, %dma_wait3A] : memref<10240x16xf32, #tpu.memory_space<vmem_shared>> -> memref<64x16xf32, #tpu.memory_space<vmem_shared>>
      %dma_wait3A_88 = arith.constant 0 : i32
      %dma_wait3A_89 = tpu.memref_slice %arg7[%add3A_81, %dma_wait3A_88] : memref<10240x16xf32, #tpu.memory_space<vmem_shared>> -> memref<64x16xf32, #tpu.memory_space<vmem_shared>>
      tpu.wait_dma2 semaphore(%run_scoped3A : memref<!tpu.dma_semaphore, #tpu.memory_space<semaphore_mem>>) src(%dma_wait3A_89 : memref<64x16xf32, #tpu.memory_space<vmem_shared>>) dst(%arg6 : memref<64x16xf32, #tpu.memory_space<vmem>>)
      tpu.yield
    }) : () -> ()
    %add3A_82 = arith.constant 576 : i32
    %add3A_83 = arith.addi %mul3A_2, %add3A_82 : i32
    "tpu.region"() ({
      %run_scoped3A = tpu.sem_alloc : memref<!tpu.dma_semaphore, #tpu.memory_space<semaphore_mem>>
      %dma_start3A = arith.constant 0 : i32
      %dma_start3A_84 = tpu.memref_slice %arg3[%arg0, %add3A_83, %dma_start3A] : memref<2x10240x16xf32, #tpu.memory_space<hbm>> -> memref<1x64x16xf32, #tpu.memory_space<hbm>>
      %dma_start3A_85 = tpu.memref_squeeze %dma_start3A_84 : memref<1x64x16xf32, #tpu.memory_space<hbm>> -> memref<64x16xf32, #tpu.memory_space<hbm>>
      %dma_start3A_86 = arith.constant 0 : i32
      %dma_start3A_87 = tpu.memref_slice %arg3[%arg0, %add3A_83, %dma_start3A_86] : memref<2x10240x16xf32, #tpu.memory_space<hbm>> -> memref<1x64x16xf32, #tpu.memory_space<hbm>>
      %dma_start3A_88 = tpu.memref_squeeze %dma_start3A_87 : memref<1x64x16xf32, #tpu.memory_space<hbm>> -> memref<64x16xf32, #tpu.memory_space<hbm>>
      tpu.enqueue_dma source(%arg6 : memref<64x16xf32, #tpu.memory_space<vmem>>) target(%dma_start3A_88 : memref<64x16xf32, #tpu.memory_space<hbm>>) target_semaphore(%run_scoped3A : memref<!tpu.dma_semaphore, #tpu.memory_space<semaphore_mem>>)
      %dma_wait3A = arith.constant 0 : i32
      %dma_wait3A_89 = tpu.memref_slice %arg3[%arg0, %add3A_83, %dma_wait3A] : memref<2x10240x16xf32, #tpu.memory_space<hbm>> -> memref<1x64x16xf32, #tpu.memory_space<hbm>>
      %dma_wait3A_90 = tpu.memref_squeeze %dma_wait3A_89 : memref<1x64x16xf32, #tpu.memory_space<hbm>> -> memref<64x16xf32, #tpu.memory_space<hbm>>
      %dma_wait3A_91 = arith.constant 0 : i32
      %dma_wait3A_92 = tpu.memref_slice %arg3[%arg0, %add3A_83, %dma_wait3A_91] : memref<2x10240x16xf32, #tpu.memory_space<hbm>> -> memref<1x64x16xf32, #tpu.memory_space<hbm>>
      %dma_wait3A_93 = tpu.memref_squeeze %dma_wait3A_92 : memref<1x64x16xf32, #tpu.memory_space<hbm>> -> memref<64x16xf32, #tpu.memory_space<hbm>>
      tpu.wait_dma2 semaphore(%run_scoped3A : memref<!tpu.dma_semaphore, #tpu.memory_space<semaphore_mem>>) src(%arg6 : memref<64x16xf32, #tpu.memory_space<vmem>>) dst(%dma_wait3A_93 : memref<64x16xf32, #tpu.memory_space<hbm>>)
      tpu.yield
    }) : () -> ()
    return
  }
}

#map = affine_map<(d0, d1) -> (0, 0)>
#map1 = affine_map<(d0, d1) -> (0, 0, 0)>
module attributes {stable_mosaic.version = 14 : i64} {
  func.func @_scatter_kernel(%arg0: i32, %arg1: i32, %arg2: memref<10000x128xf32, #tpu.memory_space<hbm>>, %arg3: memref<32x80x128xi32, #tpu.memory_space<hbm>>, %arg4: memref<32x80x128xi32, #tpu.memory_space<hbm>>, %arg5: memref<2x10240x128xf32, #tpu.memory_space<hbm>>, %arg6: memref<40x128xi32, #tpu.memory_space<vmem>>, %arg7: memref<40x128xi32, #tpu.memory_space<vmem>>, %arg8: memref<128x128xf32, #tpu.memory_space<vmem>>, %arg9: memref<128x128xf32, #tpu.memory_space<vmem>>, %arg10: memref<10240x128xf32, #tpu.memory_space<vmem_shared>>, %arg11: memref<!tpu.dma_semaphore, #tpu.memory_space<semaphore_mem>>, %arg12: memref<!tpu.dma_semaphore, #tpu.memory_space<semaphore_mem>>) attributes {dimension_semantics = [#tpu.dimension_semantics<core_parallel>, #tpu.dimension_semantics<subcore_parallel>], iteration_bounds = array<i64: 2, 16>, scalar_prefetch = 0 : i64, scratch_operands = 7 : i64, tpu.core_type = #tpu.core_type<sc_vector_subcore>, window_params = [{transform_indices = #map}, {transform_indices = #map1}, {transform_indices = #map1}, {transform_indices = #map1}]} {
    %mul3A = arith.constant 2 : i32
    %mul3A_0 = arith.muli %arg1, %mul3A : i32
    %add3A = arith.addi %mul3A_0, %arg0 : i32
    %mul3A_1 = arith.constant 640 : i32
    %mul3A_2 = arith.muli %arg1, %mul3A_1 : i32
    %broadcast_in_dim3A = arith.constant 0.000000e+00 : f32
    %broadcast_in_dim3A_3 = vector.broadcast %broadcast_in_dim3A : f32 to vector<16xf32>
    %scan3A = arith.constant 0 : i32
    %scan3A_4 = arith.constant 0 : i32
    %scan3A_5 = arith.constant 128 : i32
    %scan3A_6 = arith.addi %scan3A_4, %scan3A_5 : i32
    %scan3A_7 = arith.constant 1 : i32
    scf.for %scan3A_46 = %scan3A_4 to %scan3A_6 step %scan3A_7  : i32 {
      %swap3A = arith.index_cast %scan3A_46 : i32 to index
      %swap3A_47 = arith.constant 0 : index
      %swap3A_48 = tpu.vector_load %arg8[%swap3A, %swap3A_47] {strides = array<i32>} : memref<128x128xf32, #tpu.memory_space<vmem>>, vector<1x16xf32>,
      %swap3A_49 = vector.shape_cast %swap3A_48 : vector<1x16xf32> to vector<16xf32>
      %swap3A_50 = vector.shape_cast %broadcast_in_dim3A_3 : vector<16xf32> to vector<1x16xf32>
      tpu.vector_store %arg8[%swap3A, %swap3A_47], %swap3A_50 {strides = array<i32>} : memref<128x128xf32, #tpu.memory_space<vmem>>, vector<1x16xf32>,
      %swap3A_51 = arith.index_cast %scan3A_46 : i32 to index
      %swap3A_52 = arith.constant 16 : index
      %swap3A_53 = tpu.vector_load %arg8[%swap3A_51, %swap3A_52] {strides = array<i32>} : memref<128x128xf32, #tpu.memory_space<vmem>>, vector<1x16xf32>,
      %swap3A_54 = vector.shape_cast %swap3A_53 : vector<1x16xf32> to vector<16xf32>
      %swap3A_55 = vector.shape_cast %broadcast_in_dim3A_3 : vector<16xf32> to vector<1x16xf32>
      tpu.vector_store %arg8[%swap3A_51, %swap3A_52], %swap3A_55 {strides = array<i32>} : memref<128x128xf32, #tpu.memory_space<vmem>>, vector<1x16xf32>,
      %swap3A_56 = arith.index_cast %scan3A_46 : i32 to index
      %swap3A_57 = arith.constant 32 : index
      %swap3A_58 = tpu.vector_load %arg8[%swap3A_56, %swap3A_57] {strides = array<i32>} : memref<128x128xf32, #tpu.memory_space<vmem>>, vector<1x16xf32>,
      %swap3A_59 = vector.shape_cast %swap3A_58 : vector<1x16xf32> to vector<16xf32>
      %swap3A_60 = vector.shape_cast %broadcast_in_dim3A_3 : vector<16xf32> to vector<1x16xf32>
      tpu.vector_store %arg8[%swap3A_56, %swap3A_57], %swap3A_60 {strides = array<i32>} : memref<128x128xf32, #tpu.memory_space<vmem>>, vector<1x16xf32>,
      %swap3A_61 = arith.index_cast %scan3A_46 : i32 to index
      %swap3A_62 = arith.constant 48 : index
      %swap3A_63 = tpu.vector_load %arg8[%swap3A_61, %swap3A_62] {strides = array<i32>} : memref<128x128xf32, #tpu.memory_space<vmem>>, vector<1x16xf32>,
      %swap3A_64 = vector.shape_cast %swap3A_63 : vector<1x16xf32> to vector<16xf32>
      %swap3A_65 = vector.shape_cast %broadcast_in_dim3A_3 : vector<16xf32> to vector<1x16xf32>
      tpu.vector_store %arg8[%swap3A_61, %swap3A_62], %swap3A_65 {strides = array<i32>} : memref<128x128xf32, #tpu.memory_space<vmem>>, vector<1x16xf32>,
      %swap3A_66 = arith.index_cast %scan3A_46 : i32 to index
      %swap3A_67 = arith.constant 64 : index
      %swap3A_68 = tpu.vector_load %arg8[%swap3A_66, %swap3A_67] {strides = array<i32>} : memref<128x128xf32, #tpu.memory_space<vmem>>, vector<1x16xf32>,
      %swap3A_69 = vector.shape_cast %swap3A_68 : vector<1x16xf32> to vector<16xf32>
      %swap3A_70 = vector.shape_cast %broadcast_in_dim3A_3 : vector<16xf32> to vector<1x16xf32>
      tpu.vector_store %arg8[%swap3A_66, %swap3A_67], %swap3A_70 {strides = array<i32>} : memref<128x128xf32, #tpu.memory_space<vmem>>, vector<1x16xf32>,
      %swap3A_71 = arith.index_cast %scan3A_46 : i32 to index
      %swap3A_72 = arith.constant 80 : index
      %swap3A_73 = tpu.vector_load %arg8[%swap3A_71, %swap3A_72] {strides = array<i32>} : memref<128x128xf32, #tpu.memory_space<vmem>>, vector<1x16xf32>,
      %swap3A_74 = vector.shape_cast %swap3A_73 : vector<1x16xf32> to vector<16xf32>
      %swap3A_75 = vector.shape_cast %broadcast_in_dim3A_3 : vector<16xf32> to vector<1x16xf32>
      tpu.vector_store %arg8[%swap3A_71, %swap3A_72], %swap3A_75 {strides = array<i32>} : memref<128x128xf32, #tpu.memory_space<vmem>>, vector<1x16xf32>,
      %swap3A_76 = arith.index_cast %scan3A_46 : i32 to index
      %swap3A_77 = arith.constant 96 : index
      %swap3A_78 = tpu.vector_load %arg8[%swap3A_76, %swap3A_77] {strides = array<i32>} : memref<128x128xf32, #tpu.memory_space<vmem>>, vector<1x16xf32>,
      %swap3A_79 = vector.shape_cast %swap3A_78 : vector<1x16xf32> to vector<16xf32>
      %swap3A_80 = vector.shape_cast %broadcast_in_dim3A_3 : vector<16xf32> to vector<1x16xf32>
      tpu.vector_store %arg8[%swap3A_76, %swap3A_77], %swap3A_80 {strides = array<i32>} : memref<128x128xf32, #tpu.memory_space<vmem>>, vector<1x16xf32>,
      %swap3A_81 = arith.index_cast %scan3A_46 : i32 to index
      %swap3A_82 = arith.constant 112 : index
      %swap3A_83 = tpu.vector_load %arg8[%swap3A_81, %swap3A_82] {strides = array<i32>} : memref<128x128xf32, #tpu.memory_space<vmem>>, vector<1x16xf32>,
      %swap3A_84 = vector.shape_cast %swap3A_83 : vector<1x16xf32> to vector<16xf32>
      %swap3A_85 = vector.shape_cast %broadcast_in_dim3A_3 : vector<16xf32> to vector<1x16xf32>
      tpu.vector_store %arg8[%swap3A_81, %swap3A_82], %swap3A_85 {strides = array<i32>} : memref<128x128xf32, #tpu.memory_space<vmem>>, vector<1x16xf32>,
    }
    %scan3A_8 = arith.constant 128 : i32
    %add3A_9 = arith.constant 0 : i32
    %add3A_10 = arith.addi %mul3A_2, %add3A_9 : i32
    "tpu.region"() ({
      %run_scoped3A = tpu.sem_alloc : memref<!tpu.dma_semaphore, #tpu.memory_space<semaphore_mem>>
      %dma_start3A = arith.constant 0 : i32
      %dma_start3A_46 = tpu.memref_slice %arg10[%add3A_10, %dma_start3A] : memref<10240x128xf32, #tpu.memory_space<vmem_shared>> -> memref<128x128xf32, #tpu.memory_space<vmem_shared>>
      %dma_start3A_47 = arith.constant 0 : i32
      %dma_start3A_48 = tpu.memref_slice %arg10[%add3A_10, %dma_start3A_47] : memref<10240x128xf32, #tpu.memory_space<vmem_shared>> -> memref<128x128xf32, #tpu.memory_space<vmem_shared>>
      tpu.enqueue_dma source(%arg8 : memref<128x128xf32, #tpu.memory_space<vmem>>) target(%dma_start3A_48 : memref<128x128xf32, #tpu.memory_space<vmem_shared>>) target_semaphore(%run_scoped3A : memref<!tpu.dma_semaphore, #tpu.memory_space<semaphore_mem>>)
      %dma_wait3A = arith.constant 0 : i32
      %dma_wait3A_49 = tpu.memref_slice %arg10[%add3A_10, %dma_wait3A] : memref<10240x128xf32, #tpu.memory_space<vmem_shared>> -> memref<128x128xf32, #tpu.memory_space<vmem_shared>>
      %dma_wait3A_50 = arith.constant 0 : i32
      %dma_wait3A_51 = tpu.memref_slice %arg10[%add3A_10, %dma_wait3A_50] : memref<10240x128xf32, #tpu.memory_space<vmem_shared>> -> memref<128x128xf32, #tpu.memory_space<vmem_shared>>
      tpu.wait_dma2 semaphore(%run_scoped3A : memref<!tpu.dma_semaphore, #tpu.memory_space<semaphore_mem>>) src(%arg8 : memref<128x128xf32, #tpu.memory_space<vmem>>) dst(%dma_wait3A_51 : memref<128x128xf32, #tpu.memory_space<vmem_shared>>)
      tpu.yield
    }) : () -> ()
    %add3A_11 = arith.constant 128 : i32
    %add3A_12 = arith.addi %mul3A_2, %add3A_11 : i32
    "tpu.region"() ({
      %run_scoped3A = tpu.sem_alloc : memref<!tpu.dma_semaphore, #tpu.memory_space<semaphore_mem>>
      %dma_start3A = arith.constant 0 : i32
      %dma_start3A_46 = tpu.memref_slice %arg10[%add3A_12, %dma_start3A] : memref<10240x128xf32, #tpu.memory_space<vmem_shared>> -> memref<128x128xf32, #tpu.memory_space<vmem_shared>>
      %dma_start3A_47 = arith.constant 0 : i32
      %dma_start3A_48 = tpu.memref_slice %arg10[%add3A_12, %dma_start3A_47] : memref<10240x128xf32, #tpu.memory_space<vmem_shared>> -> memref<128x128xf32, #tpu.memory_space<vmem_shared>>
      tpu.enqueue_dma source(%arg8 : memref<128x128xf32, #tpu.memory_space<vmem>>) target(%dma_start3A_48 : memref<128x128xf32, #tpu.memory_space<vmem_shared>>) target_semaphore(%run_scoped3A : memref<!tpu.dma_semaphore, #tpu.memory_space<semaphore_mem>>)
      %dma_wait3A = arith.constant 0 : i32
      %dma_wait3A_49 = tpu.memref_slice %arg10[%add3A_12, %dma_wait3A] : memref<10240x128xf32, #tpu.memory_space<vmem_shared>> -> memref<128x128xf32, #tpu.memory_space<vmem_shared>>
      %dma_wait3A_50 = arith.constant 0 : i32
      %dma_wait3A_51 = tpu.memref_slice %arg10[%add3A_12, %dma_wait3A_50] : memref<10240x128xf32, #tpu.memory_space<vmem_shared>> -> memref<128x128xf32, #tpu.memory_space<vmem_shared>>
      tpu.wait_dma2 semaphore(%run_scoped3A : memref<!tpu.dma_semaphore, #tpu.memory_space<semaphore_mem>>) src(%arg8 : memref<128x128xf32, #tpu.memory_space<vmem>>) dst(%dma_wait3A_51 : memref<128x128xf32, #tpu.memory_space<vmem_shared>>)
      tpu.yield
    }) : () -> ()
    %add3A_13 = arith.constant 256 : i32
    %add3A_14 = arith.addi %mul3A_2, %add3A_13 : i32
    "tpu.region"() ({
      %run_scoped3A = tpu.sem_alloc : memref<!tpu.dma_semaphore, #tpu.memory_space<semaphore_mem>>
      %dma_start3A = arith.constant 0 : i32
      %dma_start3A_46 = tpu.memref_slice %arg10[%add3A_14, %dma_start3A] : memref<10240x128xf32, #tpu.memory_space<vmem_shared>> -> memref<128x128xf32, #tpu.memory_space<vmem_shared>>
      %dma_start3A_47 = arith.constant 0 : i32
      %dma_start3A_48 = tpu.memref_slice %arg10[%add3A_14, %dma_start3A_47] : memref<10240x128xf32, #tpu.memory_space<vmem_shared>> -> memref<128x128xf32, #tpu.memory_space<vmem_shared>>
      tpu.enqueue_dma source(%arg8 : memref<128x128xf32, #tpu.memory_space<vmem>>) target(%dma_start3A_48 : memref<128x128xf32, #tpu.memory_space<vmem_shared>>) target_semaphore(%run_scoped3A : memref<!tpu.dma_semaphore, #tpu.memory_space<semaphore_mem>>)
      %dma_wait3A = arith.constant 0 : i32
      %dma_wait3A_49 = tpu.memref_slice %arg10[%add3A_14, %dma_wait3A] : memref<10240x128xf32, #tpu.memory_space<vmem_shared>> -> memref<128x128xf32, #tpu.memory_space<vmem_shared>>
      %dma_wait3A_50 = arith.constant 0 : i32
      %dma_wait3A_51 = tpu.memref_slice %arg10[%add3A_14, %dma_wait3A_50] : memref<10240x128xf32, #tpu.memory_space<vmem_shared>> -> memref<128x128xf32, #tpu.memory_space<vmem_shared>>
      tpu.wait_dma2 semaphore(%run_scoped3A : memref<!tpu.dma_semaphore, #tpu.memory_space<semaphore_mem>>) src(%arg8 : memref<128x128xf32, #tpu.memory_space<vmem>>) dst(%dma_wait3A_51 : memref<128x128xf32, #tpu.memory_space<vmem_shared>>)
      tpu.yield
    }) : () -> ()
    %add3A_15 = arith.constant 384 : i32
    %add3A_16 = arith.addi %mul3A_2, %add3A_15 : i32
    "tpu.region"() ({
      %run_scoped3A = tpu.sem_alloc : memref<!tpu.dma_semaphore, #tpu.memory_space<semaphore_mem>>
      %dma_start3A = arith.constant 0 : i32
      %dma_start3A_46 = tpu.memref_slice %arg10[%add3A_16, %dma_start3A] : memref<10240x128xf32, #tpu.memory_space<vmem_shared>> -> memref<128x128xf32, #tpu.memory_space<vmem_shared>>
      %dma_start3A_47 = arith.constant 0 : i32
      %dma_start3A_48 = tpu.memref_slice %arg10[%add3A_16, %dma_start3A_47] : memref<10240x128xf32, #tpu.memory_space<vmem_shared>> -> memref<128x128xf32, #tpu.memory_space<vmem_shared>>
      tpu.enqueue_dma source(%arg8 : memref<128x128xf32, #tpu.memory_space<vmem>>) target(%dma_start3A_48 : memref<128x128xf32, #tpu.memory_space<vmem_shared>>) target_semaphore(%run_scoped3A : memref<!tpu.dma_semaphore, #tpu.memory_space<semaphore_mem>>)
      %dma_wait3A = arith.constant 0 : i32
      %dma_wait3A_49 = tpu.memref_slice %arg10[%add3A_16, %dma_wait3A] : memref<10240x128xf32, #tpu.memory_space<vmem_shared>> -> memref<128x128xf32, #tpu.memory_space<vmem_shared>>
      %dma_wait3A_50 = arith.constant 0 : i32
      %dma_wait3A_51 = tpu.memref_slice %arg10[%add3A_16, %dma_wait3A_50] : memref<10240x128xf32, #tpu.memory_space<vmem_shared>> -> memref<128x128xf32, #tpu.memory_space<vmem_shared>>
      tpu.wait_dma2 semaphore(%run_scoped3A : memref<!tpu.dma_semaphore, #tpu.memory_space<semaphore_mem>>) src(%arg8 : memref<128x128xf32, #tpu.memory_space<vmem>>) dst(%dma_wait3A_51 : memref<128x128xf32, #tpu.memory_space<vmem_shared>>)
      tpu.yield
    }) : () -> ()
    %add3A_17 = arith.constant 512 : i32
    %add3A_18 = arith.addi %mul3A_2, %add3A_17 : i32
    "tpu.region"() ({
      %run_scoped3A = tpu.sem_alloc : memref<!tpu.dma_semaphore, #tpu.memory_space<semaphore_mem>>
      %dma_start3A = arith.constant 0 : i32
      %dma_start3A_46 = tpu.memref_slice %arg10[%add3A_18, %dma_start3A] : memref<10240x128xf32, #tpu.memory_space<vmem_shared>> -> memref<128x128xf32, #tpu.memory_space<vmem_shared>>
      %dma_start3A_47 = arith.constant 0 : i32
      %dma_start3A_48 = tpu.memref_slice %arg10[%add3A_18, %dma_start3A_47] : memref<10240x128xf32, #tpu.memory_space<vmem_shared>> -> memref<128x128xf32, #tpu.memory_space<vmem_shared>>
      tpu.enqueue_dma source(%arg8 : memref<128x128xf32, #tpu.memory_space<vmem>>) target(%dma_start3A_48 : memref<128x128xf32, #tpu.memory_space<vmem_shared>>) target_semaphore(%run_scoped3A : memref<!tpu.dma_semaphore, #tpu.memory_space<semaphore_mem>>)
      %dma_wait3A = arith.constant 0 : i32
      %dma_wait3A_49 = tpu.memref_slice %arg10[%add3A_18, %dma_wait3A] : memref<10240x128xf32, #tpu.memory_space<vmem_shared>> -> memref<128x128xf32, #tpu.memory_space<vmem_shared>>
      %dma_wait3A_50 = arith.constant 0 : i32
      %dma_wait3A_51 = tpu.memref_slice %arg10[%add3A_18, %dma_wait3A_50] : memref<10240x128xf32, #tpu.memory_space<vmem_shared>> -> memref<128x128xf32, #tpu.memory_space<vmem_shared>>
      tpu.wait_dma2 semaphore(%run_scoped3A : memref<!tpu.dma_semaphore, #tpu.memory_space<semaphore_mem>>) src(%arg8 : memref<128x128xf32, #tpu.memory_space<vmem>>) dst(%dma_wait3A_51 : memref<128x128xf32, #tpu.memory_space<vmem_shared>>)
      tpu.yield
    }) : () -> ()
    %barrier3A = arith.constant 0 : index
    tpu.barrier barrier_id(%barrier3A)
    %scan3A_19 = arith.constant 0 : i32
    %scan3A_20 = arith.constant 0 : i32
    %scan3A_21 = arith.constant 2 : i32
    %scan3A_22 = arith.addi %scan3A_20, %scan3A_21 : i32
    %scan3A_23 = arith.constant 1 : i32
    scf.for %scan3A_46 = %scan3A_20 to %scan3A_22 step %scan3A_23  : i32 {
      %mul3A_47 = arith.constant 40 : i32
      %mul3A_48 = arith.muli %scan3A_46, %mul3A_47 : i32
      "tpu.region"() ({
        %run_scoped3A = tpu.sem_alloc : memref<!tpu.dma_semaphore, #tpu.memory_space<semaphore_mem>>
        %dma_start3A_76 = arith.constant 0 : i32
        %dma_start3A_77 = tpu.memref_slice %arg3[%add3A, %mul3A_48, %dma_start3A_76] : memref<32x80x128xi32, #tpu.memory_space<hbm>> -> memref<1x40x128xi32, #tpu.memory_space<hbm>>
        %dma_start3A_78 = tpu.memref_squeeze %dma_start3A_77 : memref<1x40x128xi32, #tpu.memory_space<hbm>> -> memref<40x128xi32, #tpu.memory_space<hbm>>
        %dma_start3A_79 = arith.constant 0 : i32
        %dma_start3A_80 = tpu.memref_slice %arg3[%add3A, %mul3A_48, %dma_start3A_79] : memref<32x80x128xi32, #tpu.memory_space<hbm>> -> memref<1x40x128xi32, #tpu.memory_space<hbm>>
        %dma_start3A_81 = tpu.memref_squeeze %dma_start3A_80 : memref<1x40x128xi32, #tpu.memory_space<hbm>> -> memref<40x128xi32, #tpu.memory_space<hbm>>
        tpu.enqueue_dma source(%dma_start3A_81 : memref<40x128xi32, #tpu.memory_space<hbm>>) target(%arg6 : memref<40x128xi32, #tpu.memory_space<vmem>>) target_semaphore(%run_scoped3A : memref<!tpu.dma_semaphore, #tpu.memory_space<semaphore_mem>>)
        %dma_wait3A = arith.constant 0 : i32
        %dma_wait3A_82 = tpu.memref_slice %arg3[%add3A, %mul3A_48, %dma_wait3A] : memref<32x80x128xi32, #tpu.memory_space<hbm>> -> memref<1x40x128xi32, #tpu.memory_space<hbm>>
        %dma_wait3A_83 = tpu.memref_squeeze %dma_wait3A_82 : memref<1x40x128xi32, #tpu.memory_space<hbm>> -> memref<40x128xi32, #tpu.memory_space<hbm>>
        %dma_wait3A_84 = arith.constant 0 : i32
        %dma_wait3A_85 = tpu.memref_slice %arg3[%add3A, %mul3A_48, %dma_wait3A_84] : memref<32x80x128xi32, #tpu.memory_space<hbm>> -> memref<1x40x128xi32, #tpu.memory_space<hbm>>
        %dma_wait3A_86 = tpu.memref_squeeze %dma_wait3A_85 : memref<1x40x128xi32, #tpu.memory_space<hbm>> -> memref<40x128xi32, #tpu.memory_space<hbm>>
        tpu.wait_dma2 semaphore(%run_scoped3A : memref<!tpu.dma_semaphore, #tpu.memory_space<semaphore_mem>>) src(%dma_wait3A_86 : memref<40x128xi32, #tpu.memory_space<hbm>>) dst(%arg6 : memref<40x128xi32, #tpu.memory_space<vmem>>)
        tpu.yield
      }) : () -> ()
      %mul3A_49 = arith.constant 40 : i32
      %mul3A_50 = arith.muli %scan3A_46, %mul3A_49 : i32
      "tpu.region"() ({
        %run_scoped3A = tpu.sem_alloc : memref<!tpu.dma_semaphore, #tpu.memory_space<semaphore_mem>>
        %dma_start3A_76 = arith.constant 0 : i32
        %dma_start3A_77 = tpu.memref_slice %arg4[%add3A, %mul3A_50, %dma_start3A_76] : memref<32x80x128xi32, #tpu.memory_space<hbm>> -> memref<1x40x128xi32, #tpu.memory_space<hbm>>
        %dma_start3A_78 = tpu.memref_squeeze %dma_start3A_77 : memref<1x40x128xi32, #tpu.memory_space<hbm>> -> memref<40x128xi32, #tpu.memory_space<hbm>>
        %dma_start3A_79 = arith.constant 0 : i32
        %dma_start3A_80 = tpu.memref_slice %arg4[%add3A, %mul3A_50, %dma_start3A_79] : memref<32x80x128xi32, #tpu.memory_space<hbm>> -> memref<1x40x128xi32, #tpu.memory_space<hbm>>
        %dma_start3A_81 = tpu.memref_squeeze %dma_start3A_80 : memref<1x40x128xi32, #tpu.memory_space<hbm>> -> memref<40x128xi32, #tpu.memory_space<hbm>>
        tpu.enqueue_dma source(%dma_start3A_81 : memref<40x128xi32, #tpu.memory_space<hbm>>) target(%arg7 : memref<40x128xi32, #tpu.memory_space<vmem>>) target_semaphore(%run_scoped3A : memref<!tpu.dma_semaphore, #tpu.memory_space<semaphore_mem>>)
        %dma_wait3A = arith.constant 0 : i32
        %dma_wait3A_82 = tpu.memref_slice %arg4[%add3A, %mul3A_50, %dma_wait3A] : memref<32x80x128xi32, #tpu.memory_space<hbm>> -> memref<1x40x128xi32, #tpu.memory_space<hbm>>
        %dma_wait3A_83 = tpu.memref_squeeze %dma_wait3A_82 : memref<1x40x128xi32, #tpu.memory_space<hbm>> -> memref<40x128xi32, #tpu.memory_space<hbm>>
        %dma_wait3A_84 = arith.constant 0 : i32
        %dma_wait3A_85 = tpu.memref_slice %arg4[%add3A, %mul3A_50, %dma_wait3A_84] : memref<32x80x128xi32, #tpu.memory_space<hbm>> -> memref<1x40x128xi32, #tpu.memory_space<hbm>>
        %dma_wait3A_86 = tpu.memref_squeeze %dma_wait3A_85 : memref<1x40x128xi32, #tpu.memory_space<hbm>> -> memref<40x128xi32, #tpu.memory_space<hbm>>
        tpu.wait_dma2 semaphore(%run_scoped3A : memref<!tpu.dma_semaphore, #tpu.memory_space<semaphore_mem>>) src(%dma_wait3A_86 : memref<40x128xi32, #tpu.memory_space<hbm>>) dst(%arg7 : memref<40x128xi32, #tpu.memory_space<vmem>>)
        tpu.yield
      }) : () -> ()
      %dma_start3A = arith.constant 0 : i32
      %dma_start3A_51 = arith.constant 0 : i32
      %dma_start3A_52 = arith.constant 0 : i32
      %dma_start3A_53 = tpu.memref_slice %arg8[%dma_start3A_51, %dma_start3A_52] : memref<128x128xf32, #tpu.memory_space<vmem>> -> memref<64x128xf32, #tpu.memory_space<vmem>>
      %dma_start3A_54 = arith.constant 0 : i32
      %dma_start3A_55 = tpu.memref_slice %arg6[%dma_start3A, %dma_start3A_54] : memref<40x128xi32, #tpu.memory_space<vmem>> -> memref<1x64xi32, #tpu.memory_space<vmem>>
      %dma_start3A_56 = tpu.memref_squeeze %dma_start3A_55 : memref<1x64xi32, #tpu.memory_space<vmem>> -> memref<64xi32, #tpu.memory_space<vmem>>
      %dma_start3A_57 = arith.constant 0 : i32
      %dma_start3A_58 = arith.constant 0 : i32
      %dma_start3A_59 = tpu.memref_slice %arg2[%dma_start3A_57, %dma_start3A_58] : memref<10000x128xf32, #tpu.memory_space<hbm>> -> memref<10000x128xf32, #tpu.memory_space<hbm>>
      tpu.enqueue_indirect_dma source(%dma_start3A_59 : memref<10000x128xf32, #tpu.memory_space<hbm>>) target(%dma_start3A_53 : memref<64x128xf32, #tpu.memory_space<vmem>>) offsets(%dma_start3A_56 : memref<64xi32, #tpu.memory_space<vmem>>) semaphore(%arg11 : memref<!tpu.dma_semaphore, #tpu.memory_space<semaphore_mem>>)
      %dma_start3A_60 = arith.constant 0 : i32
      %dma_start3A_61 = arith.constant 64 : i32
      %dma_start3A_62 = arith.constant 0 : i32
      %dma_start3A_63 = tpu.memref_slice %arg8[%dma_start3A_61, %dma_start3A_62] : memref<128x128xf32, #tpu.memory_space<vmem>> -> memref<64x128xf32, #tpu.memory_space<vmem>>
      %dma_start3A_64 = arith.constant 64 : i32
      %dma_start3A_65 = tpu.memref_slice %arg6[%dma_start3A_60, %dma_start3A_64] : memref<40x128xi32, #tpu.memory_space<vmem>> -> memref<1x64xi32, #tpu.memory_space<vmem>>
      %dma_start3A_66 = tpu.memref_squeeze %dma_start3A_65 : memref<1x64xi32, #tpu.memory_space<vmem>> -> memref<64xi32, #tpu.memory_space<vmem>>
      %dma_start3A_67 = arith.constant 0 : i32
      %dma_start3A_68 = arith.constant 0 : i32
      %dma_start3A_69 = tpu.memref_slice %arg2[%dma_start3A_67, %dma_start3A_68] : memref<10000x128xf32, #tpu.memory_space<hbm>> -> memref<10000x128xf32, #tpu.memory_space<hbm>>
      tpu.enqueue_indirect_dma source(%dma_start3A_69 : memref<10000x128xf32, #tpu.memory_space<hbm>>) target(%dma_start3A_63 : memref<64x128xf32, #tpu.memory_space<vmem>>) offsets(%dma_start3A_66 : memref<64xi32, #tpu.memory_space<vmem>>) semaphore(%arg11 : memref<!tpu.dma_semaphore, #tpu.memory_space<semaphore_mem>>)
      %scan3A_70 = arith.constant 0 : i32
      %scan3A_71 = arith.constant 0 : i32
      %scan3A_72 = arith.constant 20 : i32
      %scan3A_73 = arith.addi %scan3A_71, %scan3A_72 : i32
      %scan3A_74 = arith.constant 1 : i32
      scf.for %scan3A_76 = %scan3A_71 to %scan3A_73 step %scan3A_74  : i32 {
        %mul3A_77 = arith.constant 2 : i32
        %mul3A_78 = arith.muli %mul3A_77, %scan3A_76 : i32
        %add3A_79 = arith.constant 1 : i32
        %add3A_80 = arith.addi %mul3A_78, %add3A_79 : i32
        %dma_start3A_81 = arith.constant 0 : i32
        %dma_start3A_82 = arith.constant 0 : i32
        %dma_start3A_83 = tpu.memref_slice %arg9[%dma_start3A_81, %dma_start3A_82] : memref<128x128xf32, #tpu.memory_space<vmem>> -> memref<64x128xf32, #tpu.memory_space<vmem>>
        %dma_start3A_84 = arith.constant 0 : i32
        %dma_start3A_85 = tpu.memref_slice %arg6[%add3A_80, %dma_start3A_84] : memref<40x128xi32, #tpu.memory_space<vmem>> -> memref<1x64xi32, #tpu.memory_space<vmem>>
        %dma_start3A_86 = tpu.memref_squeeze %dma_start3A_85 : memref<1x64xi32, #tpu.memory_space<vmem>> -> memref<64xi32, #tpu.memory_space<vmem>>
        %dma_start3A_87 = arith.constant 0 : i32
        %dma_start3A_88 = arith.constant 0 : i32
        %dma_start3A_89 = tpu.memref_slice %arg2[%dma_start3A_87, %dma_start3A_88] : memref<10000x128xf32, #tpu.memory_space<hbm>> -> memref<10000x128xf32, #tpu.memory_space<hbm>>
        tpu.enqueue_indirect_dma source(%dma_start3A_89 : memref<10000x128xf32, #tpu.memory_space<hbm>>) target(%dma_start3A_83 : memref<64x128xf32, #tpu.memory_space<vmem>>) offsets(%dma_start3A_86 : memref<64xi32, #tpu.memory_space<vmem>>) semaphore(%arg12 : memref<!tpu.dma_semaphore, #tpu.memory_space<semaphore_mem>>)
        %dma_start3A_90 = arith.constant 64 : i32
        %dma_start3A_91 = arith.constant 0 : i32
        %dma_start3A_92 = tpu.memref_slice %arg9[%dma_start3A_90, %dma_start3A_91] : memref<128x128xf32, #tpu.memory_space<vmem>> -> memref<64x128xf32, #tpu.memory_space<vmem>>
        %dma_start3A_93 = arith.constant 64 : i32
        %dma_start3A_94 = tpu.memref_slice %arg6[%add3A_80, %dma_start3A_93] : memref<40x128xi32, #tpu.memory_space<vmem>> -> memref<1x64xi32, #tpu.memory_space<vmem>>
        %dma_start3A_95 = tpu.memref_squeeze %dma_start3A_94 : memref<1x64xi32, #tpu.memory_space<vmem>> -> memref<64xi32, #tpu.memory_space<vmem>>
        %dma_start3A_96 = arith.constant 0 : i32
        %dma_start3A_97 = arith.constant 0 : i32
        %dma_start3A_98 = tpu.memref_slice %arg2[%dma_start3A_96, %dma_start3A_97] : memref<10000x128xf32, #tpu.memory_space<hbm>> -> memref<10000x128xf32, #tpu.memory_space<hbm>>
        tpu.enqueue_indirect_dma source(%dma_start3A_98 : memref<10000x128xf32, #tpu.memory_space<hbm>>) target(%dma_start3A_92 : memref<64x128xf32, #tpu.memory_space<vmem>>) offsets(%dma_start3A_95 : memref<64xi32, #tpu.memory_space<vmem>>) semaphore(%arg12 : memref<!tpu.dma_semaphore, #tpu.memory_space<semaphore_mem>>)
        %dma_wait3A = arith.constant 0 : i32
        %dma_wait3A_99 = arith.constant 0 : i32
        %dma_wait3A_100 = tpu.memref_slice %arg8[%dma_wait3A, %dma_wait3A_99] : memref<128x128xf32, #tpu.memory_space<vmem>> -> memref<64x128xf32, #tpu.memory_space<vmem>>
        %dma_wait3A_101 = arith.constant 0 : i32
        %dma_wait3A_102 = tpu.memref_slice %arg6[%mul3A_78, %dma_wait3A_101] : memref<40x128xi32, #tpu.memory_space<vmem>> -> memref<1x64xi32, #tpu.memory_space<vmem>>
        %dma_wait3A_103 = tpu.memref_squeeze %dma_wait3A_102 : memref<1x64xi32, #tpu.memory_space<vmem>> -> memref<64xi32, #tpu.memory_space<vmem>>
        %dma_wait3A_104 = arith.constant 0 : i32
        %dma_wait3A_105 = arith.constant 0 : i32
        %dma_wait3A_106 = tpu.memref_slice %arg2[%dma_wait3A_104, %dma_wait3A_105] : memref<10000x128xf32, #tpu.memory_space<hbm>> -> memref<10000x128xf32, #tpu.memory_space<hbm>>
        tpu.wait_indirect_dma semaphore(%arg11 : memref<!tpu.dma_semaphore, #tpu.memory_space<semaphore_mem>>) src(%dma_wait3A_106 : memref<10000x128xf32, #tpu.memory_space<hbm>>) dst(%dma_wait3A_100 : memref<64x128xf32, #tpu.memory_space<vmem>>)
        %dma_wait3A_107 = arith.constant 64 : i32
        %dma_wait3A_108 = arith.constant 0 : i32
        %dma_wait3A_109 = tpu.memref_slice %arg8[%dma_wait3A_107, %dma_wait3A_108] : memref<128x128xf32, #tpu.memory_space<vmem>> -> memref<64x128xf32, #tpu.memory_space<vmem>>
        %dma_wait3A_110 = arith.constant 64 : i32
        %dma_wait3A_111 = tpu.memref_slice %arg6[%mul3A_78, %dma_wait3A_110] : memref<40x128xi32, #tpu.memory_space<vmem>> -> memref<1x64xi32, #tpu.memory_space<vmem>>
        %dma_wait3A_112 = tpu.memref_squeeze %dma_wait3A_111 : memref<1x64xi32, #tpu.memory_space<vmem>> -> memref<64xi32, #tpu.memory_space<vmem>>
        %dma_wait3A_113 = arith.constant 0 : i32
        %dma_wait3A_114 = arith.constant 0 : i32
        %dma_wait3A_115 = tpu.memref_slice %arg2[%dma_wait3A_113, %dma_wait3A_114] : memref<10000x128xf32, #tpu.memory_space<hbm>> -> memref<10000x128xf32, #tpu.memory_space<hbm>>
        tpu.wait_indirect_dma semaphore(%arg11 : memref<!tpu.dma_semaphore, #tpu.memory_space<semaphore_mem>>) src(%dma_wait3A_115 : memref<10000x128xf32, #tpu.memory_space<hbm>>) dst(%dma_wait3A_109 : memref<64x128xf32, #tpu.memory_space<vmem>>)
        "tpu.region"() ({
          %run_scoped3A = tpu.sem_alloc : memref<!tpu.dma_semaphore, #tpu.memory_space<semaphore_mem>>
          %dma_start3A_136 = arith.constant 0 : i32
          %dma_start3A_137 = tpu.memref_slice %arg7[%mul3A_78, %dma_start3A_136] : memref<40x128xi32, #tpu.memory_space<vmem>> -> memref<1x128xi32, #tpu.memory_space<vmem>>
          %dma_start3A_138 = tpu.memref_squeeze %dma_start3A_137 : memref<1x128xi32, #tpu.memory_space<vmem>> -> memref<128xi32, #tpu.memory_space<vmem>>
          %dma_start3A_139 = arith.constant 0 : i32
          %dma_start3A_140 = arith.constant 0 : i32
          %dma_start3A_141 = tpu.memref_slice %arg10[%dma_start3A_139, %dma_start3A_140] : memref<10240x128xf32, #tpu.memory_space<vmem_shared>> -> memref<10240x128xf32, #tpu.memory_space<vmem_shared>>
          tpu.enqueue_indirect_dma source(%arg8 : memref<128x128xf32, #tpu.memory_space<vmem>>) target(%dma_start3A_141 : memref<10240x128xf32, #tpu.memory_space<vmem_shared>>) offsets(%dma_start3A_138 : memref<128xi32, #tpu.memory_space<vmem>>) semaphore(%run_scoped3A : memref<!tpu.dma_semaphore, #tpu.memory_space<semaphore_mem>>) {add = true}
          %dma_wait3A_142 = arith.constant 0 : i32
          %dma_wait3A_143 = tpu.memref_slice %arg7[%mul3A_78, %dma_wait3A_142] : memref<40x128xi32, #tpu.memory_space<vmem>> -> memref<1x128xi32, #tpu.memory_space<vmem>>
          %dma_wait3A_144 = tpu.memref_squeeze %dma_wait3A_143 : memref<1x128xi32, #tpu.memory_space<vmem>> -> memref<128xi32, #tpu.memory_space<vmem>>
          %dma_wait3A_145 = arith.constant 0 : i32
          %dma_wait3A_146 = arith.constant 0 : i32
          %dma_wait3A_147 = tpu.memref_slice %arg10[%dma_wait3A_145, %dma_wait3A_146] : memref<10240x128xf32, #tpu.memory_space<vmem_shared>> -> memref<10240x128xf32, #tpu.memory_space<vmem_shared>>
          tpu.wait_indirect_dma semaphore(%run_scoped3A : memref<!tpu.dma_semaphore, #tpu.memory_space<semaphore_mem>>) src(%arg8 : memref<128x128xf32, #tpu.memory_space<vmem>>) dst(%dma_wait3A_147 : memref<10240x128xf32, #tpu.memory_space<vmem_shared>>)
          tpu.yield
        }) : () -> ()
        %lt3A = arith.constant 19 : i32
        %lt3A_116 = arith.cmpi slt, %scan3A_76, %lt3A : i32
        %convert_element_type3A = arith.extui %lt3A_116 : i1 to i32
        %cond3A = arith.constant 0 : i32
        %cond3A_117 = arith.cmpi ne, %convert_element_type3A, %cond3A : i32
        scf.if %cond3A_117 {
          %add3A_136 = arith.constant 2 : i32
          %add3A_137 = arith.addi %mul3A_78, %add3A_136 : i32
          %dma_start3A_138 = arith.constant 0 : i32
          %dma_start3A_139 = arith.constant 0 : i32
          %dma_start3A_140 = tpu.memref_slice %arg8[%dma_start3A_138, %dma_start3A_139] : memref<128x128xf32, #tpu.memory_space<vmem>> -> memref<64x128xf32, #tpu.memory_space<vmem>>
          %dma_start3A_141 = arith.constant 0 : i32
          %dma_start3A_142 = tpu.memref_slice %arg6[%add3A_137, %dma_start3A_141] : memref<40x128xi32, #tpu.memory_space<vmem>> -> memref<1x64xi32, #tpu.memory_space<vmem>>
          %dma_start3A_143 = tpu.memref_squeeze %dma_start3A_142 : memref<1x64xi32, #tpu.memory_space<vmem>> -> memref<64xi32, #tpu.memory_space<vmem>>
          %dma_start3A_144 = arith.constant 0 : i32
          %dma_start3A_145 = arith.constant 0 : i32
          %dma_start3A_146 = tpu.memref_slice %arg2[%dma_start3A_144, %dma_start3A_145] : memref<10000x128xf32, #tpu.memory_space<hbm>> -> memref<10000x128xf32, #tpu.memory_space<hbm>>
          tpu.enqueue_indirect_dma source(%dma_start3A_146 : memref<10000x128xf32, #tpu.memory_space<hbm>>) target(%dma_start3A_140 : memref<64x128xf32, #tpu.memory_space<vmem>>) offsets(%dma_start3A_143 : memref<64xi32, #tpu.memory_space<vmem>>) semaphore(%arg11 : memref<!tpu.dma_semaphore, #tpu.memory_space<semaphore_mem>>)
          %dma_start3A_147 = arith.constant 64 : i32
          %dma_start3A_148 = arith.constant 0 : i32
          %dma_start3A_149 = tpu.memref_slice %arg8[%dma_start3A_147, %dma_start3A_148] : memref<128x128xf32, #tpu.memory_space<vmem>> -> memref<64x128xf32, #tpu.memory_space<vmem>>
          %dma_start3A_150 = arith.constant 64 : i32
          %dma_start3A_151 = tpu.memref_slice %arg6[%add3A_137, %dma_start3A_150] : memref<40x128xi32, #tpu.memory_space<vmem>> -> memref<1x64xi32, #tpu.memory_space<vmem>>
          %dma_start3A_152 = tpu.memref_squeeze %dma_start3A_151 : memref<1x64xi32, #tpu.memory_space<vmem>> -> memref<64xi32, #tpu.memory_space<vmem>>
          %dma_start3A_153 = arith.constant 0 : i32
          %dma_start3A_154 = arith.constant 0 : i32
          %dma_start3A_155 = tpu.memref_slice %arg2[%dma_start3A_153, %dma_start3A_154] : memref<10000x128xf32, #tpu.memory_space<hbm>> -> memref<10000x128xf32, #tpu.memory_space<hbm>>
          tpu.enqueue_indirect_dma source(%dma_start3A_155 : memref<10000x128xf32, #tpu.memory_space<hbm>>) target(%dma_start3A_149 : memref<64x128xf32, #tpu.memory_space<vmem>>) offsets(%dma_start3A_152 : memref<64xi32, #tpu.memory_space<vmem>>) semaphore(%arg11 : memref<!tpu.dma_semaphore, #tpu.memory_space<semaphore_mem>>)
        } else {
        }
        %dma_wait3A_118 = arith.constant 0 : i32
        %dma_wait3A_119 = arith.constant 0 : i32
        %dma_wait3A_120 = tpu.memref_slice %arg9[%dma_wait3A_118, %dma_wait3A_119] : memref<128x128xf32, #tpu.memory_space<vmem>> -> memref<64x128xf32, #tpu.memory_space<vmem>>
        %dma_wait3A_121 = arith.constant 0 : i32
        %dma_wait3A_122 = tpu.memref_slice %arg6[%add3A_80, %dma_wait3A_121] : memref<40x128xi32, #tpu.memory_space<vmem>> -> memref<1x64xi32, #tpu.memory_space<vmem>>
        %dma_wait3A_123 = tpu.memref_squeeze %dma_wait3A_122 : memref<1x64xi32, #tpu.memory_space<vmem>> -> memref<64xi32, #tpu.memory_space<vmem>>
        %dma_wait3A_124 = arith.constant 0 : i32
        %dma_wait3A_125 = arith.constant 0 : i32
        %dma_wait3A_126 = tpu.memref_slice %arg2[%dma_wait3A_124, %dma_wait3A_125] : memref<10000x128xf32, #tpu.memory_space<hbm>> -> memref<10000x128xf32, #tpu.memory_space<hbm>>
        tpu.wait_indirect_dma semaphore(%arg12 : memref<!tpu.dma_semaphore, #tpu.memory_space<semaphore_mem>>) src(%dma_wait3A_126 : memref<10000x128xf32, #tpu.memory_space<hbm>>) dst(%dma_wait3A_120 : memref<64x128xf32, #tpu.memory_space<vmem>>)
        %dma_wait3A_127 = arith.constant 64 : i32
        %dma_wait3A_128 = arith.constant 0 : i32
        %dma_wait3A_129 = tpu.memref_slice %arg9[%dma_wait3A_127, %dma_wait3A_128] : memref<128x128xf32, #tpu.memory_space<vmem>> -> memref<64x128xf32, #tpu.memory_space<vmem>>
        %dma_wait3A_130 = arith.constant 64 : i32
        %dma_wait3A_131 = tpu.memref_slice %arg6[%add3A_80, %dma_wait3A_130] : memref<40x128xi32, #tpu.memory_space<vmem>> -> memref<1x64xi32, #tpu.memory_space<vmem>>
        %dma_wait3A_132 = tpu.memref_squeeze %dma_wait3A_131 : memref<1x64xi32, #tpu.memory_space<vmem>> -> memref<64xi32, #tpu.memory_space<vmem>>
        %dma_wait3A_133 = arith.constant 0 : i32
        %dma_wait3A_134 = arith.constant 0 : i32
        %dma_wait3A_135 = tpu.memref_slice %arg2[%dma_wait3A_133, %dma_wait3A_134] : memref<10000x128xf32, #tpu.memory_space<hbm>> -> memref<10000x128xf32, #tpu.memory_space<hbm>>
        tpu.wait_indirect_dma semaphore(%arg12 : memref<!tpu.dma_semaphore, #tpu.memory_space<semaphore_mem>>) src(%dma_wait3A_135 : memref<10000x128xf32, #tpu.memory_space<hbm>>) dst(%dma_wait3A_129 : memref<64x128xf32, #tpu.memory_space<vmem>>)
        "tpu.region"() ({
          %run_scoped3A = tpu.sem_alloc : memref<!tpu.dma_semaphore, #tpu.memory_space<semaphore_mem>>
          %dma_start3A_136 = arith.constant 0 : i32
          %dma_start3A_137 = tpu.memref_slice %arg7[%add3A_80, %dma_start3A_136] : memref<40x128xi32, #tpu.memory_space<vmem>> -> memref<1x128xi32, #tpu.memory_space<vmem>>
          %dma_start3A_138 = tpu.memref_squeeze %dma_start3A_137 : memref<1x128xi32, #tpu.memory_space<vmem>> -> memref<128xi32, #tpu.memory_space<vmem>>
          %dma_start3A_139 = arith.constant 0 : i32
          %dma_start3A_140 = arith.constant 0 : i32
          %dma_start3A_141 = tpu.memref_slice %arg10[%dma_start3A_139, %dma_start3A_140] : memref<10240x128xf32, #tpu.memory_space<vmem_shared>> -> memref<10240x128xf32, #tpu.memory_space<vmem_shared>>
          tpu.enqueue_indirect_dma source(%arg9 : memref<128x128xf32, #tpu.memory_space<vmem>>) target(%dma_start3A_141 : memref<10240x128xf32, #tpu.memory_space<vmem_shared>>) offsets(%dma_start3A_138 : memref<128xi32, #tpu.memory_space<vmem>>) semaphore(%run_scoped3A : memref<!tpu.dma_semaphore, #tpu.memory_space<semaphore_mem>>) {add = true}
          %dma_wait3A_142 = arith.constant 0 : i32
          %dma_wait3A_143 = tpu.memref_slice %arg7[%add3A_80, %dma_wait3A_142] : memref<40x128xi32, #tpu.memory_space<vmem>> -> memref<1x128xi32, #tpu.memory_space<vmem>>
          %dma_wait3A_144 = tpu.memref_squeeze %dma_wait3A_143 : memref<1x128xi32, #tpu.memory_space<vmem>> -> memref<128xi32, #tpu.memory_space<vmem>>
          %dma_wait3A_145 = arith.constant 0 : i32
          %dma_wait3A_146 = arith.constant 0 : i32
          %dma_wait3A_147 = tpu.memref_slice %arg10[%dma_wait3A_145, %dma_wait3A_146] : memref<10240x128xf32, #tpu.memory_space<vmem_shared>> -> memref<10240x128xf32, #tpu.memory_space<vmem_shared>>
          tpu.wait_indirect_dma semaphore(%run_scoped3A : memref<!tpu.dma_semaphore, #tpu.memory_space<semaphore_mem>>) src(%arg9 : memref<128x128xf32, #tpu.memory_space<vmem>>) dst(%dma_wait3A_147 : memref<10240x128xf32, #tpu.memory_space<vmem_shared>>)
          tpu.yield
        }) : () -> ()
      }
      %scan3A_75 = arith.constant 20 : i32
    }
    %scan3A_24 = arith.constant 2 : i32
    %barrier3A_25 = arith.constant 0 : index
    tpu.barrier barrier_id(%barrier3A_25)
    %add3A_26 = arith.constant 0 : i32
    %add3A_27 = arith.addi %mul3A_2, %add3A_26 : i32
    "tpu.region"() ({
      %run_scoped3A = tpu.sem_alloc : memref<!tpu.dma_semaphore, #tpu.memory_space<semaphore_mem>>
      %dma_start3A = arith.constant 0 : i32
      %dma_start3A_46 = tpu.memref_slice %arg10[%add3A_27, %dma_start3A] : memref<10240x128xf32, #tpu.memory_space<vmem_shared>> -> memref<128x128xf32, #tpu.memory_space<vmem_shared>>
      %dma_start3A_47 = arith.constant 0 : i32
      %dma_start3A_48 = tpu.memref_slice %arg10[%add3A_27, %dma_start3A_47] : memref<10240x128xf32, #tpu.memory_space<vmem_shared>> -> memref<128x128xf32, #tpu.memory_space<vmem_shared>>
      tpu.enqueue_dma source(%dma_start3A_48 : memref<128x128xf32, #tpu.memory_space<vmem_shared>>) target(%arg8 : memref<128x128xf32, #tpu.memory_space<vmem>>) target_semaphore(%run_scoped3A : memref<!tpu.dma_semaphore, #tpu.memory_space<semaphore_mem>>)
      %dma_wait3A = arith.constant 0 : i32
      %dma_wait3A_49 = tpu.memref_slice %arg10[%add3A_27, %dma_wait3A] : memref<10240x128xf32, #tpu.memory_space<vmem_shared>> -> memref<128x128xf32, #tpu.memory_space<vmem_shared>>
      %dma_wait3A_50 = arith.constant 0 : i32
      %dma_wait3A_51 = tpu.memref_slice %arg10[%add3A_27, %dma_wait3A_50] : memref<10240x128xf32, #tpu.memory_space<vmem_shared>> -> memref<128x128xf32, #tpu.memory_space<vmem_shared>>
      tpu.wait_dma2 semaphore(%run_scoped3A : memref<!tpu.dma_semaphore, #tpu.memory_space<semaphore_mem>>) src(%dma_wait3A_51 : memref<128x128xf32, #tpu.memory_space<vmem_shared>>) dst(%arg8 : memref<128x128xf32, #tpu.memory_space<vmem>>)
      tpu.yield
    }) : () -> ()
    %add3A_28 = arith.constant 0 : i32
    %add3A_29 = arith.addi %mul3A_2, %add3A_28 : i32
    "tpu.region"() ({
      %run_scoped3A = tpu.sem_alloc : memref<!tpu.dma_semaphore, #tpu.memory_space<semaphore_mem>>
      %dma_start3A = arith.constant 0 : i32
      %dma_start3A_46 = tpu.memref_slice %arg5[%arg0, %add3A_29, %dma_start3A] : memref<2x10240x128xf32, #tpu.memory_space<hbm>> -> memref<1x128x128xf32, #tpu.memory_space<hbm>>
      %dma_start3A_47 = tpu.memref_squeeze %dma_start3A_46 : memref<1x128x128xf32, #tpu.memory_space<hbm>> -> memref<128x128xf32, #tpu.memory_space<hbm>>
      %dma_start3A_48 = arith.constant 0 : i32
      %dma_start3A_49 = tpu.memref_slice %arg5[%arg0, %add3A_29, %dma_start3A_48] : memref<2x10240x128xf32, #tpu.memory_space<hbm>> -> memref<1x128x128xf32, #tpu.memory_space<hbm>>
      %dma_start3A_50 = tpu.memref_squeeze %dma_start3A_49 : memref<1x128x128xf32, #tpu.memory_space<hbm>> -> memref<128x128xf32, #tpu.memory_space<hbm>>
      tpu.enqueue_dma source(%arg8 : memref<128x128xf32, #tpu.memory_space<vmem>>) target(%dma_start3A_50 : memref<128x128xf32, #tpu.memory_space<hbm>>) target_semaphore(%run_scoped3A : memref<!tpu.dma_semaphore, #tpu.memory_space<semaphore_mem>>)
      %dma_wait3A = arith.constant 0 : i32
      %dma_wait3A_51 = tpu.memref_slice %arg5[%arg0, %add3A_29, %dma_wait3A] : memref<2x10240x128xf32, #tpu.memory_space<hbm>> -> memref<1x128x128xf32, #tpu.memory_space<hbm>>
      %dma_wait3A_52 = tpu.memref_squeeze %dma_wait3A_51 : memref<1x128x128xf32, #tpu.memory_space<hbm>> -> memref<128x128xf32, #tpu.memory_space<hbm>>
      %dma_wait3A_53 = arith.constant 0 : i32
      %dma_wait3A_54 = tpu.memref_slice %arg5[%arg0, %add3A_29, %dma_wait3A_53] : memref<2x10240x128xf32, #tpu.memory_space<hbm>> -> memref<1x128x128xf32, #tpu.memory_space<hbm>>
      %dma_wait3A_55 = tpu.memref_squeeze %dma_wait3A_54 : memref<1x128x128xf32, #tpu.memory_space<hbm>> -> memref<128x128xf32, #tpu.memory_space<hbm>>
      tpu.wait_dma2 semaphore(%run_scoped3A : memref<!tpu.dma_semaphore, #tpu.memory_space<semaphore_mem>>) src(%arg8 : memref<128x128xf32, #tpu.memory_space<vmem>>) dst(%dma_wait3A_55 : memref<128x128xf32, #tpu.memory_space<hbm>>)
      tpu.yield
    }) : () -> ()
    %add3A_30 = arith.constant 128 : i32
    %add3A_31 = arith.addi %mul3A_2, %add3A_30 : i32
    "tpu.region"() ({
      %run_scoped3A = tpu.sem_alloc : memref<!tpu.dma_semaphore, #tpu.memory_space<semaphore_mem>>
      %dma_start3A = arith.constant 0 : i32
      %dma_start3A_46 = tpu.memref_slice %arg10[%add3A_31, %dma_start3A] : memref<10240x128xf32, #tpu.memory_space<vmem_shared>> -> memref<128x128xf32, #tpu.memory_space<vmem_shared>>
      %dma_start3A_47 = arith.constant 0 : i32
      %dma_start3A_48 = tpu.memref_slice %arg10[%add3A_31, %dma_start3A_47] : memref<10240x128xf32, #tpu.memory_space<vmem_shared>> -> memref<128x128xf32, #tpu.memory_space<vmem_shared>>
      tpu.enqueue_dma source(%dma_start3A_48 : memref<128x128xf32, #tpu.memory_space<vmem_shared>>) target(%arg8 : memref<128x128xf32, #tpu.memory_space<vmem>>) target_semaphore(%run_scoped3A : memref<!tpu.dma_semaphore, #tpu.memory_space<semaphore_mem>>)
      %dma_wait3A = arith.constant 0 : i32
      %dma_wait3A_49 = tpu.memref_slice %arg10[%add3A_31, %dma_wait3A] : memref<10240x128xf32, #tpu.memory_space<vmem_shared>> -> memref<128x128xf32, #tpu.memory_space<vmem_shared>>
      %dma_wait3A_50 = arith.constant 0 : i32
      %dma_wait3A_51 = tpu.memref_slice %arg10[%add3A_31, %dma_wait3A_50] : memref<10240x128xf32, #tpu.memory_space<vmem_shared>> -> memref<128x128xf32, #tpu.memory_space<vmem_shared>>
      tpu.wait_dma2 semaphore(%run_scoped3A : memref<!tpu.dma_semaphore, #tpu.memory_space<semaphore_mem>>) src(%dma_wait3A_51 : memref<128x128xf32, #tpu.memory_space<vmem_shared>>) dst(%arg8 : memref<128x128xf32, #tpu.memory_space<vmem>>)
      tpu.yield
    }) : () -> ()
    %add3A_32 = arith.constant 128 : i32
    %add3A_33 = arith.addi %mul3A_2, %add3A_32 : i32
    "tpu.region"() ({
      %run_scoped3A = tpu.sem_alloc : memref<!tpu.dma_semaphore, #tpu.memory_space<semaphore_mem>>
      %dma_start3A = arith.constant 0 : i32
      %dma_start3A_46 = tpu.memref_slice %arg5[%arg0, %add3A_33, %dma_start3A] : memref<2x10240x128xf32, #tpu.memory_space<hbm>> -> memref<1x128x128xf32, #tpu.memory_space<hbm>>
      %dma_start3A_47 = tpu.memref_squeeze %dma_start3A_46 : memref<1x128x128xf32, #tpu.memory_space<hbm>> -> memref<128x128xf32, #tpu.memory_space<hbm>>
      %dma_start3A_48 = arith.constant 0 : i32
      %dma_start3A_49 = tpu.memref_slice %arg5[%arg0, %add3A_33, %dma_start3A_48] : memref<2x10240x128xf32, #tpu.memory_space<hbm>> -> memref<1x128x128xf32, #tpu.memory_space<hbm>>
      %dma_start3A_50 = tpu.memref_squeeze %dma_start3A_49 : memref<1x128x128xf32, #tpu.memory_space<hbm>> -> memref<128x128xf32, #tpu.memory_space<hbm>>
      tpu.enqueue_dma source(%arg8 : memref<128x128xf32, #tpu.memory_space<vmem>>) target(%dma_start3A_50 : memref<128x128xf32, #tpu.memory_space<hbm>>) target_semaphore(%run_scoped3A : memref<!tpu.dma_semaphore, #tpu.memory_space<semaphore_mem>>)
      %dma_wait3A = arith.constant 0 : i32
      %dma_wait3A_51 = tpu.memref_slice %arg5[%arg0, %add3A_33, %dma_wait3A] : memref<2x10240x128xf32, #tpu.memory_space<hbm>> -> memref<1x128x128xf32, #tpu.memory_space<hbm>>
      %dma_wait3A_52 = tpu.memref_squeeze %dma_wait3A_51 : memref<1x128x128xf32, #tpu.memory_space<hbm>> -> memref<128x128xf32, #tpu.memory_space<hbm>>
      %dma_wait3A_53 = arith.constant 0 : i32
      %dma_wait3A_54 = tpu.memref_slice %arg5[%arg0, %add3A_33, %dma_wait3A_53] : memref<2x10240x128xf32, #tpu.memory_space<hbm>> -> memref<1x128x128xf32, #tpu.memory_space<hbm>>
      %dma_wait3A_55 = tpu.memref_squeeze %dma_wait3A_54 : memref<1x128x128xf32, #tpu.memory_space<hbm>> -> memref<128x128xf32, #tpu.memory_space<hbm>>
      tpu.wait_dma2 semaphore(%run_scoped3A : memref<!tpu.dma_semaphore, #tpu.memory_space<semaphore_mem>>) src(%arg8 : memref<128x128xf32, #tpu.memory_space<vmem>>) dst(%dma_wait3A_55 : memref<128x128xf32, #tpu.memory_space<hbm>>)
      tpu.yield
    }) : () -> ()
    %add3A_34 = arith.constant 256 : i32
    %add3A_35 = arith.addi %mul3A_2, %add3A_34 : i32
    "tpu.region"() ({
      %run_scoped3A = tpu.sem_alloc : memref<!tpu.dma_semaphore, #tpu.memory_space<semaphore_mem>>
      %dma_start3A = arith.constant 0 : i32
      %dma_start3A_46 = tpu.memref_slice %arg10[%add3A_35, %dma_start3A] : memref<10240x128xf32, #tpu.memory_space<vmem_shared>> -> memref<128x128xf32, #tpu.memory_space<vmem_shared>>
      %dma_start3A_47 = arith.constant 0 : i32
      %dma_start3A_48 = tpu.memref_slice %arg10[%add3A_35, %dma_start3A_47] : memref<10240x128xf32, #tpu.memory_space<vmem_shared>> -> memref<128x128xf32, #tpu.memory_space<vmem_shared>>
      tpu.enqueue_dma source(%dma_start3A_48 : memref<128x128xf32, #tpu.memory_space<vmem_shared>>) target(%arg8 : memref<128x128xf32, #tpu.memory_space<vmem>>) target_semaphore(%run_scoped3A : memref<!tpu.dma_semaphore, #tpu.memory_space<semaphore_mem>>)
      %dma_wait3A = arith.constant 0 : i32
      %dma_wait3A_49 = tpu.memref_slice %arg10[%add3A_35, %dma_wait3A] : memref<10240x128xf32, #tpu.memory_space<vmem_shared>> -> memref<128x128xf32, #tpu.memory_space<vmem_shared>>
      %dma_wait3A_50 = arith.constant 0 : i32
      %dma_wait3A_51 = tpu.memref_slice %arg10[%add3A_35, %dma_wait3A_50] : memref<10240x128xf32, #tpu.memory_space<vmem_shared>> -> memref<128x128xf32, #tpu.memory_space<vmem_shared>>
      tpu.wait_dma2 semaphore(%run_scoped3A : memref<!tpu.dma_semaphore, #tpu.memory_space<semaphore_mem>>) src(%dma_wait3A_51 : memref<128x128xf32, #tpu.memory_space<vmem_shared>>) dst(%arg8 : memref<128x128xf32, #tpu.memory_space<vmem>>)
      tpu.yield
    }) : () -> ()
    %add3A_36 = arith.constant 256 : i32
    %add3A_37 = arith.addi %mul3A_2, %add3A_36 : i32
    "tpu.region"() ({
      %run_scoped3A = tpu.sem_alloc : memref<!tpu.dma_semaphore, #tpu.memory_space<semaphore_mem>>
      %dma_start3A = arith.constant 0 : i32
      %dma_start3A_46 = tpu.memref_slice %arg5[%arg0, %add3A_37, %dma_start3A] : memref<2x10240x128xf32, #tpu.memory_space<hbm>> -> memref<1x128x128xf32, #tpu.memory_space<hbm>>
      %dma_start3A_47 = tpu.memref_squeeze %dma_start3A_46 : memref<1x128x128xf32, #tpu.memory_space<hbm>> -> memref<128x128xf32, #tpu.memory_space<hbm>>
      %dma_start3A_48 = arith.constant 0 : i32
      %dma_start3A_49 = tpu.memref_slice %arg5[%arg0, %add3A_37, %dma_start3A_48] : memref<2x10240x128xf32, #tpu.memory_space<hbm>> -> memref<1x128x128xf32, #tpu.memory_space<hbm>>
      %dma_start3A_50 = tpu.memref_squeeze %dma_start3A_49 : memref<1x128x128xf32, #tpu.memory_space<hbm>> -> memref<128x128xf32, #tpu.memory_space<hbm>>
      tpu.enqueue_dma source(%arg8 : memref<128x128xf32, #tpu.memory_space<vmem>>) target(%dma_start3A_50 : memref<128x128xf32, #tpu.memory_space<hbm>>) target_semaphore(%run_scoped3A : memref<!tpu.dma_semaphore, #tpu.memory_space<semaphore_mem>>)
      %dma_wait3A = arith.constant 0 : i32
      %dma_wait3A_51 = tpu.memref_slice %arg5[%arg0, %add3A_37, %dma_wait3A] : memref<2x10240x128xf32, #tpu.memory_space<hbm>> -> memref<1x128x128xf32, #tpu.memory_space<hbm>>
      %dma_wait3A_52 = tpu.memref_squeeze %dma_wait3A_51 : memref<1x128x128xf32, #tpu.memory_space<hbm>> -> memref<128x128xf32, #tpu.memory_space<hbm>>
      %dma_wait3A_53 = arith.constant 0 : i32
      %dma_wait3A_54 = tpu.memref_slice %arg5[%arg0, %add3A_37, %dma_wait3A_53] : memref<2x10240x128xf32, #tpu.memory_space<hbm>> -> memref<1x128x128xf32, #tpu.memory_space<hbm>>
      %dma_wait3A_55 = tpu.memref_squeeze %dma_wait3A_54 : memref<1x128x128xf32, #tpu.memory_space<hbm>> -> memref<128x128xf32, #tpu.memory_space<hbm>>
      tpu.wait_dma2 semaphore(%run_scoped3A : memref<!tpu.dma_semaphore, #tpu.memory_space<semaphore_mem>>) src(%arg8 : memref<128x128xf32, #tpu.memory_space<vmem>>) dst(%dma_wait3A_55 : memref<128x128xf32, #tpu.memory_space<hbm>>)
      tpu.yield
    }) : () -> ()
    %add3A_38 = arith.constant 384 : i32
    %add3A_39 = arith.addi %mul3A_2, %add3A_38 : i32
    "tpu.region"() ({
      %run_scoped3A = tpu.sem_alloc : memref<!tpu.dma_semaphore, #tpu.memory_space<semaphore_mem>>
      %dma_start3A = arith.constant 0 : i32
      %dma_start3A_46 = tpu.memref_slice %arg10[%add3A_39, %dma_start3A] : memref<10240x128xf32, #tpu.memory_space<vmem_shared>> -> memref<128x128xf32, #tpu.memory_space<vmem_shared>>
      %dma_start3A_47 = arith.constant 0 : i32
      %dma_start3A_48 = tpu.memref_slice %arg10[%add3A_39, %dma_start3A_47] : memref<10240x128xf32, #tpu.memory_space<vmem_shared>> -> memref<128x128xf32, #tpu.memory_space<vmem_shared>>
      tpu.enqueue_dma source(%dma_start3A_48 : memref<128x128xf32, #tpu.memory_space<vmem_shared>>) target(%arg8 : memref<128x128xf32, #tpu.memory_space<vmem>>) target_semaphore(%run_scoped3A : memref<!tpu.dma_semaphore, #tpu.memory_space<semaphore_mem>>)
      %dma_wait3A = arith.constant 0 : i32
      %dma_wait3A_49 = tpu.memref_slice %arg10[%add3A_39, %dma_wait3A] : memref<10240x128xf32, #tpu.memory_space<vmem_shared>> -> memref<128x128xf32, #tpu.memory_space<vmem_shared>>
      %dma_wait3A_50 = arith.constant 0 : i32
      %dma_wait3A_51 = tpu.memref_slice %arg10[%add3A_39, %dma_wait3A_50] : memref<10240x128xf32, #tpu.memory_space<vmem_shared>> -> memref<128x128xf32, #tpu.memory_space<vmem_shared>>
      tpu.wait_dma2 semaphore(%run_scoped3A : memref<!tpu.dma_semaphore, #tpu.memory_space<semaphore_mem>>) src(%dma_wait3A_51 : memref<128x128xf32, #tpu.memory_space<vmem_shared>>) dst(%arg8 : memref<128x128xf32, #tpu.memory_space<vmem>>)
      tpu.yield
    }) : () -> ()
    %add3A_40 = arith.constant 384 : i32
    %add3A_41 = arith.addi %mul3A_2, %add3A_40 : i32
    "tpu.region"() ({
      %run_scoped3A = tpu.sem_alloc : memref<!tpu.dma_semaphore, #tpu.memory_space<semaphore_mem>>
      %dma_start3A = arith.constant 0 : i32
      %dma_start3A_46 = tpu.memref_slice %arg5[%arg0, %add3A_41, %dma_start3A] : memref<2x10240x128xf32, #tpu.memory_space<hbm>> -> memref<1x128x128xf32, #tpu.memory_space<hbm>>
      %dma_start3A_47 = tpu.memref_squeeze %dma_start3A_46 : memref<1x128x128xf32, #tpu.memory_space<hbm>> -> memref<128x128xf32, #tpu.memory_space<hbm>>
      %dma_start3A_48 = arith.constant 0 : i32
      %dma_start3A_49 = tpu.memref_slice %arg5[%arg0, %add3A_41, %dma_start3A_48] : memref<2x10240x128xf32, #tpu.memory_space<hbm>> -> memref<1x128x128xf32, #tpu.memory_space<hbm>>
      %dma_start3A_50 = tpu.memref_squeeze %dma_start3A_49 : memref<1x128x128xf32, #tpu.memory_space<hbm>> -> memref<128x128xf32, #tpu.memory_space<hbm>>
      tpu.enqueue_dma source(%arg8 : memref<128x128xf32, #tpu.memory_space<vmem>>) target(%dma_start3A_50 : memref<128x128xf32, #tpu.memory_space<hbm>>) target_semaphore(%run_scoped3A : memref<!tpu.dma_semaphore, #tpu.memory_space<semaphore_mem>>)
      %dma_wait3A = arith.constant 0 : i32
      %dma_wait3A_51 = tpu.memref_slice %arg5[%arg0, %add3A_41, %dma_wait3A] : memref<2x10240x128xf32, #tpu.memory_space<hbm>> -> memref<1x128x128xf32, #tpu.memory_space<hbm>>
      %dma_wait3A_52 = tpu.memref_squeeze %dma_wait3A_51 : memref<1x128x128xf32, #tpu.memory_space<hbm>> -> memref<128x128xf32, #tpu.memory_space<hbm>>
      %dma_wait3A_53 = arith.constant 0 : i32
      %dma_wait3A_54 = tpu.memref_slice %arg5[%arg0, %add3A_41, %dma_wait3A_53] : memref<2x10240x128xf32, #tpu.memory_space<hbm>> -> memref<1x128x128xf32, #tpu.memory_space<hbm>>
      %dma_wait3A_55 = tpu.memref_squeeze %dma_wait3A_54 : memref<1x128x128xf32, #tpu.memory_space<hbm>> -> memref<128x128xf32, #tpu.memory_space<hbm>>
      tpu.wait_dma2 semaphore(%run_scoped3A : memref<!tpu.dma_semaphore, #tpu.memory_space<semaphore_mem>>) src(%arg8 : memref<128x128xf32, #tpu.memory_space<vmem>>) dst(%dma_wait3A_55 : memref<128x128xf32, #tpu.memory_space<hbm>>)
      tpu.yield
    }) : () -> ()
    %add3A_42 = arith.constant 512 : i32
    %add3A_43 = arith.addi %mul3A_2, %add3A_42 : i32
    "tpu.region"() ({
      %run_scoped3A = tpu.sem_alloc : memref<!tpu.dma_semaphore, #tpu.memory_space<semaphore_mem>>
      %dma_start3A = arith.constant 0 : i32
      %dma_start3A_46 = tpu.memref_slice %arg10[%add3A_43, %dma_start3A] : memref<10240x128xf32, #tpu.memory_space<vmem_shared>> -> memref<128x128xf32, #tpu.memory_space<vmem_shared>>
      %dma_start3A_47 = arith.constant 0 : i32
      %dma_start3A_48 = tpu.memref_slice %arg10[%add3A_43, %dma_start3A_47] : memref<10240x128xf32, #tpu.memory_space<vmem_shared>> -> memref<128x128xf32, #tpu.memory_space<vmem_shared>>
      tpu.enqueue_dma source(%dma_start3A_48 : memref<128x128xf32, #tpu.memory_space<vmem_shared>>) target(%arg8 : memref<128x128xf32, #tpu.memory_space<vmem>>) target_semaphore(%run_scoped3A : memref<!tpu.dma_semaphore, #tpu.memory_space<semaphore_mem>>)
      %dma_wait3A = arith.constant 0 : i32
      %dma_wait3A_49 = tpu.memref_slice %arg10[%add3A_43, %dma_wait3A] : memref<10240x128xf32, #tpu.memory_space<vmem_shared>> -> memref<128x128xf32, #tpu.memory_space<vmem_shared>>
      %dma_wait3A_50 = arith.constant 0 : i32
      %dma_wait3A_51 = tpu.memref_slice %arg10[%add3A_43, %dma_wait3A_50] : memref<10240x128xf32, #tpu.memory_space<vmem_shared>> -> memref<128x128xf32, #tpu.memory_space<vmem_shared>>
      tpu.wait_dma2 semaphore(%run_scoped3A : memref<!tpu.dma_semaphore, #tpu.memory_space<semaphore_mem>>) src(%dma_wait3A_51 : memref<128x128xf32, #tpu.memory_space<vmem_shared>>) dst(%arg8 : memref<128x128xf32, #tpu.memory_space<vmem>>)
      tpu.yield
    }) : () -> ()
    %add3A_44 = arith.constant 512 : i32
    %add3A_45 = arith.addi %mul3A_2, %add3A_44 : i32
    "tpu.region"() ({
      %run_scoped3A = tpu.sem_alloc : memref<!tpu.dma_semaphore, #tpu.memory_space<semaphore_mem>>
      %dma_start3A = arith.constant 0 : i32
      %dma_start3A_46 = tpu.memref_slice %arg5[%arg0, %add3A_45, %dma_start3A] : memref<2x10240x128xf32, #tpu.memory_space<hbm>> -> memref<1x128x128xf32, #tpu.memory_space<hbm>>
      %dma_start3A_47 = tpu.memref_squeeze %dma_start3A_46 : memref<1x128x128xf32, #tpu.memory_space<hbm>> -> memref<128x128xf32, #tpu.memory_space<hbm>>
      %dma_start3A_48 = arith.constant 0 : i32
      %dma_start3A_49 = tpu.memref_slice %arg5[%arg0, %add3A_45, %dma_start3A_48] : memref<2x10240x128xf32, #tpu.memory_space<hbm>> -> memref<1x128x128xf32, #tpu.memory_space<hbm>>
      %dma_start3A_50 = tpu.memref_squeeze %dma_start3A_49 : memref<1x128x128xf32, #tpu.memory_space<hbm>> -> memref<128x128xf32, #tpu.memory_space<hbm>>
      tpu.enqueue_dma source(%arg8 : memref<128x128xf32, #tpu.memory_space<vmem>>) target(%dma_start3A_50 : memref<128x128xf32, #tpu.memory_space<hbm>>) target_semaphore(%run_scoped3A : memref<!tpu.dma_semaphore, #tpu.memory_space<semaphore_mem>>)
      %dma_wait3A = arith.constant 0 : i32
      %dma_wait3A_51 = tpu.memref_slice %arg5[%arg0, %add3A_45, %dma_wait3A] : memref<2x10240x128xf32, #tpu.memory_space<hbm>> -> memref<1x128x128xf32, #tpu.memory_space<hbm>>
      %dma_wait3A_52 = tpu.memref_squeeze %dma_wait3A_51 : memref<1x128x128xf32, #tpu.memory_space<hbm>> -> memref<128x128xf32, #tpu.memory_space<hbm>>
      %dma_wait3A_53 = arith.constant 0 : i32
      %dma_wait3A_54 = tpu.memref_slice %arg5[%arg0, %add3A_45, %dma_wait3A_53] : memref<2x10240x128xf32, #tpu.memory_space<hbm>> -> memref<1x128x128xf32, #tpu.memory_space<hbm>>
      %dma_wait3A_55 = tpu.memref_squeeze %dma_wait3A_54 : memref<1x128x128xf32, #tpu.memory_space<hbm>> -> memref<128x128xf32, #tpu.memory_space<hbm>>
      tpu.wait_dma2 semaphore(%run_scoped3A : memref<!tpu.dma_semaphore, #tpu.memory_space<semaphore_mem>>) src(%arg8 : memref<128x128xf32, #tpu.memory_space<vmem>>) dst(%dma_wait3A_55 : memref<128x128xf32, #tpu.memory_space<hbm>>)
      tpu.yield
    }) : () -> ()
    return
  }
}

#map = affine_map<(d0, d1) -> (0, 0)>
#map1 = affine_map<(d0, d1) -> (0, 0, 0)>
module attributes {stable_mosaic.version = 14 : i64} {
  func.func @_scatter_kernel(%arg0: i32, %arg1: i32, %arg2: memref<10000x128xf32, #tpu.memory_space<hbm>>, %arg3: memref<32x80x128xi32, #tpu.memory_space<hbm>>, %arg4: memref<32x80x128xi32, #tpu.memory_space<hbm>>, %arg5: memref<2x10240x128xf32, #tpu.memory_space<hbm>>, %arg6: memref<40x128xi32, #tpu.memory_space<vmem>>, %arg7: memref<40x128xi32, #tpu.memory_space<vmem>>, %arg8: memref<128x128xf32, #tpu.memory_space<vmem>>, %arg9: memref<128x128xf32, #tpu.memory_space<vmem>>, %arg10: memref<10240x128xf32, #tpu.memory_space<vmem_shared>>, %arg11: memref<!tpu.dma_semaphore, #tpu.memory_space<semaphore_mem>>, %arg12: memref<!tpu.dma_semaphore, #tpu.memory_space<semaphore_mem>>) attributes {dimension_semantics = [#tpu.dimension_semantics<core_parallel>, #tpu.dimension_semantics<subcore_parallel>], iteration_bounds = array<i64: 2, 16>, scalar_prefetch = 0 : i64, scratch_operands = 7 : i64, tpu.core_type = #tpu.core_type<sc_vector_subcore>, window_params = [{transform_indices = #map}, {transform_indices = #map1}, {transform_indices = #map1}, {transform_indices = #map1}]} {
    %mul3A = arith.constant 2 : i32
    %mul3A_0 = arith.muli %arg1, %mul3A : i32
    %add3A = arith.addi %mul3A_0, %arg0 : i32
    %mul3A_1 = arith.constant 640 : i32
    %mul3A_2 = arith.muli %arg1, %mul3A_1 : i32
    %broadcast_in_dim3A = arith.constant 0.000000e+00 : f32
    %broadcast_in_dim3A_3 = vector.broadcast %broadcast_in_dim3A : f32 to vector<16xf32>
    %scan3A = arith.constant 0 : i32
    %scan3A_4 = arith.constant 0 : i32
    %scan3A_5 = arith.constant 128 : i32
    %scan3A_6 = arith.addi %scan3A_4, %scan3A_5 : i32
    %scan3A_7 = arith.constant 1 : i32
    scf.for %scan3A_46 = %scan3A_4 to %scan3A_6 step %scan3A_7  : i32 {
      %swap3A = arith.index_cast %scan3A_46 : i32 to index
      %swap3A_47 = arith.constant 0 : index
      %swap3A_48 = tpu.vector_load %arg8[%swap3A, %swap3A_47] {strides = array<i32>} : memref<128x128xf32, #tpu.memory_space<vmem>>, vector<1x16xf32>,
      %swap3A_49 = vector.shape_cast %swap3A_48 : vector<1x16xf32> to vector<16xf32>
      %swap3A_50 = vector.shape_cast %broadcast_in_dim3A_3 : vector<16xf32> to vector<1x16xf32>
      tpu.vector_store %arg8[%swap3A, %swap3A_47], %swap3A_50 {strides = array<i32>} : memref<128x128xf32, #tpu.memory_space<vmem>>, vector<1x16xf32>,
      %swap3A_51 = arith.index_cast %scan3A_46 : i32 to index
      %swap3A_52 = arith.constant 16 : index
      %swap3A_53 = tpu.vector_load %arg8[%swap3A_51, %swap3A_52] {strides = array<i32>} : memref<128x128xf32, #tpu.memory_space<vmem>>, vector<1x16xf32>,
      %swap3A_54 = vector.shape_cast %swap3A_53 : vector<1x16xf32> to vector<16xf32>
      %swap3A_55 = vector.shape_cast %broadcast_in_dim3A_3 : vector<16xf32> to vector<1x16xf32>
      tpu.vector_store %arg8[%swap3A_51, %swap3A_52], %swap3A_55 {strides = array<i32>} : memref<128x128xf32, #tpu.memory_space<vmem>>, vector<1x16xf32>,
      %swap3A_56 = arith.index_cast %scan3A_46 : i32 to index
      %swap3A_57 = arith.constant 32 : index
      %swap3A_58 = tpu.vector_load %arg8[%swap3A_56, %swap3A_57] {strides = array<i32>} : memref<128x128xf32, #tpu.memory_space<vmem>>, vector<1x16xf32>,
      %swap3A_59 = vector.shape_cast %swap3A_58 : vector<1x16xf32> to vector<16xf32>
      %swap3A_60 = vector.shape_cast %broadcast_in_dim3A_3 : vector<16xf32> to vector<1x16xf32>
      tpu.vector_store %arg8[%swap3A_56, %swap3A_57], %swap3A_60 {strides = array<i32>} : memref<128x128xf32, #tpu.memory_space<vmem>>, vector<1x16xf32>,
      %swap3A_61 = arith.index_cast %scan3A_46 : i32 to index
      %swap3A_62 = arith.constant 48 : index
      %swap3A_63 = tpu.vector_load %arg8[%swap3A_61, %swap3A_62] {strides = array<i32>} : memref<128x128xf32, #tpu.memory_space<vmem>>, vector<1x16xf32>,
      %swap3A_64 = vector.shape_cast %swap3A_63 : vector<1x16xf32> to vector<16xf32>
      %swap3A_65 = vector.shape_cast %broadcast_in_dim3A_3 : vector<16xf32> to vector<1x16xf32>
      tpu.vector_store %arg8[%swap3A_61, %swap3A_62], %swap3A_65 {strides = array<i32>} : memref<128x128xf32, #tpu.memory_space<vmem>>, vector<1x16xf32>,
      %swap3A_66 = arith.index_cast %scan3A_46 : i32 to index
      %swap3A_67 = arith.constant 64 : index
      %swap3A_68 = tpu.vector_load %arg8[%swap3A_66, %swap3A_67] {strides = array<i32>} : memref<128x128xf32, #tpu.memory_space<vmem>>, vector<1x16xf32>,
      %swap3A_69 = vector.shape_cast %swap3A_68 : vector<1x16xf32> to vector<16xf32>
      %swap3A_70 = vector.shape_cast %broadcast_in_dim3A_3 : vector<16xf32> to vector<1x16xf32>
      tpu.vector_store %arg8[%swap3A_66, %swap3A_67], %swap3A_70 {strides = array<i32>} : memref<128x128xf32, #tpu.memory_space<vmem>>, vector<1x16xf32>,
      %swap3A_71 = arith.index_cast %scan3A_46 : i32 to index
      %swap3A_72 = arith.constant 80 : index
      %swap3A_73 = tpu.vector_load %arg8[%swap3A_71, %swap3A_72] {strides = array<i32>} : memref<128x128xf32, #tpu.memory_space<vmem>>, vector<1x16xf32>,
      %swap3A_74 = vector.shape_cast %swap3A_73 : vector<1x16xf32> to vector<16xf32>
      %swap3A_75 = vector.shape_cast %broadcast_in_dim3A_3 : vector<16xf32> to vector<1x16xf32>
      tpu.vector_store %arg8[%swap3A_71, %swap3A_72], %swap3A_75 {strides = array<i32>} : memref<128x128xf32, #tpu.memory_space<vmem>>, vector<1x16xf32>,
      %swap3A_76 = arith.index_cast %scan3A_46 : i32 to index
      %swap3A_77 = arith.constant 96 : index
      %swap3A_78 = tpu.vector_load %arg8[%swap3A_76, %swap3A_77] {strides = array<i32>} : memref<128x128xf32, #tpu.memory_space<vmem>>, vector<1x16xf32>,
      %swap3A_79 = vector.shape_cast %swap3A_78 : vector<1x16xf32> to vector<16xf32>
      %swap3A_80 = vector.shape_cast %broadcast_in_dim3A_3 : vector<16xf32> to vector<1x16xf32>
      tpu.vector_store %arg8[%swap3A_76, %swap3A_77], %swap3A_80 {strides = array<i32>} : memref<128x128xf32, #tpu.memory_space<vmem>>, vector<1x16xf32>,
      %swap3A_81 = arith.index_cast %scan3A_46 : i32 to index
      %swap3A_82 = arith.constant 112 : index
      %swap3A_83 = tpu.vector_load %arg8[%swap3A_81, %swap3A_82] {strides = array<i32>} : memref<128x128xf32, #tpu.memory_space<vmem>>, vector<1x16xf32>,
      %swap3A_84 = vector.shape_cast %swap3A_83 : vector<1x16xf32> to vector<16xf32>
      %swap3A_85 = vector.shape_cast %broadcast_in_dim3A_3 : vector<16xf32> to vector<1x16xf32>
      tpu.vector_store %arg8[%swap3A_81, %swap3A_82], %swap3A_85 {strides = array<i32>} : memref<128x128xf32, #tpu.memory_space<vmem>>, vector<1x16xf32>,
    }
    %scan3A_8 = arith.constant 128 : i32
    %add3A_9 = arith.constant 0 : i32
    %add3A_10 = arith.addi %mul3A_2, %add3A_9 : i32
    "tpu.region"() ({
      %run_scoped3A = tpu.sem_alloc : memref<!tpu.dma_semaphore, #tpu.memory_space<semaphore_mem>>
      %dma_start3A = arith.constant 0 : i32
      %dma_start3A_46 = tpu.memref_slice %arg10[%add3A_10, %dma_start3A] : memref<10240x128xf32, #tpu.memory_space<vmem_shared>> -> memref<128x128xf32, #tpu.memory_space<vmem_shared>>
      %dma_start3A_47 = arith.constant 0 : i32
      %dma_start3A_48 = tpu.memref_slice %arg10[%add3A_10, %dma_start3A_47] : memref<10240x128xf32, #tpu.memory_space<vmem_shared>> -> memref<128x128xf32, #tpu.memory_space<vmem_shared>>
      tpu.enqueue_dma source(%arg8 : memref<128x128xf32, #tpu.memory_space<vmem>>) target(%dma_start3A_48 : memref<128x128xf32, #tpu.memory_space<vmem_shared>>) target_semaphore(%run_scoped3A : memref<!tpu.dma_semaphore, #tpu.memory_space<semaphore_mem>>)
      %dma_wait3A = arith.constant 0 : i32
      %dma_wait3A_49 = tpu.memref_slice %arg10[%add3A_10, %dma_wait3A] : memref<10240x128xf32, #tpu.memory_space<vmem_shared>> -> memref<128x128xf32, #tpu.memory_space<vmem_shared>>
      %dma_wait3A_50 = arith.constant 0 : i32
      %dma_wait3A_51 = tpu.memref_slice %arg10[%add3A_10, %dma_wait3A_50] : memref<10240x128xf32, #tpu.memory_space<vmem_shared>> -> memref<128x128xf32, #tpu.memory_space<vmem_shared>>
      tpu.wait_dma2 semaphore(%run_scoped3A : memref<!tpu.dma_semaphore, #tpu.memory_space<semaphore_mem>>) src(%arg8 : memref<128x128xf32, #tpu.memory_space<vmem>>) dst(%dma_wait3A_51 : memref<128x128xf32, #tpu.memory_space<vmem_shared>>)
      tpu.yield
    }) : () -> ()
    %add3A_11 = arith.constant 128 : i32
    %add3A_12 = arith.addi %mul3A_2, %add3A_11 : i32
    "tpu.region"() ({
      %run_scoped3A = tpu.sem_alloc : memref<!tpu.dma_semaphore, #tpu.memory_space<semaphore_mem>>
      %dma_start3A = arith.constant 0 : i32
      %dma_start3A_46 = tpu.memref_slice %arg10[%add3A_12, %dma_start3A] : memref<10240x128xf32, #tpu.memory_space<vmem_shared>> -> memref<128x128xf32, #tpu.memory_space<vmem_shared>>
      %dma_start3A_47 = arith.constant 0 : i32
      %dma_start3A_48 = tpu.memref_slice %arg10[%add3A_12, %dma_start3A_47] : memref<10240x128xf32, #tpu.memory_space<vmem_shared>> -> memref<128x128xf32, #tpu.memory_space<vmem_shared>>
      tpu.enqueue_dma source(%arg8 : memref<128x128xf32, #tpu.memory_space<vmem>>) target(%dma_start3A_48 : memref<128x128xf32, #tpu.memory_space<vmem_shared>>) target_semaphore(%run_scoped3A : memref<!tpu.dma_semaphore, #tpu.memory_space<semaphore_mem>>)
      %dma_wait3A = arith.constant 0 : i32
      %dma_wait3A_49 = tpu.memref_slice %arg10[%add3A_12, %dma_wait3A] : memref<10240x128xf32, #tpu.memory_space<vmem_shared>> -> memref<128x128xf32, #tpu.memory_space<vmem_shared>>
      %dma_wait3A_50 = arith.constant 0 : i32
      %dma_wait3A_51 = tpu.memref_slice %arg10[%add3A_12, %dma_wait3A_50] : memref<10240x128xf32, #tpu.memory_space<vmem_shared>> -> memref<128x128xf32, #tpu.memory_space<vmem_shared>>
      tpu.wait_dma2 semaphore(%run_scoped3A : memref<!tpu.dma_semaphore, #tpu.memory_space<semaphore_mem>>) src(%arg8 : memref<128x128xf32, #tpu.memory_space<vmem>>) dst(%dma_wait3A_51 : memref<128x128xf32, #tpu.memory_space<vmem_shared>>)
      tpu.yield
    }) : () -> ()
    %add3A_13 = arith.constant 256 : i32
    %add3A_14 = arith.addi %mul3A_2, %add3A_13 : i32
    "tpu.region"() ({
      %run_scoped3A = tpu.sem_alloc : memref<!tpu.dma_semaphore, #tpu.memory_space<semaphore_mem>>
      %dma_start3A = arith.constant 0 : i32
      %dma_start3A_46 = tpu.memref_slice %arg10[%add3A_14, %dma_start3A] : memref<10240x128xf32, #tpu.memory_space<vmem_shared>> -> memref<128x128xf32, #tpu.memory_space<vmem_shared>>
      %dma_start3A_47 = arith.constant 0 : i32
      %dma_start3A_48 = tpu.memref_slice %arg10[%add3A_14, %dma_start3A_47] : memref<10240x128xf32, #tpu.memory_space<vmem_shared>> -> memref<128x128xf32, #tpu.memory_space<vmem_shared>>
      tpu.enqueue_dma source(%arg8 : memref<128x128xf32, #tpu.memory_space<vmem>>) target(%dma_start3A_48 : memref<128x128xf32, #tpu.memory_space<vmem_shared>>) target_semaphore(%run_scoped3A : memref<!tpu.dma_semaphore, #tpu.memory_space<semaphore_mem>>)
      %dma_wait3A = arith.constant 0 : i32
      %dma_wait3A_49 = tpu.memref_slice %arg10[%add3A_14, %dma_wait3A] : memref<10240x128xf32, #tpu.memory_space<vmem_shared>> -> memref<128x128xf32, #tpu.memory_space<vmem_shared>>
      %dma_wait3A_50 = arith.constant 0 : i32
      %dma_wait3A_51 = tpu.memref_slice %arg10[%add3A_14, %dma_wait3A_50] : memref<10240x128xf32, #tpu.memory_space<vmem_shared>> -> memref<128x128xf32, #tpu.memory_space<vmem_shared>>
      tpu.wait_dma2 semaphore(%run_scoped3A : memref<!tpu.dma_semaphore, #tpu.memory_space<semaphore_mem>>) src(%arg8 : memref<128x128xf32, #tpu.memory_space<vmem>>) dst(%dma_wait3A_51 : memref<128x128xf32, #tpu.memory_space<vmem_shared>>)
      tpu.yield
    }) : () -> ()
    %add3A_15 = arith.constant 384 : i32
    %add3A_16 = arith.addi %mul3A_2, %add3A_15 : i32
    "tpu.region"() ({
      %run_scoped3A = tpu.sem_alloc : memref<!tpu.dma_semaphore, #tpu.memory_space<semaphore_mem>>
      %dma_start3A = arith.constant 0 : i32
      %dma_start3A_46 = tpu.memref_slice %arg10[%add3A_16, %dma_start3A] : memref<10240x128xf32, #tpu.memory_space<vmem_shared>> -> memref<128x128xf32, #tpu.memory_space<vmem_shared>>
      %dma_start3A_47 = arith.constant 0 : i32
      %dma_start3A_48 = tpu.memref_slice %arg10[%add3A_16, %dma_start3A_47] : memref<10240x128xf32, #tpu.memory_space<vmem_shared>> -> memref<128x128xf32, #tpu.memory_space<vmem_shared>>
      tpu.enqueue_dma source(%arg8 : memref<128x128xf32, #tpu.memory_space<vmem>>) target(%dma_start3A_48 : memref<128x128xf32, #tpu.memory_space<vmem_shared>>) target_semaphore(%run_scoped3A : memref<!tpu.dma_semaphore, #tpu.memory_space<semaphore_mem>>)
      %dma_wait3A = arith.constant 0 : i32
      %dma_wait3A_49 = tpu.memref_slice %arg10[%add3A_16, %dma_wait3A] : memref<10240x128xf32, #tpu.memory_space<vmem_shared>> -> memref<128x128xf32, #tpu.memory_space<vmem_shared>>
      %dma_wait3A_50 = arith.constant 0 : i32
      %dma_wait3A_51 = tpu.memref_slice %arg10[%add3A_16, %dma_wait3A_50] : memref<10240x128xf32, #tpu.memory_space<vmem_shared>> -> memref<128x128xf32, #tpu.memory_space<vmem_shared>>
      tpu.wait_dma2 semaphore(%run_scoped3A : memref<!tpu.dma_semaphore, #tpu.memory_space<semaphore_mem>>) src(%arg8 : memref<128x128xf32, #tpu.memory_space<vmem>>) dst(%dma_wait3A_51 : memref<128x128xf32, #tpu.memory_space<vmem_shared>>)
      tpu.yield
    }) : () -> ()
    %add3A_17 = arith.constant 512 : i32
    %add3A_18 = arith.addi %mul3A_2, %add3A_17 : i32
    "tpu.region"() ({
      %run_scoped3A = tpu.sem_alloc : memref<!tpu.dma_semaphore, #tpu.memory_space<semaphore_mem>>
      %dma_start3A = arith.constant 0 : i32
      %dma_start3A_46 = tpu.memref_slice %arg10[%add3A_18, %dma_start3A] : memref<10240x128xf32, #tpu.memory_space<vmem_shared>> -> memref<128x128xf32, #tpu.memory_space<vmem_shared>>
      %dma_start3A_47 = arith.constant 0 : i32
      %dma_start3A_48 = tpu.memref_slice %arg10[%add3A_18, %dma_start3A_47] : memref<10240x128xf32, #tpu.memory_space<vmem_shared>> -> memref<128x128xf32, #tpu.memory_space<vmem_shared>>
      tpu.enqueue_dma source(%arg8 : memref<128x128xf32, #tpu.memory_space<vmem>>) target(%dma_start3A_48 : memref<128x128xf32, #tpu.memory_space<vmem_shared>>) target_semaphore(%run_scoped3A : memref<!tpu.dma_semaphore, #tpu.memory_space<semaphore_mem>>)
      %dma_wait3A = arith.constant 0 : i32
      %dma_wait3A_49 = tpu.memref_slice %arg10[%add3A_18, %dma_wait3A] : memref<10240x128xf32, #tpu.memory_space<vmem_shared>> -> memref<128x128xf32, #tpu.memory_space<vmem_shared>>
      %dma_wait3A_50 = arith.constant 0 : i32
      %dma_wait3A_51 = tpu.memref_slice %arg10[%add3A_18, %dma_wait3A_50] : memref<10240x128xf32, #tpu.memory_space<vmem_shared>> -> memref<128x128xf32, #tpu.memory_space<vmem_shared>>
      tpu.wait_dma2 semaphore(%run_scoped3A : memref<!tpu.dma_semaphore, #tpu.memory_space<semaphore_mem>>) src(%arg8 : memref<128x128xf32, #tpu.memory_space<vmem>>) dst(%dma_wait3A_51 : memref<128x128xf32, #tpu.memory_space<vmem_shared>>)
      tpu.yield
    }) : () -> ()
    %barrier3A = arith.constant 0 : index
    tpu.barrier barrier_id(%barrier3A)
    %scan3A_19 = arith.constant 0 : i32
    %scan3A_20 = arith.constant 0 : i32
    %scan3A_21 = arith.constant 2 : i32
    %scan3A_22 = arith.addi %scan3A_20, %scan3A_21 : i32
    %scan3A_23 = arith.constant 1 : i32
    scf.for %scan3A_46 = %scan3A_20 to %scan3A_22 step %scan3A_23  : i32 {
      %mul3A_47 = arith.constant 40 : i32
      %mul3A_48 = arith.muli %scan3A_46, %mul3A_47 : i32
      "tpu.region"() ({
        %run_scoped3A = tpu.sem_alloc : memref<!tpu.dma_semaphore, #tpu.memory_space<semaphore_mem>>
        %dma_start3A_76 = arith.constant 0 : i32
        %dma_start3A_77 = tpu.memref_slice %arg3[%add3A, %mul3A_48, %dma_start3A_76] : memref<32x80x128xi32, #tpu.memory_space<hbm>> -> memref<1x40x128xi32, #tpu.memory_space<hbm>>
        %dma_start3A_78 = tpu.memref_squeeze %dma_start3A_77 : memref<1x40x128xi32, #tpu.memory_space<hbm>> -> memref<40x128xi32, #tpu.memory_space<hbm>>
        %dma_start3A_79 = arith.constant 0 : i32
        %dma_start3A_80 = tpu.memref_slice %arg3[%add3A, %mul3A_48, %dma_start3A_79] : memref<32x80x128xi32, #tpu.memory_space<hbm>> -> memref<1x40x128xi32, #tpu.memory_space<hbm>>
        %dma_start3A_81 = tpu.memref_squeeze %dma_start3A_80 : memref<1x40x128xi32, #tpu.memory_space<hbm>> -> memref<40x128xi32, #tpu.memory_space<hbm>>
        tpu.enqueue_dma source(%dma_start3A_81 : memref<40x128xi32, #tpu.memory_space<hbm>>) target(%arg6 : memref<40x128xi32, #tpu.memory_space<vmem>>) target_semaphore(%run_scoped3A : memref<!tpu.dma_semaphore, #tpu.memory_space<semaphore_mem>>)
        %dma_wait3A = arith.constant 0 : i32
        %dma_wait3A_82 = tpu.memref_slice %arg3[%add3A, %mul3A_48, %dma_wait3A] : memref<32x80x128xi32, #tpu.memory_space<hbm>> -> memref<1x40x128xi32, #tpu.memory_space<hbm>>
        %dma_wait3A_83 = tpu.memref_squeeze %dma_wait3A_82 : memref<1x40x128xi32, #tpu.memory_space<hbm>> -> memref<40x128xi32, #tpu.memory_space<hbm>>
        %dma_wait3A_84 = arith.constant 0 : i32
        %dma_wait3A_85 = tpu.memref_slice %arg3[%add3A, %mul3A_48, %dma_wait3A_84] : memref<32x80x128xi32, #tpu.memory_space<hbm>> -> memref<1x40x128xi32, #tpu.memory_space<hbm>>
        %dma_wait3A_86 = tpu.memref_squeeze %dma_wait3A_85 : memref<1x40x128xi32, #tpu.memory_space<hbm>> -> memref<40x128xi32, #tpu.memory_space<hbm>>
        tpu.wait_dma2 semaphore(%run_scoped3A : memref<!tpu.dma_semaphore, #tpu.memory_space<semaphore_mem>>) src(%dma_wait3A_86 : memref<40x128xi32, #tpu.memory_space<hbm>>) dst(%arg6 : memref<40x128xi32, #tpu.memory_space<vmem>>)
        tpu.yield
      }) : () -> ()
      %mul3A_49 = arith.constant 40 : i32
      %mul3A_50 = arith.muli %scan3A_46, %mul3A_49 : i32
      "tpu.region"() ({
        %run_scoped3A = tpu.sem_alloc : memref<!tpu.dma_semaphore, #tpu.memory_space<semaphore_mem>>
        %dma_start3A_76 = arith.constant 0 : i32
        %dma_start3A_77 = tpu.memref_slice %arg4[%add3A, %mul3A_50, %dma_start3A_76] : memref<32x80x128xi32, #tpu.memory_space<hbm>> -> memref<1x40x128xi32, #tpu.memory_space<hbm>>
        %dma_start3A_78 = tpu.memref_squeeze %dma_start3A_77 : memref<1x40x128xi32, #tpu.memory_space<hbm>> -> memref<40x128xi32, #tpu.memory_space<hbm>>
        %dma_start3A_79 = arith.constant 0 : i32
        %dma_start3A_80 = tpu.memref_slice %arg4[%add3A, %mul3A_50, %dma_start3A_79] : memref<32x80x128xi32, #tpu.memory_space<hbm>> -> memref<1x40x128xi32, #tpu.memory_space<hbm>>
        %dma_start3A_81 = tpu.memref_squeeze %dma_start3A_80 : memref<1x40x128xi32, #tpu.memory_space<hbm>> -> memref<40x128xi32, #tpu.memory_space<hbm>>
        tpu.enqueue_dma source(%dma_start3A_81 : memref<40x128xi32, #tpu.memory_space<hbm>>) target(%arg7 : memref<40x128xi32, #tpu.memory_space<vmem>>) target_semaphore(%run_scoped3A : memref<!tpu.dma_semaphore, #tpu.memory_space<semaphore_mem>>)
        %dma_wait3A = arith.constant 0 : i32
        %dma_wait3A_82 = tpu.memref_slice %arg4[%add3A, %mul3A_50, %dma_wait3A] : memref<32x80x128xi32, #tpu.memory_space<hbm>> -> memref<1x40x128xi32, #tpu.memory_space<hbm>>
        %dma_wait3A_83 = tpu.memref_squeeze %dma_wait3A_82 : memref<1x40x128xi32, #tpu.memory_space<hbm>> -> memref<40x128xi32, #tpu.memory_space<hbm>>
        %dma_wait3A_84 = arith.constant 0 : i32
        %dma_wait3A_85 = tpu.memref_slice %arg4[%add3A, %mul3A_50, %dma_wait3A_84] : memref<32x80x128xi32, #tpu.memory_space<hbm>> -> memref<1x40x128xi32, #tpu.memory_space<hbm>>
        %dma_wait3A_86 = tpu.memref_squeeze %dma_wait3A_85 : memref<1x40x128xi32, #tpu.memory_space<hbm>> -> memref<40x128xi32, #tpu.memory_space<hbm>>
        tpu.wait_dma2 semaphore(%run_scoped3A : memref<!tpu.dma_semaphore, #tpu.memory_space<semaphore_mem>>) src(%dma_wait3A_86 : memref<40x128xi32, #tpu.memory_space<hbm>>) dst(%arg7 : memref<40x128xi32, #tpu.memory_space<vmem>>)
        tpu.yield
      }) : () -> ()
      %dma_start3A = arith.constant 0 : i32
      %dma_start3A_51 = arith.constant 0 : i32
      %dma_start3A_52 = arith.constant 0 : i32
      %dma_start3A_53 = tpu.memref_slice %arg8[%dma_start3A_51, %dma_start3A_52] : memref<128x128xf32, #tpu.memory_space<vmem>> -> memref<64x128xf32, #tpu.memory_space<vmem>>
      %dma_start3A_54 = arith.constant 0 : i32
      %dma_start3A_55 = tpu.memref_slice %arg6[%dma_start3A, %dma_start3A_54] : memref<40x128xi32, #tpu.memory_space<vmem>> -> memref<1x64xi32, #tpu.memory_space<vmem>>
      %dma_start3A_56 = tpu.memref_squeeze %dma_start3A_55 : memref<1x64xi32, #tpu.memory_space<vmem>> -> memref<64xi32, #tpu.memory_space<vmem>>
      %dma_start3A_57 = arith.constant 0 : i32
      %dma_start3A_58 = arith.constant 0 : i32
      %dma_start3A_59 = tpu.memref_slice %arg2[%dma_start3A_57, %dma_start3A_58] : memref<10000x128xf32, #tpu.memory_space<hbm>> -> memref<10000x128xf32, #tpu.memory_space<hbm>>
      tpu.enqueue_indirect_dma source(%dma_start3A_59 : memref<10000x128xf32, #tpu.memory_space<hbm>>) target(%dma_start3A_53 : memref<64x128xf32, #tpu.memory_space<vmem>>) offsets(%dma_start3A_56 : memref<64xi32, #tpu.memory_space<vmem>>) semaphore(%arg11 : memref<!tpu.dma_semaphore, #tpu.memory_space<semaphore_mem>>)
      %dma_start3A_60 = arith.constant 0 : i32
      %dma_start3A_61 = arith.constant 64 : i32
      %dma_start3A_62 = arith.constant 0 : i32
      %dma_start3A_63 = tpu.memref_slice %arg8[%dma_start3A_61, %dma_start3A_62] : memref<128x128xf32, #tpu.memory_space<vmem>> -> memref<64x128xf32, #tpu.memory_space<vmem>>
      %dma_start3A_64 = arith.constant 64 : i32
      %dma_start3A_65 = tpu.memref_slice %arg6[%dma_start3A_60, %dma_start3A_64] : memref<40x128xi32, #tpu.memory_space<vmem>> -> memref<1x64xi32, #tpu.memory_space<vmem>>
      %dma_start3A_66 = tpu.memref_squeeze %dma_start3A_65 : memref<1x64xi32, #tpu.memory_space<vmem>> -> memref<64xi32, #tpu.memory_space<vmem>>
      %dma_start3A_67 = arith.constant 0 : i32
      %dma_start3A_68 = arith.constant 0 : i32
      %dma_start3A_69 = tpu.memref_slice %arg2[%dma_start3A_67, %dma_start3A_68] : memref<10000x128xf32, #tpu.memory_space<hbm>> -> memref<10000x128xf32, #tpu.memory_space<hbm>>
      tpu.enqueue_indirect_dma source(%dma_start3A_69 : memref<10000x128xf32, #tpu.memory_space<hbm>>) target(%dma_start3A_63 : memref<64x128xf32, #tpu.memory_space<vmem>>) offsets(%dma_start3A_66 : memref<64xi32, #tpu.memory_space<vmem>>) semaphore(%arg11 : memref<!tpu.dma_semaphore, #tpu.memory_space<semaphore_mem>>)
      %scan3A_70 = arith.constant 0 : i32
      %scan3A_71 = arith.constant 0 : i32
      %scan3A_72 = arith.constant 20 : i32
      %scan3A_73 = arith.addi %scan3A_71, %scan3A_72 : i32
      %scan3A_74 = arith.constant 1 : i32
      scf.for %scan3A_76 = %scan3A_71 to %scan3A_73 step %scan3A_74  : i32 {
        %mul3A_77 = arith.constant 2 : i32
        %mul3A_78 = arith.muli %mul3A_77, %scan3A_76 : i32
        %add3A_79 = arith.constant 1 : i32
        %add3A_80 = arith.addi %mul3A_78, %add3A_79 : i32
        %dma_start3A_81 = arith.constant 0 : i32
        %dma_start3A_82 = arith.constant 0 : i32
        %dma_start3A_83 = tpu.memref_slice %arg9[%dma_start3A_81, %dma_start3A_82] : memref<128x128xf32, #tpu.memory_space<vmem>> -> memref<64x128xf32, #tpu.memory_space<vmem>>
        %dma_start3A_84 = arith.constant 0 : i32
        %dma_start3A_85 = tpu.memref_slice %arg6[%add3A_80, %dma_start3A_84] : memref<40x128xi32, #tpu.memory_space<vmem>> -> memref<1x64xi32, #tpu.memory_space<vmem>>
        %dma_start3A_86 = tpu.memref_squeeze %dma_start3A_85 : memref<1x64xi32, #tpu.memory_space<vmem>> -> memref<64xi32, #tpu.memory_space<vmem>>
        %dma_start3A_87 = arith.constant 0 : i32
        %dma_start3A_88 = arith.constant 0 : i32
        %dma_start3A_89 = tpu.memref_slice %arg2[%dma_start3A_87, %dma_start3A_88] : memref<10000x128xf32, #tpu.memory_space<hbm>> -> memref<10000x128xf32, #tpu.memory_space<hbm>>
        tpu.enqueue_indirect_dma source(%dma_start3A_89 : memref<10000x128xf32, #tpu.memory_space<hbm>>) target(%dma_start3A_83 : memref<64x128xf32, #tpu.memory_space<vmem>>) offsets(%dma_start3A_86 : memref<64xi32, #tpu.memory_space<vmem>>) semaphore(%arg12 : memref<!tpu.dma_semaphore, #tpu.memory_space<semaphore_mem>>)
        %dma_start3A_90 = arith.constant 64 : i32
        %dma_start3A_91 = arith.constant 0 : i32
        %dma_start3A_92 = tpu.memref_slice %arg9[%dma_start3A_90, %dma_start3A_91] : memref<128x128xf32, #tpu.memory_space<vmem>> -> memref<64x128xf32, #tpu.memory_space<vmem>>
        %dma_start3A_93 = arith.constant 64 : i32
        %dma_start3A_94 = tpu.memref_slice %arg6[%add3A_80, %dma_start3A_93] : memref<40x128xi32, #tpu.memory_space<vmem>> -> memref<1x64xi32, #tpu.memory_space<vmem>>
        %dma_start3A_95 = tpu.memref_squeeze %dma_start3A_94 : memref<1x64xi32, #tpu.memory_space<vmem>> -> memref<64xi32, #tpu.memory_space<vmem>>
        %dma_start3A_96 = arith.constant 0 : i32
        %dma_start3A_97 = arith.constant 0 : i32
        %dma_start3A_98 = tpu.memref_slice %arg2[%dma_start3A_96, %dma_start3A_97] : memref<10000x128xf32, #tpu.memory_space<hbm>> -> memref<10000x128xf32, #tpu.memory_space<hbm>>
        tpu.enqueue_indirect_dma source(%dma_start3A_98 : memref<10000x128xf32, #tpu.memory_space<hbm>>) target(%dma_start3A_92 : memref<64x128xf32, #tpu.memory_space<vmem>>) offsets(%dma_start3A_95 : memref<64xi32, #tpu.memory_space<vmem>>) semaphore(%arg12 : memref<!tpu.dma_semaphore, #tpu.memory_space<semaphore_mem>>)
        %dma_wait3A = arith.constant 0 : i32
        %dma_wait3A_99 = arith.constant 0 : i32
        %dma_wait3A_100 = tpu.memref_slice %arg8[%dma_wait3A, %dma_wait3A_99] : memref<128x128xf32, #tpu.memory_space<vmem>> -> memref<64x128xf32, #tpu.memory_space<vmem>>
        %dma_wait3A_101 = arith.constant 0 : i32
        %dma_wait3A_102 = tpu.memref_slice %arg6[%mul3A_78, %dma_wait3A_101] : memref<40x128xi32, #tpu.memory_space<vmem>> -> memref<1x64xi32, #tpu.memory_space<vmem>>
        %dma_wait3A_103 = tpu.memref_squeeze %dma_wait3A_102 : memref<1x64xi32, #tpu.memory_space<vmem>> -> memref<64xi32, #tpu.memory_space<vmem>>
        %dma_wait3A_104 = arith.constant 0 : i32
        %dma_wait3A_105 = arith.constant 0 : i32
        %dma_wait3A_106 = tpu.memref_slice %arg2[%dma_wait3A_104, %dma_wait3A_105] : memref<10000x128xf32, #tpu.memory_space<hbm>> -> memref<10000x128xf32, #tpu.memory_space<hbm>>
        tpu.wait_indirect_dma semaphore(%arg11 : memref<!tpu.dma_semaphore, #tpu.memory_space<semaphore_mem>>) src(%dma_wait3A_106 : memref<10000x128xf32, #tpu.memory_space<hbm>>) dst(%dma_wait3A_100 : memref<64x128xf32, #tpu.memory_space<vmem>>)
        %dma_wait3A_107 = arith.constant 64 : i32
        %dma_wait3A_108 = arith.constant 0 : i32
        %dma_wait3A_109 = tpu.memref_slice %arg8[%dma_wait3A_107, %dma_wait3A_108] : memref<128x128xf32, #tpu.memory_space<vmem>> -> memref<64x128xf32, #tpu.memory_space<vmem>>
        %dma_wait3A_110 = arith.constant 64 : i32
        %dma_wait3A_111 = tpu.memref_slice %arg6[%mul3A_78, %dma_wait3A_110] : memref<40x128xi32, #tpu.memory_space<vmem>> -> memref<1x64xi32, #tpu.memory_space<vmem>>
        %dma_wait3A_112 = tpu.memref_squeeze %dma_wait3A_111 : memref<1x64xi32, #tpu.memory_space<vmem>> -> memref<64xi32, #tpu.memory_space<vmem>>
        %dma_wait3A_113 = arith.constant 0 : i32
        %dma_wait3A_114 = arith.constant 0 : i32
        %dma_wait3A_115 = tpu.memref_slice %arg2[%dma_wait3A_113, %dma_wait3A_114] : memref<10000x128xf32, #tpu.memory_space<hbm>> -> memref<10000x128xf32, #tpu.memory_space<hbm>>
        tpu.wait_indirect_dma semaphore(%arg11 : memref<!tpu.dma_semaphore, #tpu.memory_space<semaphore_mem>>) src(%dma_wait3A_115 : memref<10000x128xf32, #tpu.memory_space<hbm>>) dst(%dma_wait3A_109 : memref<64x128xf32, #tpu.memory_space<vmem>>)
        "tpu.region"() ({
          %run_scoped3A = tpu.sem_alloc : memref<!tpu.dma_semaphore, #tpu.memory_space<semaphore_mem>>
          %dma_start3A_136 = arith.constant 0 : i32
          %dma_start3A_137 = tpu.memref_slice %arg7[%mul3A_78, %dma_start3A_136] : memref<40x128xi32, #tpu.memory_space<vmem>> -> memref<1x128xi32, #tpu.memory_space<vmem>>
          %dma_start3A_138 = tpu.memref_squeeze %dma_start3A_137 : memref<1x128xi32, #tpu.memory_space<vmem>> -> memref<128xi32, #tpu.memory_space<vmem>>
          %dma_start3A_139 = arith.constant 0 : i32
          %dma_start3A_140 = arith.constant 0 : i32
          %dma_start3A_141 = tpu.memref_slice %arg10[%dma_start3A_139, %dma_start3A_140] : memref<10240x128xf32, #tpu.memory_space<vmem_shared>> -> memref<10240x128xf32, #tpu.memory_space<vmem_shared>>
          tpu.enqueue_indirect_dma source(%arg8 : memref<128x128xf32, #tpu.memory_space<vmem>>) target(%dma_start3A_141 : memref<10240x128xf32, #tpu.memory_space<vmem_shared>>) offsets(%dma_start3A_138 : memref<128xi32, #tpu.memory_space<vmem>>) semaphore(%run_scoped3A : memref<!tpu.dma_semaphore, #tpu.memory_space<semaphore_mem>>) {add = true}
          %dma_wait3A_142 = arith.constant 0 : i32
          %dma_wait3A_143 = tpu.memref_slice %arg7[%mul3A_78, %dma_wait3A_142] : memref<40x128xi32, #tpu.memory_space<vmem>> -> memref<1x128xi32, #tpu.memory_space<vmem>>
          %dma_wait3A_144 = tpu.memref_squeeze %dma_wait3A_143 : memref<1x128xi32, #tpu.memory_space<vmem>> -> memref<128xi32, #tpu.memory_space<vmem>>
          %dma_wait3A_145 = arith.constant 0 : i32
          %dma_wait3A_146 = arith.constant 0 : i32
          %dma_wait3A_147 = tpu.memref_slice %arg10[%dma_wait3A_145, %dma_wait3A_146] : memref<10240x128xf32, #tpu.memory_space<vmem_shared>> -> memref<10240x128xf32, #tpu.memory_space<vmem_shared>>
          tpu.wait_indirect_dma semaphore(%run_scoped3A : memref<!tpu.dma_semaphore, #tpu.memory_space<semaphore_mem>>) src(%arg8 : memref<128x128xf32, #tpu.memory_space<vmem>>) dst(%dma_wait3A_147 : memref<10240x128xf32, #tpu.memory_space<vmem_shared>>)
          tpu.yield
        }) : () -> ()
        %lt3A = arith.constant 19 : i32
        %lt3A_116 = arith.cmpi slt, %scan3A_76, %lt3A : i32
        %convert_element_type3A = arith.extui %lt3A_116 : i1 to i32
        %cond3A = arith.constant 0 : i32
        %cond3A_117 = arith.cmpi ne, %convert_element_type3A, %cond3A : i32
        scf.if %cond3A_117 {
          %add3A_136 = arith.constant 2 : i32
          %add3A_137 = arith.addi %mul3A_78, %add3A_136 : i32
          %dma_start3A_138 = arith.constant 0 : i32
          %dma_start3A_139 = arith.constant 0 : i32
          %dma_start3A_140 = tpu.memref_slice %arg8[%dma_start3A_138, %dma_start3A_139] : memref<128x128xf32, #tpu.memory_space<vmem>> -> memref<64x128xf32, #tpu.memory_space<vmem>>
          %dma_start3A_141 = arith.constant 0 : i32
          %dma_start3A_142 = tpu.memref_slice %arg6[%add3A_137, %dma_start3A_141] : memref<40x128xi32, #tpu.memory_space<vmem>> -> memref<1x64xi32, #tpu.memory_space<vmem>>
          %dma_start3A_143 = tpu.memref_squeeze %dma_start3A_142 : memref<1x64xi32, #tpu.memory_space<vmem>> -> memref<64xi32, #tpu.memory_space<vmem>>
          %dma_start3A_144 = arith.constant 0 : i32
          %dma_start3A_145 = arith.constant 0 : i32
          %dma_start3A_146 = tpu.memref_slice %arg2[%dma_start3A_144, %dma_start3A_145] : memref<10000x128xf32, #tpu.memory_space<hbm>> -> memref<10000x128xf32, #tpu.memory_space<hbm>>
          tpu.enqueue_indirect_dma source(%dma_start3A_146 : memref<10000x128xf32, #tpu.memory_space<hbm>>) target(%dma_start3A_140 : memref<64x128xf32, #tpu.memory_space<vmem>>) offsets(%dma_start3A_143 : memref<64xi32, #tpu.memory_space<vmem>>) semaphore(%arg11 : memref<!tpu.dma_semaphore, #tpu.memory_space<semaphore_mem>>)
          %dma_start3A_147 = arith.constant 64 : i32
          %dma_start3A_148 = arith.constant 0 : i32
          %dma_start3A_149 = tpu.memref_slice %arg8[%dma_start3A_147, %dma_start3A_148] : memref<128x128xf32, #tpu.memory_space<vmem>> -> memref<64x128xf32, #tpu.memory_space<vmem>>
          %dma_start3A_150 = arith.constant 64 : i32
          %dma_start3A_151 = tpu.memref_slice %arg6[%add3A_137, %dma_start3A_150] : memref<40x128xi32, #tpu.memory_space<vmem>> -> memref<1x64xi32, #tpu.memory_space<vmem>>
          %dma_start3A_152 = tpu.memref_squeeze %dma_start3A_151 : memref<1x64xi32, #tpu.memory_space<vmem>> -> memref<64xi32, #tpu.memory_space<vmem>>
          %dma_start3A_153 = arith.constant 0 : i32
          %dma_start3A_154 = arith.constant 0 : i32
          %dma_start3A_155 = tpu.memref_slice %arg2[%dma_start3A_153, %dma_start3A_154] : memref<10000x128xf32, #tpu.memory_space<hbm>> -> memref<10000x128xf32, #tpu.memory_space<hbm>>
          tpu.enqueue_indirect_dma source(%dma_start3A_155 : memref<10000x128xf32, #tpu.memory_space<hbm>>) target(%dma_start3A_149 : memref<64x128xf32, #tpu.memory_space<vmem>>) offsets(%dma_start3A_152 : memref<64xi32, #tpu.memory_space<vmem>>) semaphore(%arg11 : memref<!tpu.dma_semaphore, #tpu.memory_space<semaphore_mem>>)
        } else {
        }
        %dma_wait3A_118 = arith.constant 0 : i32
        %dma_wait3A_119 = arith.constant 0 : i32
        %dma_wait3A_120 = tpu.memref_slice %arg9[%dma_wait3A_118, %dma_wait3A_119] : memref<128x128xf32, #tpu.memory_space<vmem>> -> memref<64x128xf32, #tpu.memory_space<vmem>>
        %dma_wait3A_121 = arith.constant 0 : i32
        %dma_wait3A_122 = tpu.memref_slice %arg6[%add3A_80, %dma_wait3A_121] : memref<40x128xi32, #tpu.memory_space<vmem>> -> memref<1x64xi32, #tpu.memory_space<vmem>>
        %dma_wait3A_123 = tpu.memref_squeeze %dma_wait3A_122 : memref<1x64xi32, #tpu.memory_space<vmem>> -> memref<64xi32, #tpu.memory_space<vmem>>
        %dma_wait3A_124 = arith.constant 0 : i32
        %dma_wait3A_125 = arith.constant 0 : i32
        %dma_wait3A_126 = tpu.memref_slice %arg2[%dma_wait3A_124, %dma_wait3A_125] : memref<10000x128xf32, #tpu.memory_space<hbm>> -> memref<10000x128xf32, #tpu.memory_space<hbm>>
        tpu.wait_indirect_dma semaphore(%arg12 : memref<!tpu.dma_semaphore, #tpu.memory_space<semaphore_mem>>) src(%dma_wait3A_126 : memref<10000x128xf32, #tpu.memory_space<hbm>>) dst(%dma_wait3A_120 : memref<64x128xf32, #tpu.memory_space<vmem>>)
        %dma_wait3A_127 = arith.constant 64 : i32
        %dma_wait3A_128 = arith.constant 0 : i32
        %dma_wait3A_129 = tpu.memref_slice %arg9[%dma_wait3A_127, %dma_wait3A_128] : memref<128x128xf32, #tpu.memory_space<vmem>> -> memref<64x128xf32, #tpu.memory_space<vmem>>
        %dma_wait3A_130 = arith.constant 64 : i32
        %dma_wait3A_131 = tpu.memref_slice %arg6[%add3A_80, %dma_wait3A_130] : memref<40x128xi32, #tpu.memory_space<vmem>> -> memref<1x64xi32, #tpu.memory_space<vmem>>
        %dma_wait3A_132 = tpu.memref_squeeze %dma_wait3A_131 : memref<1x64xi32, #tpu.memory_space<vmem>> -> memref<64xi32, #tpu.memory_space<vmem>>
        %dma_wait3A_133 = arith.constant 0 : i32
        %dma_wait3A_134 = arith.constant 0 : i32
        %dma_wait3A_135 = tpu.memref_slice %arg2[%dma_wait3A_133, %dma_wait3A_134] : memref<10000x128xf32, #tpu.memory_space<hbm>> -> memref<10000x128xf32, #tpu.memory_space<hbm>>
        tpu.wait_indirect_dma semaphore(%arg12 : memref<!tpu.dma_semaphore, #tpu.memory_space<semaphore_mem>>) src(%dma_wait3A_135 : memref<10000x128xf32, #tpu.memory_space<hbm>>) dst(%dma_wait3A_129 : memref<64x128xf32, #tpu.memory_space<vmem>>)
        "tpu.region"() ({
          %run_scoped3A = tpu.sem_alloc : memref<!tpu.dma_semaphore, #tpu.memory_space<semaphore_mem>>
          %dma_start3A_136 = arith.constant 0 : i32
          %dma_start3A_137 = tpu.memref_slice %arg7[%add3A_80, %dma_start3A_136] : memref<40x128xi32, #tpu.memory_space<vmem>> -> memref<1x128xi32, #tpu.memory_space<vmem>>
          %dma_start3A_138 = tpu.memref_squeeze %dma_start3A_137 : memref<1x128xi32, #tpu.memory_space<vmem>> -> memref<128xi32, #tpu.memory_space<vmem>>
          %dma_start3A_139 = arith.constant 0 : i32
          %dma_start3A_140 = arith.constant 0 : i32
          %dma_start3A_141 = tpu.memref_slice %arg10[%dma_start3A_139, %dma_start3A_140] : memref<10240x128xf32, #tpu.memory_space<vmem_shared>> -> memref<10240x128xf32, #tpu.memory_space<vmem_shared>>
          tpu.enqueue_indirect_dma source(%arg9 : memref<128x128xf32, #tpu.memory_space<vmem>>) target(%dma_start3A_141 : memref<10240x128xf32, #tpu.memory_space<vmem_shared>>) offsets(%dma_start3A_138 : memref<128xi32, #tpu.memory_space<vmem>>) semaphore(%run_scoped3A : memref<!tpu.dma_semaphore, #tpu.memory_space<semaphore_mem>>) {add = true}
          %dma_wait3A_142 = arith.constant 0 : i32
          %dma_wait3A_143 = tpu.memref_slice %arg7[%add3A_80, %dma_wait3A_142] : memref<40x128xi32, #tpu.memory_space<vmem>> -> memref<1x128xi32, #tpu.memory_space<vmem>>
          %dma_wait3A_144 = tpu.memref_squeeze %dma_wait3A_143 : memref<1x128xi32, #tpu.memory_space<vmem>> -> memref<128xi32, #tpu.memory_space<vmem>>
          %dma_wait3A_145 = arith.constant 0 : i32
          %dma_wait3A_146 = arith.constant 0 : i32
          %dma_wait3A_147 = tpu.memref_slice %arg10[%dma_wait3A_145, %dma_wait3A_146] : memref<10240x128xf32, #tpu.memory_space<vmem_shared>> -> memref<10240x128xf32, #tpu.memory_space<vmem_shared>>
          tpu.wait_indirect_dma semaphore(%run_scoped3A : memref<!tpu.dma_semaphore, #tpu.memory_space<semaphore_mem>>) src(%arg9 : memref<128x128xf32, #tpu.memory_space<vmem>>) dst(%dma_wait3A_147 : memref<10240x128xf32, #tpu.memory_space<vmem_shared>>)
          tpu.yield
        }) : () -> ()
      }
      %scan3A_75 = arith.constant 20 : i32
    }
    %scan3A_24 = arith.constant 2 : i32
    %barrier3A_25 = arith.constant 0 : index
    tpu.barrier barrier_id(%barrier3A_25)
    %add3A_26 = arith.constant 0 : i32
    %add3A_27 = arith.addi %mul3A_2, %add3A_26 : i32
    "tpu.region"() ({
      %run_scoped3A = tpu.sem_alloc : memref<!tpu.dma_semaphore, #tpu.memory_space<semaphore_mem>>
      %dma_start3A = arith.constant 0 : i32
      %dma_start3A_46 = tpu.memref_slice %arg10[%add3A_27, %dma_start3A] : memref<10240x128xf32, #tpu.memory_space<vmem_shared>> -> memref<128x128xf32, #tpu.memory_space<vmem_shared>>
      %dma_start3A_47 = arith.constant 0 : i32
      %dma_start3A_48 = tpu.memref_slice %arg10[%add3A_27, %dma_start3A_47] : memref<10240x128xf32, #tpu.memory_space<vmem_shared>> -> memref<128x128xf32, #tpu.memory_space<vmem_shared>>
      tpu.enqueue_dma source(%dma_start3A_48 : memref<128x128xf32, #tpu.memory_space<vmem_shared>>) target(%arg8 : memref<128x128xf32, #tpu.memory_space<vmem>>) target_semaphore(%run_scoped3A : memref<!tpu.dma_semaphore, #tpu.memory_space<semaphore_mem>>)
      %dma_wait3A = arith.constant 0 : i32
      %dma_wait3A_49 = tpu.memref_slice %arg10[%add3A_27, %dma_wait3A] : memref<10240x128xf32, #tpu.memory_space<vmem_shared>> -> memref<128x128xf32, #tpu.memory_space<vmem_shared>>
      %dma_wait3A_50 = arith.constant 0 : i32
      %dma_wait3A_51 = tpu.memref_slice %arg10[%add3A_27, %dma_wait3A_50] : memref<10240x128xf32, #tpu.memory_space<vmem_shared>> -> memref<128x128xf32, #tpu.memory_space<vmem_shared>>
      tpu.wait_dma2 semaphore(%run_scoped3A : memref<!tpu.dma_semaphore, #tpu.memory_space<semaphore_mem>>) src(%dma_wait3A_51 : memref<128x128xf32, #tpu.memory_space<vmem_shared>>) dst(%arg8 : memref<128x128xf32, #tpu.memory_space<vmem>>)
      tpu.yield
    }) : () -> ()
    %add3A_28 = arith.constant 0 : i32
    %add3A_29 = arith.addi %mul3A_2, %add3A_28 : i32
    "tpu.region"() ({
      %run_scoped3A = tpu.sem_alloc : memref<!tpu.dma_semaphore, #tpu.memory_space<semaphore_mem>>
      %dma_start3A = arith.constant 0 : i32
      %dma_start3A_46 = tpu.memref_slice %arg5[%arg0, %add3A_29, %dma_start3A] : memref<2x10240x128xf32, #tpu.memory_space<hbm>> -> memref<1x128x128xf32, #tpu.memory_space<hbm>>
      %dma_start3A_47 = tpu.memref_squeeze %dma_start3A_46 : memref<1x128x128xf32, #tpu.memory_space<hbm>> -> memref<128x128xf32, #tpu.memory_space<hbm>>
      %dma_start3A_48 = arith.constant 0 : i32
      %dma_start3A_49 = tpu.memref_slice %arg5[%arg0, %add3A_29, %dma_start3A_48] : memref<2x10240x128xf32, #tpu.memory_space<hbm>> -> memref<1x128x128xf32, #tpu.memory_space<hbm>>
      %dma_start3A_50 = tpu.memref_squeeze %dma_start3A_49 : memref<1x128x128xf32, #tpu.memory_space<hbm>> -> memref<128x128xf32, #tpu.memory_space<hbm>>
      tpu.enqueue_dma source(%arg8 : memref<128x128xf32, #tpu.memory_space<vmem>>) target(%dma_start3A_50 : memref<128x128xf32, #tpu.memory_space<hbm>>) target_semaphore(%run_scoped3A : memref<!tpu.dma_semaphore, #tpu.memory_space<semaphore_mem>>)
      %dma_wait3A = arith.constant 0 : i32
      %dma_wait3A_51 = tpu.memref_slice %arg5[%arg0, %add3A_29, %dma_wait3A] : memref<2x10240x128xf32, #tpu.memory_space<hbm>> -> memref<1x128x128xf32, #tpu.memory_space<hbm>>
      %dma_wait3A_52 = tpu.memref_squeeze %dma_wait3A_51 : memref<1x128x128xf32, #tpu.memory_space<hbm>> -> memref<128x128xf32, #tpu.memory_space<hbm>>
      %dma_wait3A_53 = arith.constant 0 : i32
      %dma_wait3A_54 = tpu.memref_slice %arg5[%arg0, %add3A_29, %dma_wait3A_53] : memref<2x10240x128xf32, #tpu.memory_space<hbm>> -> memref<1x128x128xf32, #tpu.memory_space<hbm>>
      %dma_wait3A_55 = tpu.memref_squeeze %dma_wait3A_54 : memref<1x128x128xf32, #tpu.memory_space<hbm>> -> memref<128x128xf32, #tpu.memory_space<hbm>>
      tpu.wait_dma2 semaphore(%run_scoped3A : memref<!tpu.dma_semaphore, #tpu.memory_space<semaphore_mem>>) src(%arg8 : memref<128x128xf32, #tpu.memory_space<vmem>>) dst(%dma_wait3A_55 : memref<128x128xf32, #tpu.memory_space<hbm>>)
      tpu.yield
    }) : () -> ()
    %add3A_30 = arith.constant 128 : i32
    %add3A_31 = arith.addi %mul3A_2, %add3A_30 : i32
    "tpu.region"() ({
      %run_scoped3A = tpu.sem_alloc : memref<!tpu.dma_semaphore, #tpu.memory_space<semaphore_mem>>
      %dma_start3A = arith.constant 0 : i32
      %dma_start3A_46 = tpu.memref_slice %arg10[%add3A_31, %dma_start3A] : memref<10240x128xf32, #tpu.memory_space<vmem_shared>> -> memref<128x128xf32, #tpu.memory_space<vmem_shared>>
      %dma_start3A_47 = arith.constant 0 : i32
      %dma_start3A_48 = tpu.memref_slice %arg10[%add3A_31, %dma_start3A_47] : memref<10240x128xf32, #tpu.memory_space<vmem_shared>> -> memref<128x128xf32, #tpu.memory_space<vmem_shared>>
      tpu.enqueue_dma source(%dma_start3A_48 : memref<128x128xf32, #tpu.memory_space<vmem_shared>>) target(%arg8 : memref<128x128xf32, #tpu.memory_space<vmem>>) target_semaphore(%run_scoped3A : memref<!tpu.dma_semaphore, #tpu.memory_space<semaphore_mem>>)
      %dma_wait3A = arith.constant 0 : i32
      %dma_wait3A_49 = tpu.memref_slice %arg10[%add3A_31, %dma_wait3A] : memref<10240x128xf32, #tpu.memory_space<vmem_shared>> -> memref<128x128xf32, #tpu.memory_space<vmem_shared>>
      %dma_wait3A_50 = arith.constant 0 : i32
      %dma_wait3A_51 = tpu.memref_slice %arg10[%add3A_31, %dma_wait3A_50] : memref<10240x128xf32, #tpu.memory_space<vmem_shared>> -> memref<128x128xf32, #tpu.memory_space<vmem_shared>>
      tpu.wait_dma2 semaphore(%run_scoped3A : memref<!tpu.dma_semaphore, #tpu.memory_space<semaphore_mem>>) src(%dma_wait3A_51 : memref<128x128xf32, #tpu.memory_space<vmem_shared>>) dst(%arg8 : memref<128x128xf32, #tpu.memory_space<vmem>>)
      tpu.yield
    }) : () -> ()
    %add3A_32 = arith.constant 128 : i32
    %add3A_33 = arith.addi %mul3A_2, %add3A_32 : i32
    "tpu.region"() ({
      %run_scoped3A = tpu.sem_alloc : memref<!tpu.dma_semaphore, #tpu.memory_space<semaphore_mem>>
      %dma_start3A = arith.constant 0 : i32
      %dma_start3A_46 = tpu.memref_slice %arg5[%arg0, %add3A_33, %dma_start3A] : memref<2x10240x128xf32, #tpu.memory_space<hbm>> -> memref<1x128x128xf32, #tpu.memory_space<hbm>>
      %dma_start3A_47 = tpu.memref_squeeze %dma_start3A_46 : memref<1x128x128xf32, #tpu.memory_space<hbm>> -> memref<128x128xf32, #tpu.memory_space<hbm>>
      %dma_start3A_48 = arith.constant 0 : i32
      %dma_start3A_49 = tpu.memref_slice %arg5[%arg0, %add3A_33, %dma_start3A_48] : memref<2x10240x128xf32, #tpu.memory_space<hbm>> -> memref<1x128x128xf32, #tpu.memory_space<hbm>>
      %dma_start3A_50 = tpu.memref_squeeze %dma_start3A_49 : memref<1x128x128xf32, #tpu.memory_space<hbm>> -> memref<128x128xf32, #tpu.memory_space<hbm>>
      tpu.enqueue_dma source(%arg8 : memref<128x128xf32, #tpu.memory_space<vmem>>) target(%dma_start3A_50 : memref<128x128xf32, #tpu.memory_space<hbm>>) target_semaphore(%run_scoped3A : memref<!tpu.dma_semaphore, #tpu.memory_space<semaphore_mem>>)
      %dma_wait3A = arith.constant 0 : i32
      %dma_wait3A_51 = tpu.memref_slice %arg5[%arg0, %add3A_33, %dma_wait3A] : memref<2x10240x128xf32, #tpu.memory_space<hbm>> -> memref<1x128x128xf32, #tpu.memory_space<hbm>>
      %dma_wait3A_52 = tpu.memref_squeeze %dma_wait3A_51 : memref<1x128x128xf32, #tpu.memory_space<hbm>> -> memref<128x128xf32, #tpu.memory_space<hbm>>
      %dma_wait3A_53 = arith.constant 0 : i32
      %dma_wait3A_54 = tpu.memref_slice %arg5[%arg0, %add3A_33, %dma_wait3A_53] : memref<2x10240x128xf32, #tpu.memory_space<hbm>> -> memref<1x128x128xf32, #tpu.memory_space<hbm>>
      %dma_wait3A_55 = tpu.memref_squeeze %dma_wait3A_54 : memref<1x128x128xf32, #tpu.memory_space<hbm>> -> memref<128x128xf32, #tpu.memory_space<hbm>>
      tpu.wait_dma2 semaphore(%run_scoped3A : memref<!tpu.dma_semaphore, #tpu.memory_space<semaphore_mem>>) src(%arg8 : memref<128x128xf32, #tpu.memory_space<vmem>>) dst(%dma_wait3A_55 : memref<128x128xf32, #tpu.memory_space<hbm>>)
      tpu.yield
    }) : () -> ()
    %add3A_34 = arith.constant 256 : i32
    %add3A_35 = arith.addi %mul3A_2, %add3A_34 : i32
    "tpu.region"() ({
      %run_scoped3A = tpu.sem_alloc : memref<!tpu.dma_semaphore, #tpu.memory_space<semaphore_mem>>
      %dma_start3A = arith.constant 0 : i32
      %dma_start3A_46 = tpu.memref_slice %arg10[%add3A_35, %dma_start3A] : memref<10240x128xf32, #tpu.memory_space<vmem_shared>> -> memref<128x128xf32, #tpu.memory_space<vmem_shared>>
      %dma_start3A_47 = arith.constant 0 : i32
      %dma_start3A_48 = tpu.memref_slice %arg10[%add3A_35, %dma_start3A_47] : memref<10240x128xf32, #tpu.memory_space<vmem_shared>> -> memref<128x128xf32, #tpu.memory_space<vmem_shared>>
      tpu.enqueue_dma source(%dma_start3A_48 : memref<128x128xf32, #tpu.memory_space<vmem_shared>>) target(%arg8 : memref<128x128xf32, #tpu.memory_space<vmem>>) target_semaphore(%run_scoped3A : memref<!tpu.dma_semaphore, #tpu.memory_space<semaphore_mem>>)
      %dma_wait3A = arith.constant 0 : i32
      %dma_wait3A_49 = tpu.memref_slice %arg10[%add3A_35, %dma_wait3A] : memref<10240x128xf32, #tpu.memory_space<vmem_shared>> -> memref<128x128xf32, #tpu.memory_space<vmem_shared>>
      %dma_wait3A_50 = arith.constant 0 : i32
      %dma_wait3A_51 = tpu.memref_slice %arg10[%add3A_35, %dma_wait3A_50] : memref<10240x128xf32, #tpu.memory_space<vmem_shared>> -> memref<128x128xf32, #tpu.memory_space<vmem_shared>>
      tpu.wait_dma2 semaphore(%run_scoped3A : memref<!tpu.dma_semaphore, #tpu.memory_space<semaphore_mem>>) src(%dma_wait3A_51 : memref<128x128xf32, #tpu.memory_space<vmem_shared>>) dst(%arg8 : memref<128x128xf32, #tpu.memory_space<vmem>>)
      tpu.yield
    }) : () -> ()
    %add3A_36 = arith.constant 256 : i32
    %add3A_37 = arith.addi %mul3A_2, %add3A_36 : i32
    "tpu.region"() ({
      %run_scoped3A = tpu.sem_alloc : memref<!tpu.dma_semaphore, #tpu.memory_space<semaphore_mem>>
      %dma_start3A = arith.constant 0 : i32
      %dma_start3A_46 = tpu.memref_slice %arg5[%arg0, %add3A_37, %dma_start3A] : memref<2x10240x128xf32, #tpu.memory_space<hbm>> -> memref<1x128x128xf32, #tpu.memory_space<hbm>>
      %dma_start3A_47 = tpu.memref_squeeze %dma_start3A_46 : memref<1x128x128xf32, #tpu.memory_space<hbm>> -> memref<128x128xf32, #tpu.memory_space<hbm>>
      %dma_start3A_48 = arith.constant 0 : i32
      %dma_start3A_49 = tpu.memref_slice %arg5[%arg0, %add3A_37, %dma_start3A_48] : memref<2x10240x128xf32, #tpu.memory_space<hbm>> -> memref<1x128x128xf32, #tpu.memory_space<hbm>>
      %dma_start3A_50 = tpu.memref_squeeze %dma_start3A_49 : memref<1x128x128xf32, #tpu.memory_space<hbm>> -> memref<128x128xf32, #tpu.memory_space<hbm>>
      tpu.enqueue_dma source(%arg8 : memref<128x128xf32, #tpu.memory_space<vmem>>) target(%dma_start3A_50 : memref<128x128xf32, #tpu.memory_space<hbm>>) target_semaphore(%run_scoped3A : memref<!tpu.dma_semaphore, #tpu.memory_space<semaphore_mem>>)
      %dma_wait3A = arith.constant 0 : i32
      %dma_wait3A_51 = tpu.memref_slice %arg5[%arg0, %add3A_37, %dma_wait3A] : memref<2x10240x128xf32, #tpu.memory_space<hbm>> -> memref<1x128x128xf32, #tpu.memory_space<hbm>>
      %dma_wait3A_52 = tpu.memref_squeeze %dma_wait3A_51 : memref<1x128x128xf32, #tpu.memory_space<hbm>> -> memref<128x128xf32, #tpu.memory_space<hbm>>
      %dma_wait3A_53 = arith.constant 0 : i32
      %dma_wait3A_54 = tpu.memref_slice %arg5[%arg0, %add3A_37, %dma_wait3A_53] : memref<2x10240x128xf32, #tpu.memory_space<hbm>> -> memref<1x128x128xf32, #tpu.memory_space<hbm>>
      %dma_wait3A_55 = tpu.memref_squeeze %dma_wait3A_54 : memref<1x128x128xf32, #tpu.memory_space<hbm>> -> memref<128x128xf32, #tpu.memory_space<hbm>>
      tpu.wait_dma2 semaphore(%run_scoped3A : memref<!tpu.dma_semaphore, #tpu.memory_space<semaphore_mem>>) src(%arg8 : memref<128x128xf32, #tpu.memory_space<vmem>>) dst(%dma_wait3A_55 : memref<128x128xf32, #tpu.memory_space<hbm>>)
      tpu.yield
    }) : () -> ()
    %add3A_38 = arith.constant 384 : i32
    %add3A_39 = arith.addi %mul3A_2, %add3A_38 : i32
    "tpu.region"() ({
      %run_scoped3A = tpu.sem_alloc : memref<!tpu.dma_semaphore, #tpu.memory_space<semaphore_mem>>
      %dma_start3A = arith.constant 0 : i32
      %dma_start3A_46 = tpu.memref_slice %arg10[%add3A_39, %dma_start3A] : memref<10240x128xf32, #tpu.memory_space<vmem_shared>> -> memref<128x128xf32, #tpu.memory_space<vmem_shared>>
      %dma_start3A_47 = arith.constant 0 : i32
      %dma_start3A_48 = tpu.memref_slice %arg10[%add3A_39, %dma_start3A_47] : memref<10240x128xf32, #tpu.memory_space<vmem_shared>> -> memref<128x128xf32, #tpu.memory_space<vmem_shared>>
      tpu.enqueue_dma source(%dma_start3A_48 : memref<128x128xf32, #tpu.memory_space<vmem_shared>>) target(%arg8 : memref<128x128xf32, #tpu.memory_space<vmem>>) target_semaphore(%run_scoped3A : memref<!tpu.dma_semaphore, #tpu.memory_space<semaphore_mem>>)
      %dma_wait3A = arith.constant 0 : i32
      %dma_wait3A_49 = tpu.memref_slice %arg10[%add3A_39, %dma_wait3A] : memref<10240x128xf32, #tpu.memory_space<vmem_shared>> -> memref<128x128xf32, #tpu.memory_space<vmem_shared>>
      %dma_wait3A_50 = arith.constant 0 : i32
      %dma_wait3A_51 = tpu.memref_slice %arg10[%add3A_39, %dma_wait3A_50] : memref<10240x128xf32, #tpu.memory_space<vmem_shared>> -> memref<128x128xf32, #tpu.memory_space<vmem_shared>>
      tpu.wait_dma2 semaphore(%run_scoped3A : memref<!tpu.dma_semaphore, #tpu.memory_space<semaphore_mem>>) src(%dma_wait3A_51 : memref<128x128xf32, #tpu.memory_space<vmem_shared>>) dst(%arg8 : memref<128x128xf32, #tpu.memory_space<vmem>>)
      tpu.yield
    }) : () -> ()
    %add3A_40 = arith.constant 384 : i32
    %add3A_41 = arith.addi %mul3A_2, %add3A_40 : i32
    "tpu.region"() ({
      %run_scoped3A = tpu.sem_alloc : memref<!tpu.dma_semaphore, #tpu.memory_space<semaphore_mem>>
      %dma_start3A = arith.constant 0 : i32
      %dma_start3A_46 = tpu.memref_slice %arg5[%arg0, %add3A_41, %dma_start3A] : memref<2x10240x128xf32, #tpu.memory_space<hbm>> -> memref<1x128x128xf32, #tpu.memory_space<hbm>>
      %dma_start3A_47 = tpu.memref_squeeze %dma_start3A_46 : memref<1x128x128xf32, #tpu.memory_space<hbm>> -> memref<128x128xf32, #tpu.memory_space<hbm>>
      %dma_start3A_48 = arith.constant 0 : i32
      %dma_start3A_49 = tpu.memref_slice %arg5[%arg0, %add3A_41, %dma_start3A_48] : memref<2x10240x128xf32, #tpu.memory_space<hbm>> -> memref<1x128x128xf32, #tpu.memory_space<hbm>>
      %dma_start3A_50 = tpu.memref_squeeze %dma_start3A_49 : memref<1x128x128xf32, #tpu.memory_space<hbm>> -> memref<128x128xf32, #tpu.memory_space<hbm>>
      tpu.enqueue_dma source(%arg8 : memref<128x128xf32, #tpu.memory_space<vmem>>) target(%dma_start3A_50 : memref<128x128xf32, #tpu.memory_space<hbm>>) target_semaphore(%run_scoped3A : memref<!tpu.dma_semaphore, #tpu.memory_space<semaphore_mem>>)
      %dma_wait3A = arith.constant 0 : i32
      %dma_wait3A_51 = tpu.memref_slice %arg5[%arg0, %add3A_41, %dma_wait3A] : memref<2x10240x128xf32, #tpu.memory_space<hbm>> -> memref<1x128x128xf32, #tpu.memory_space<hbm>>
      %dma_wait3A_52 = tpu.memref_squeeze %dma_wait3A_51 : memref<1x128x128xf32, #tpu.memory_space<hbm>> -> memref<128x128xf32, #tpu.memory_space<hbm>>
      %dma_wait3A_53 = arith.constant 0 : i32
      %dma_wait3A_54 = tpu.memref_slice %arg5[%arg0, %add3A_41, %dma_wait3A_53] : memref<2x10240x128xf32, #tpu.memory_space<hbm>> -> memref<1x128x128xf32, #tpu.memory_space<hbm>>
      %dma_wait3A_55 = tpu.memref_squeeze %dma_wait3A_54 : memref<1x128x128xf32, #tpu.memory_space<hbm>> -> memref<128x128xf32, #tpu.memory_space<hbm>>
      tpu.wait_dma2 semaphore(%run_scoped3A : memref<!tpu.dma_semaphore, #tpu.memory_space<semaphore_mem>>) src(%arg8 : memref<128x128xf32, #tpu.memory_space<vmem>>) dst(%dma_wait3A_55 : memref<128x128xf32, #tpu.memory_space<hbm>>)
      tpu.yield
    }) : () -> ()
    %add3A_42 = arith.constant 512 : i32
    %add3A_43 = arith.addi %mul3A_2, %add3A_42 : i32
    "tpu.region"() ({
      %run_scoped3A = tpu.sem_alloc : memref<!tpu.dma_semaphore, #tpu.memory_space<semaphore_mem>>
      %dma_start3A = arith.constant 0 : i32
      %dma_start3A_46 = tpu.memref_slice %arg10[%add3A_43, %dma_start3A] : memref<10240x128xf32, #tpu.memory_space<vmem_shared>> -> memref<128x128xf32, #tpu.memory_space<vmem_shared>>
      %dma_start3A_47 = arith.constant 0 : i32
      %dma_start3A_48 = tpu.memref_slice %arg10[%add3A_43, %dma_start3A_47] : memref<10240x128xf32, #tpu.memory_space<vmem_shared>> -> memref<128x128xf32, #tpu.memory_space<vmem_shared>>
      tpu.enqueue_dma source(%dma_start3A_48 : memref<128x128xf32, #tpu.memory_space<vmem_shared>>) target(%arg8 : memref<128x128xf32, #tpu.memory_space<vmem>>) target_semaphore(%run_scoped3A : memref<!tpu.dma_semaphore, #tpu.memory_space<semaphore_mem>>)
      %dma_wait3A = arith.constant 0 : i32
      %dma_wait3A_49 = tpu.memref_slice %arg10[%add3A_43, %dma_wait3A] : memref<10240x128xf32, #tpu.memory_space<vmem_shared>> -> memref<128x128xf32, #tpu.memory_space<vmem_shared>>
      %dma_wait3A_50 = arith.constant 0 : i32
      %dma_wait3A_51 = tpu.memref_slice %arg10[%add3A_43, %dma_wait3A_50] : memref<10240x128xf32, #tpu.memory_space<vmem_shared>> -> memref<128x128xf32, #tpu.memory_space<vmem_shared>>
      tpu.wait_dma2 semaphore(%run_scoped3A : memref<!tpu.dma_semaphore, #tpu.memory_space<semaphore_mem>>) src(%dma_wait3A_51 : memref<128x128xf32, #tpu.memory_space<vmem_shared>>) dst(%arg8 : memref<128x128xf32, #tpu.memory_space<vmem>>)
      tpu.yield
    }) : () -> ()
    %add3A_44 = arith.constant 512 : i32
    %add3A_45 = arith.addi %mul3A_2, %add3A_44 : i32
    "tpu.region"() ({
      %run_scoped3A = tpu.sem_alloc : memref<!tpu.dma_semaphore, #tpu.memory_space<semaphore_mem>>
      %dma_start3A = arith.constant 0 : i32
      %dma_start3A_46 = tpu.memref_slice %arg5[%arg0, %add3A_45, %dma_start3A] : memref<2x10240x128xf32, #tpu.memory_space<hbm>> -> memref<1x128x128xf32, #tpu.memory_space<hbm>>
      %dma_start3A_47 = tpu.memref_squeeze %dma_start3A_46 : memref<1x128x128xf32, #tpu.memory_space<hbm>> -> memref<128x128xf32, #tpu.memory_space<hbm>>
      %dma_start3A_48 = arith.constant 0 : i32
      %dma_start3A_49 = tpu.memref_slice %arg5[%arg0, %add3A_45, %dma_start3A_48] : memref<2x10240x128xf32, #tpu.memory_space<hbm>> -> memref<1x128x128xf32, #tpu.memory_space<hbm>>
      %dma_start3A_50 = tpu.memref_squeeze %dma_start3A_49 : memref<1x128x128xf32, #tpu.memory_space<hbm>> -> memref<128x128xf32, #tpu.memory_space<hbm>>
      tpu.enqueue_dma source(%arg8 : memref<128x128xf32, #tpu.memory_space<vmem>>) target(%dma_start3A_50 : memref<128x128xf32, #tpu.memory_space<hbm>>) target_semaphore(%run_scoped3A : memref<!tpu.dma_semaphore, #tpu.memory_space<semaphore_mem>>)
      %dma_wait3A = arith.constant 0 : i32
      %dma_wait3A_51 = tpu.memref_slice %arg5[%arg0, %add3A_45, %dma_wait3A] : memref<2x10240x128xf32, #tpu.memory_space<hbm>> -> memref<1x128x128xf32, #tpu.memory_space<hbm>>
      %dma_wait3A_52 = tpu.memref_squeeze %dma_wait3A_51 : memref<1x128x128xf32, #tpu.memory_space<hbm>> -> memref<128x128xf32, #tpu.memory_space<hbm>>
      %dma_wait3A_53 = arith.constant 0 : i32
      %dma_wait3A_54 = tpu.memref_slice %arg5[%arg0, %add3A_45, %dma_wait3A_53] : memref<2x10240x128xf32, #tpu.memory_space<hbm>> -> memref<1x128x128xf32, #tpu.memory_space<hbm>>
      %dma_wait3A_55 = tpu.memref_squeeze %dma_wait3A_54 : memref<1x128x128xf32, #tpu.memory_space<hbm>> -> memref<128x128xf32, #tpu.memory_space<hbm>>
      tpu.wait_dma2 semaphore(%run_scoped3A : memref<!tpu.dma_semaphore, #tpu.memory_space<semaphore_mem>>) src(%arg8 : memref<128x128xf32, #tpu.memory_space<vmem>>) dst(%dma_wait3A_55 : memref<128x128xf32, #tpu.memory_space<hbm>>)
      tpu.yield
    }) : () -> ()
    return
  }
}

module attributes {stable_mosaic.version = 14 : i64} {
  func.func @_pre_body(%arg0: i32, %arg1: memref<1000x128xf32, #tpu.memory_space<vmem>>, %arg2: memref<128x128xf32, #tpu.memory_space<vmem>>, %arg3: memref<2x1000x16xf32, #tpu.memory_space<vmem>>, %arg4: memref<1000x128xf32, #tpu.memory_space<vmem>>) attributes {dimension_semantics = [#tpu.dimension_semantics<arbitrary>], iteration_bounds = array<i64: 10>, scalar_prefetch = 0 : i64, scratch_operands = 0 : i64, tpu.core_type = #tpu.core_type<tc>, window_params = [{transform_indices = @transform_0, window_bounds = array<i64: 1000, 128>}, {pipeline_mode = #tpu.pipeline_mode<synchronous>, transform_indices = @transform_1, window_bounds = array<i64: 128, 128>}, {transform_indices = @transform_2, window_bounds = array<i64: 2, 1000, 16>}, {transform_indices = @transform_3, window_bounds = array<i64: 1000, 128>}]} {
    %get3A = arith.constant 0 : index
    %get3A_0 = arith.constant 0 : index
    %get3A_1 = arith.constant 0 : index
    %get3A_2 = vector.load %arg3[%get3A, %get3A_0, %get3A_1] : memref<2x1000x16xf32, #tpu.memory_space<vmem>>, vector<1x1000x1xf32>
    %get3A_3 = vector.shape_cast %get3A_2 : vector<1x1000x1xf32> to vector<1000x1xf32>
    %get3A_4 = arith.constant 1 : index
    %get3A_5 = arith.constant 0 : index
    %get3A_6 = arith.constant 0 : index
    %get3A_7 = vector.load %arg3[%get3A_4, %get3A_5, %get3A_6] : memref<2x1000x16xf32, #tpu.memory_space<vmem>>, vector<1x1000x1xf32>
    %get3A_8 = vector.shape_cast %get3A_7 : vector<1x1000x1xf32> to vector<1000x1xf32>
    %add3A = arith.addf %get3A_3, %get3A_8 : vector<1000x1xf32>
    %rsqrt3A = math.rsqrt %add3A : vector<1000x1xf32>
    %get3A_9 = arith.constant 0 : index
    %get3A_10 = arith.constant 0 : index
    %get3A_11 = vector.load %arg1[%get3A_9, %get3A_10] : memref<1000x128xf32, #tpu.memory_space<vmem>>, vector<1000x128xf32>
    %get3A_12 = arith.constant 0 : index
    %get3A_13 = arith.constant 0 : index
    %get3A_14 = vector.load %arg2[%get3A_12, %get3A_13] : memref<128x128xf32, #tpu.memory_space<vmem>>, vector<128x128xf32>
    %dot_general3A = arith.constant dense<0.000000e+00> : vector<1000x128xf32>
    %dot_general3A_15 = tpu.matmul %get3A_11, %get3A_14, %dot_general3A {dimension_numbers = #tpu.dot_dimension_numbers<[1], [0], [0], [1], [0, 0, 1, 1], [], []>, transpose_lhs_hint = false} : vector<1000x128xf32>, vector<128x128xf32>, vector<1000x128xf32> -> vector<1000x128xf32>
    %mul3A = vector.broadcast %rsqrt3A : vector<1000x1xf32> to vector<1000x128xf32>
    %mul3A_16 = arith.mulf %dot_general3A_15, %mul3A : vector<1000x128xf32>
    %swap3A = arith.constant 0 : index
    %swap3A_17 = arith.constant 0 : index
    %swap3A_18 = vector.load %arg4[%swap3A, %swap3A_17] : memref<1000x128xf32, #tpu.memory_space<vmem>>, vector<1000x128xf32>
    tpu.vector_store %arg4[%swap3A, %swap3A_17], %mul3A_16 {strides = array<i32>} : memref<1000x128xf32, #tpu.memory_space<vmem>>, vector<1000x128xf32>,
    return
  }
  func.func @transform_0(%arg0: i32) -> (i32, i32) {
    %c0_i32 = arith.constant 0 : i32
    %c0_i32_0 = arith.constant 0 : i32
    return %arg0, %c0_i32 : i32, i32
  }
  func.func @transform_1(%arg0: i32) -> (i32, i32) {
    %c0_i32 = arith.constant 0 : i32
    %c0_i32_0 = arith.constant 0 : i32
    %c0_i32_1 = arith.constant 0 : i32
    return %c0_i32, %c0_i32_0 : i32, i32
  }
  func.func @transform_2(%arg0: i32) -> (i32, i32, i32) {
    %c0_i32 = arith.constant 0 : i32
    %c0_i32_0 = arith.constant 0 : i32
    %c0_i32_1 = arith.constant 0 : i32
    return %c0_i32, %arg0, %c0_i32_0 : i32, i32, i32
  }
  func.func @transform_3(%arg0: i32) -> (i32, i32) {
    %c0_i32 = arith.constant 0 : i32
    %c0_i32_0 = arith.constant 0 : i32
    return %arg0, %c0_i32 : i32, i32
  }
}

module attributes {stable_mosaic.version = 14 : i64} {
  func.func @_out_body(%arg0: i32, %arg1: memref<2x1000x128xf32, #tpu.memory_space<vmem>>, %arg2: memref<1000x128xf32, #tpu.memory_space<vmem>>, %arg3: memref<2x1000x16xf32, #tpu.memory_space<vmem>>, %arg4: memref<1x128xf32, #tpu.memory_space<vmem>>, %arg5: memref<128x40xf32, #tpu.memory_space<vmem>>, %arg6: memref<1x40xf32, #tpu.memory_space<vmem>>, %arg7: memref<1000x40xf32, #tpu.memory_space<vmem>>) attributes {dimension_semantics = [#tpu.dimension_semantics<arbitrary>], iteration_bounds = array<i64: 10>, scalar_prefetch = 0 : i64, scratch_operands = 0 : i64, tpu.core_type = #tpu.core_type<tc>, window_params = [{transform_indices = @transform_0, window_bounds = array<i64: 2, 1000, 128>}, {transform_indices = @transform_1, window_bounds = array<i64: 1000, 128>}, {transform_indices = @transform_2, window_bounds = array<i64: 2, 1000, 16>}, {pipeline_mode = #tpu.pipeline_mode<synchronous>, transform_indices = @transform_3, window_bounds = array<i64: 1, 128>}, {pipeline_mode = #tpu.pipeline_mode<synchronous>, transform_indices = @transform_4, window_bounds = array<i64: 128, 40>}, {pipeline_mode = #tpu.pipeline_mode<synchronous>, transform_indices = @transform_5, window_bounds = array<i64: 1, 40>}, {transform_indices = @transform_6, window_bounds = array<i64: 1000, 40>}]} {
    %get3A = arith.constant 0 : index
    %get3A_0 = arith.constant 0 : index
    %get3A_1 = arith.constant 0 : index
    %get3A_2 = vector.load %arg3[%get3A, %get3A_0, %get3A_1] : memref<2x1000x16xf32, #tpu.memory_space<vmem>>, vector<1x1000x1xf32>
    %get3A_3 = vector.shape_cast %get3A_2 : vector<1x1000x1xf32> to vector<1000x1xf32>
    %get3A_4 = arith.constant 1 : index
    %get3A_5 = arith.constant 0 : index
    %get3A_6 = arith.constant 0 : index
    %get3A_7 = vector.load %arg3[%get3A_4, %get3A_5, %get3A_6] : memref<2x1000x16xf32, #tpu.memory_space<vmem>>, vector<1x1000x1xf32>
    %get3A_8 = vector.shape_cast %get3A_7 : vector<1x1000x1xf32> to vector<1000x1xf32>
    %add3A = arith.addf %get3A_3, %get3A_8 : vector<1000x1xf32>
    %rsqrt3A = math.rsqrt %add3A : vector<1000x1xf32>
    %get3A_9 = arith.constant 0 : index
    %get3A_10 = arith.constant 0 : index
    %get3A_11 = arith.constant 0 : index
    %get3A_12 = vector.load %arg1[%get3A_9, %get3A_10, %get3A_11] : memref<2x1000x128xf32, #tpu.memory_space<vmem>>, vector<1x1000x128xf32>
    %get3A_13 = vector.shape_cast %get3A_12 : vector<1x1000x128xf32> to vector<1000x128xf32>
    %get3A_14 = arith.constant 1 : index
    %get3A_15 = arith.constant 0 : index
    %get3A_16 = arith.constant 0 : index
    %get3A_17 = vector.load %arg1[%get3A_14, %get3A_15, %get3A_16] : memref<2x1000x128xf32, #tpu.memory_space<vmem>>, vector<1x1000x128xf32>
    %get3A_18 = vector.shape_cast %get3A_17 : vector<1x1000x128xf32> to vector<1000x128xf32>
    %add3A_19 = arith.addf %get3A_13, %get3A_18 : vector<1000x128xf32>
    %get3A_20 = arith.constant 0 : index
    %get3A_21 = arith.constant 0 : index
    %get3A_22 = vector.load %arg2[%get3A_20, %get3A_21] : memref<1000x128xf32, #tpu.memory_space<vmem>>, vector<1000x128xf32>
    %add3A_23 = arith.addf %add3A_19, %get3A_22 : vector<1000x128xf32>
    %mul3A = vector.broadcast %rsqrt3A : vector<1000x1xf32> to vector<1000x128xf32>
    %mul3A_24 = arith.mulf %add3A_23, %mul3A : vector<1000x128xf32>
    %get3A_25 = arith.constant 0 : index
    %get3A_26 = arith.constant 0 : index
    %get3A_27 = vector.load %arg4[%get3A_25, %get3A_26] : memref<1x128xf32, #tpu.memory_space<vmem>>, vector<1x128xf32>
    %add3A_28 = vector.broadcast %get3A_27 : vector<1x128xf32> to vector<1000x128xf32>
    %add3A_29 = arith.addf %mul3A_24, %add3A_28 : vector<1000x128xf32>
    %max3A = arith.constant 0.000000e+00 : f32
    %max3A_30 = vector.broadcast %max3A : f32 to vector<1000x128xf32>
    %max3A_31 = arith.maximumf %add3A_29, %max3A_30 : vector<1000x128xf32>
    %get3A_32 = arith.constant 0 : index
    %get3A_33 = arith.constant 0 : index
    %get3A_34 = vector.load %arg5[%get3A_32, %get3A_33] : memref<128x40xf32, #tpu.memory_space<vmem>>, vector<128x40xf32>
    %dot_general3A = arith.constant dense<0.000000e+00> : vector<1000x40xf32>
    %dot_general3A_35 = tpu.matmul %max3A_31, %get3A_34, %dot_general3A {dimension_numbers = #tpu.dot_dimension_numbers<[1], [0], [0], [1], [0, 0, 1, 1], [], []>, transpose_lhs_hint = false} : vector<1000x128xf32>, vector<128x40xf32>, vector<1000x40xf32> -> vector<1000x40xf32>
    %get3A_36 = arith.constant 0 : index
    %get3A_37 = arith.constant 0 : index
    %get3A_38 = vector.load %arg6[%get3A_36, %get3A_37] : memref<1x40xf32, #tpu.memory_space<vmem>>, vector<1x40xf32>
    %add3A_39 = vector.broadcast %get3A_38 : vector<1x40xf32> to vector<1000x40xf32>
    %add3A_40 = arith.addf %dot_general3A_35, %add3A_39 : vector<1000x40xf32>
    %swap3A = arith.constant 0 : index
    %swap3A_41 = arith.constant 0 : index
    %swap3A_42 = vector.load %arg7[%swap3A, %swap3A_41] : memref<1000x40xf32, #tpu.memory_space<vmem>>, vector<1000x40xf32>
    tpu.vector_store %arg7[%swap3A, %swap3A_41], %add3A_40 {strides = array<i32>} : memref<1000x40xf32, #tpu.memory_space<vmem>>, vector<1000x40xf32>,
    return
  }
  func.func @transform_0(%arg0: i32) -> (i32, i32, i32) {
    %c0_i32 = arith.constant 0 : i32
    %c0_i32_0 = arith.constant 0 : i32
    %c0_i32_1 = arith.constant 0 : i32
    return %c0_i32, %arg0, %c0_i32_0 : i32, i32, i32
  }
  func.func @transform_1(%arg0: i32) -> (i32, i32) {
    %c0_i32 = arith.constant 0 : i32
    %c0_i32_0 = arith.constant 0 : i32
    return %arg0, %c0_i32 : i32, i32
  }
  func.func @transform_2(%arg0: i32) -> (i32, i32, i32) {
    %c0_i32 = arith.constant 0 : i32
    %c0_i32_0 = arith.constant 0 : i32
    %c0_i32_1 = arith.constant 0 : i32
    return %c0_i32, %arg0, %c0_i32_0 : i32, i32, i32
  }
  func.func @transform_3(%arg0: i32) -> (i32, i32) {
    %c0_i32 = arith.constant 0 : i32
    %c0_i32_0 = arith.constant 0 : i32
    %c0_i32_1 = arith.constant 0 : i32
    return %c0_i32, %c0_i32_0 : i32, i32
  }
  func.func @transform_4(%arg0: i32) -> (i32, i32) {
    %c0_i32 = arith.constant 0 : i32
    %c0_i32_0 = arith.constant 0 : i32
    %c0_i32_1 = arith.constant 0 : i32
    return %c0_i32, %c0_i32_0 : i32, i32
  }
  func.func @transform_5(%arg0: i32) -> (i32, i32) {
    %c0_i32 = arith.constant 0 : i32
    %c0_i32_0 = arith.constant 0 : i32
    %c0_i32_1 = arith.constant 0 : i32
    return %c0_i32, %c0_i32_0 : i32, i32
  }
  func.func @transform_6(%arg0: i32) -> (i32, i32) {
    %c0_i32 = arith.constant 0 : i32
    %c0_i32_0 = arith.constant 0 : i32
    return %arg0, %c0_i32 : i32, i32
  }
}

module attributes {stable_mosaic.version = 14 : i64} {
  func.func @_mid_body(%arg0: i32, %arg1: memref<2x1000x128xf32, #tpu.memory_space<vmem>>, %arg2: memref<1000x128xf32, #tpu.memory_space<vmem>>, %arg3: memref<2x1000x16xf32, #tpu.memory_space<vmem>>, %arg4: memref<1x128xf32, #tpu.memory_space<vmem>>, %arg5: memref<128x128xf32, #tpu.memory_space<vmem>>, %arg6: memref<1000x128xf32, #tpu.memory_space<vmem>>) attributes {dimension_semantics = [#tpu.dimension_semantics<arbitrary>], iteration_bounds = array<i64: 10>, scalar_prefetch = 0 : i64, scratch_operands = 0 : i64, tpu.core_type = #tpu.core_type<tc>, window_params = [{transform_indices = @transform_0, window_bounds = array<i64: 2, 1000, 128>}, {transform_indices = @transform_1, window_bounds = array<i64: 1000, 128>}, {transform_indices = @transform_2, window_bounds = array<i64: 2, 1000, 16>}, {pipeline_mode = #tpu.pipeline_mode<synchronous>, transform_indices = @transform_3, window_bounds = array<i64: 1, 128>}, {pipeline_mode = #tpu.pipeline_mode<synchronous>, transform_indices = @transform_4, window_bounds = array<i64: 128, 128>}, {transform_indices = @transform_5, window_bounds = array<i64: 1000, 128>}]} {
    %get3A = arith.constant 0 : index
    %get3A_0 = arith.constant 0 : index
    %get3A_1 = arith.constant 0 : index
    %get3A_2 = vector.load %arg3[%get3A, %get3A_0, %get3A_1] : memref<2x1000x16xf32, #tpu.memory_space<vmem>>, vector<1x1000x1xf32>
    %get3A_3 = vector.shape_cast %get3A_2 : vector<1x1000x1xf32> to vector<1000x1xf32>
    %get3A_4 = arith.constant 1 : index
    %get3A_5 = arith.constant 0 : index
    %get3A_6 = arith.constant 0 : index
    %get3A_7 = vector.load %arg3[%get3A_4, %get3A_5, %get3A_6] : memref<2x1000x16xf32, #tpu.memory_space<vmem>>, vector<1x1000x1xf32>
    %get3A_8 = vector.shape_cast %get3A_7 : vector<1x1000x1xf32> to vector<1000x1xf32>
    %add3A = arith.addf %get3A_3, %get3A_8 : vector<1000x1xf32>
    %rsqrt3A = math.rsqrt %add3A : vector<1000x1xf32>
    %get3A_9 = arith.constant 0 : index
    %get3A_10 = arith.constant 0 : index
    %get3A_11 = arith.constant 0 : index
    %get3A_12 = vector.load %arg1[%get3A_9, %get3A_10, %get3A_11] : memref<2x1000x128xf32, #tpu.memory_space<vmem>>, vector<1x1000x128xf32>
    %get3A_13 = vector.shape_cast %get3A_12 : vector<1x1000x128xf32> to vector<1000x128xf32>
    %get3A_14 = arith.constant 1 : index
    %get3A_15 = arith.constant 0 : index
    %get3A_16 = arith.constant 0 : index
    %get3A_17 = vector.load %arg1[%get3A_14, %get3A_15, %get3A_16] : memref<2x1000x128xf32, #tpu.memory_space<vmem>>, vector<1x1000x128xf32>
    %get3A_18 = vector.shape_cast %get3A_17 : vector<1x1000x128xf32> to vector<1000x128xf32>
    %add3A_19 = arith.addf %get3A_13, %get3A_18 : vector<1000x128xf32>
    %get3A_20 = arith.constant 0 : index
    %get3A_21 = arith.constant 0 : index
    %get3A_22 = vector.load %arg2[%get3A_20, %get3A_21] : memref<1000x128xf32, #tpu.memory_space<vmem>>, vector<1000x128xf32>
    %add3A_23 = arith.addf %add3A_19, %get3A_22 : vector<1000x128xf32>
    %mul3A = vector.broadcast %rsqrt3A : vector<1000x1xf32> to vector<1000x128xf32>
    %mul3A_24 = arith.mulf %add3A_23, %mul3A : vector<1000x128xf32>
    %get3A_25 = arith.constant 0 : index
    %get3A_26 = arith.constant 0 : index
    %get3A_27 = vector.load %arg4[%get3A_25, %get3A_26] : memref<1x128xf32, #tpu.memory_space<vmem>>, vector<1x128xf32>
    %add3A_28 = vector.broadcast %get3A_27 : vector<1x128xf32> to vector<1000x128xf32>
    %add3A_29 = arith.addf %mul3A_24, %add3A_28 : vector<1000x128xf32>
    %max3A = arith.constant 0.000000e+00 : f32
    %max3A_30 = vector.broadcast %max3A : f32 to vector<1000x128xf32>
    %max3A_31 = arith.maximumf %add3A_29, %max3A_30 : vector<1000x128xf32>
    %get3A_32 = arith.constant 0 : index
    %get3A_33 = arith.constant 0 : index
    %get3A_34 = vector.load %arg5[%get3A_32, %get3A_33] : memref<128x128xf32, #tpu.memory_space<vmem>>, vector<128x128xf32>
    %dot_general3A = arith.constant dense<0.000000e+00> : vector<1000x128xf32>
    %dot_general3A_35 = tpu.matmul %max3A_31, %get3A_34, %dot_general3A {dimension_numbers = #tpu.dot_dimension_numbers<[1], [0], [0], [1], [0, 0, 1, 1], [], []>, transpose_lhs_hint = false} : vector<1000x128xf32>, vector<128x128xf32>, vector<1000x128xf32> -> vector<1000x128xf32>
    %mul3A_36 = vector.broadcast %rsqrt3A : vector<1000x1xf32> to vector<1000x128xf32>
    %mul3A_37 = arith.mulf %dot_general3A_35, %mul3A_36 : vector<1000x128xf32>
    %swap3A = arith.constant 0 : index
    %swap3A_38 = arith.constant 0 : index
    %swap3A_39 = vector.load %arg6[%swap3A, %swap3A_38] : memref<1000x128xf32, #tpu.memory_space<vmem>>, vector<1000x128xf32>
    tpu.vector_store %arg6[%swap3A, %swap3A_38], %mul3A_37 {strides = array<i32>} : memref<1000x128xf32, #tpu.memory_space<vmem>>, vector<1000x128xf32>,
    return
  }
  func.func @transform_0(%arg0: i32) -> (i32, i32, i32) {
    %c0_i32 = arith.constant 0 : i32
    %c0_i32_0 = arith.constant 0 : i32
    %c0_i32_1 = arith.constant 0 : i32
    return %c0_i32, %arg0, %c0_i32_0 : i32, i32, i32
  }
  func.func @transform_1(%arg0: i32) -> (i32, i32) {
    %c0_i32 = arith.constant 0 : i32
    %c0_i32_0 = arith.constant 0 : i32
    return %arg0, %c0_i32 : i32, i32
  }
  func.func @transform_2(%arg0: i32) -> (i32, i32, i32) {
    %c0_i32 = arith.constant 0 : i32
    %c0_i32_0 = arith.constant 0 : i32
    %c0_i32_1 = arith.constant 0 : i32
    return %c0_i32, %arg0, %c0_i32_0 : i32, i32, i32
  }
  func.func @transform_3(%arg0: i32) -> (i32, i32) {
    %c0_i32 = arith.constant 0 : i32
    %c0_i32_0 = arith.constant 0 : i32
    %c0_i32_1 = arith.constant 0 : i32
    return %c0_i32, %c0_i32_0 : i32, i32
  }
  func.func @transform_4(%arg0: i32) -> (i32, i32) {
    %c0_i32 = arith.constant 0 : i32
    %c0_i32_0 = arith.constant 0 : i32
    %c0_i32_1 = arith.constant 0 : i32
    return %c0_i32, %c0_i32_0 : i32, i32
  }
  func.func @transform_5(%arg0: i32) -> (i32, i32) {
    %c0_i32 = arith.constant 0 : i32
    %c0_i32_0 = arith.constant 0 : i32
    return %arg0, %c0_i32 : i32, i32
  }
}

</mosaic_0001>

<sc_bundles>
// kernel: kernel.11.cloned.1.call-start
scs
__scs_entry_jumppad:
0x0: {  	(pc) =	sbr.rel $0x88, $3  }
0x1: {  	(tag) =	ssettag $0x0;
	lr =	simm.s32 $0x1  }
0x2: {  	[smem:$0x3F99] =	sst lr;
	_ =	strace $0xD0000000  }
0x3: {  	_ = 	snop  }
0x4: {  	_ = 	snop  }
0x5: {  	_ = 	snop  }
0x6: {  	_ = 	snop  }
0x7: {  	_ = 	snop  }
__scs_overlays_trampoline_lowered:
0x8: {  	[smem:$0x3FA8] =	sst s0  }
0x9: {  	[smem:$0x3FA9] =	sst s1  }
0xa: {  	[smem:$0x3FAA] =	sst s2  }
0xb: {  	[smem:$0x3FAB] =	sst s3  }
0xc: {  	[smem:$0x3FAC] =	sst s4  }
0xd: {  	[smem:$0x3FAD] =	sst s5  }
0xe: {  	[smem:$0x3FAE] =	sst s6  }
0xf: {  	[smem:$0x3FAF] =	sst s7  }
0x10: {  	[smem:$0x3FB0] =	sst s8  }
0x11: {  	[smem:$0x3FB1] =	sst s9;
	s0 =	simm.s32 @!p0 $0x0  }
0x12: {  	s1 =	sld [smem:$0x3F97];
	s0 =	simm.s32 @p0 $0x1  }
0x13: {  	[smem:$0x3FB2] =	sst s0;
	s0 =	simm.s32 @!p1 $0x0  }
0x14: {  	s2 =	sld [smem:$0x3F96];
	s0 =	simm.s32 @p1 $0x1  }
0x15: {  	[smem:$0x3FB3] =	sst s0;
	s0 =	simm.s32 @!p2 $0x0  }
0x16: {  	s3 =	sld [smem:$0x3FDB];
	s0 =	simm.s32 @p2 $0x1  }
0x17: {  	s4 =	simm.s32 $0x1BF5;
	[smem:$0x3FB5] =	sst s0  }
0x18: {  	s0 =	sld [smem:$0x3F98];
	_ =	swait.ge [sflag:s4], $0x0  }
0x19: {  	s7 =	sld [smem:$0x3F99]  }
0x1a: {  	s8 =	sadd.s32 $0xFFFFE003, lr  }
0x1b: {  	s9 =	sadd.s32 $0xFFFFFEF7, lr;
	s5 =	simm.s32 $0xFFFFFFFF;
	p2 =	slt.u32 s8, $0xFFFFF086  }
0x1c: {  	p1 =	slt.u32 s9, $0xF7A;
	s5 =	simm.s32 @!p2 $0x0  }
0x1d: {  	s5 =	simm.s32 @p1 $0x1;
	p0 =	seq.s32 s7, s2  }
0x1e: {  	s7 =	smul.u32 @!p0 $0xF7A, s2;
	p2 =	seq.s32 @!p0 s5, $0x0  }
0x1f: {  	s9 =	smul.u32 $0xF7A, s1;
	s8 =	simm.s32 @!p0 $0x1BF5;
	p2 =	por !p2, p0  }
0x20: {  	[sflag:s8] =	ssyncset.s32 @!p0 $0xFFFFF086;
	s6 =	sadd.s32 @!p0 s3, s7;
	s7 =	simm.s32 @!p0 $0x108  }
0x21: {  	s3 =	sadd.s32 s3, s9;
	s6 =	sadd.s32 @!p0 $0x88, s6;
	s7 =	simm.s32 @p2 $0x1082  }
0x22: {  	[simem:s7], [sflag:s8] =	dma.local @!p0 [hbm:s6], $0xF7A  }
0x23: {  	s9 =	sor.u32 $0xD0000000, s2;
	s6 =	simm.s32 $0x108;
	_ =	swait.ge @!p0 [sflag:s8], $0x0  }
0x24: {  	s3 =	sadd.s32 $0x88, s3;
	s6 =	simm.s32 @!p1 $0x1082;
	[sflag:s4] =	ssyncset.s32 $0xFFFFF086  }
0x25: {  	[simem:s6], [sflag:s4] =	dma.local [hbm:s3], $0xF7A  }
0x26: {  	[smem:$0x3F99] =	sst s1;
	(tag) =	ssettag s2;
	_ =	strace s9  }
0x27: {  	s1 =	sld [smem:$0x3FA9]  }
0x28: {  	s2 =	sld [smem:$0x3FAA]  }
0x29: {  	s4 =	sld [smem:$0x3FAC]  }
0x2a: {  	p0 =	seq.s32 s5, $0x0;
	s5 =	sld [smem:$0x3FAD]  }
0x2b: {  	s6 =	sld [smem:$0x3FAE]  }
0x2c: {  	s7 =	sld [smem:$0x3FAF]  }
0x2d: {  	s3 =	simm.s32 $0x108;
	s8 =	sld [smem:$0x3FB0]  }
0x2e: {  	s3 =	simm.s32 @!p0 $0x1082;
	s9 =	sld [smem:$0x3FB1]  }
0x2f: {  	lr =	sadd.s32 s0, s3;
	s0 =	sld [smem:$0x3FA8]  }
0x30: {  	s3 =	sld [smem:$0x3FAB]  }
0x31: {  	[smem:$0x3FB4] =	sst s10  }
0x32: {  	s10 =	sld [smem:$0x3FB2];
	_ =	sdelay $0x3  }
0x33: {  	p0 =	seq.s32 s10, $0x1;
	s10 =	sld [smem:$0x3FB4];
	_ =	sdelay $0x3  }
0x34: {  	[smem:$0x3FB4] =	sst s10  }
0x35: {  	s10 =	sld [smem:$0x3FB3];
	_ =	sdelay $0x3  }
0x36: {  	p1 =	seq.s32 s10, $0x1;
	s10 =	sld [smem:$0x3FB4];
	_ =	sdelay $0x3  }
0x37: {  	[smem:$0x3FB4] =	sst s10  }
0x38: {  	s10 =	sld [smem:$0x3FB5]  }
0x39: {  	_ = 	snop;
	(pc) =	sbr.ind lr, $3  }
0x3a: {  	_ = 	snop  }
0x3b: {  	_ = 	snop  }
0x3c: {  	p2 =	seq.s32 s10, $0x1;
	s10 =	sld [smem:$0x3FB4]  }
0x3d: {  	_ =	shalt  }
0x3e: {  	_ =	shalt  }
0x3f: {  	_ =	shalt  }
0x40: {  	_ =	shalt  }
0x41: {  	_ =	shalt  }
0x42: {  	_ =	shalt  }
0x43: {  	_ =	shalt  }
0x44: {  	_ =	shalt  }
0x45: {  	_ =	shalt  }
0x46: {  	_ =	shalt  }
0x47: {  	_ =	shalt  }
0x48: {  	_ =	shalt  }
0x49: {  	_ =	shalt  }
0x4a: {  	_ =	shalt  }
0x4b: {  	_ =	shalt  }
0x4c: {  	_ =	shalt  }
0x4d: {  	_ =	shalt  }
0x4e: {  	_ =	shalt  }
0x4f: {  	_ =	shalt  }
0x50: {  	_ =	shalt  }
0x51: {  	_ =	shalt  }
0x52: {  	_ =	shalt  }
0x53: {  	_ =	shalt  }
0x54: {  	_ =	shalt  }
0x55: {  	_ =	shalt  }
0x56: {  	_ =	shalt  }
0x57: {  	_ =	shalt  }
0x58: {  	_ =	shalt  }
0x59: {  	_ =	shalt  }
0x5a: {  	_ =	shalt  }
0x5b: {  	_ =	shalt  }
0x5c: {  	_ =	shalt  }
0x5d: {  	_ =	shalt  }
0x5e: {  	_ =	shalt  }
0x5f: {  	_ =	shalt  }
0x60: {  	_ =	shalt  }
0x61: {  	_ =	shalt  }
0x62: {  	_ =	shalt  }
0x63: {  	_ =	shalt  }
0x64: {  	_ =	shalt  }
0x65: {  	_ =	shalt  }
0x66: {  	_ =	shalt  }
0x67: {  	_ =	shalt  }
0x68: {  	_ =	shalt  }
0x69: {  	_ =	shalt  }
0x6a: {  	_ =	shalt  }
0x6b: {  	_ =	shalt  }
0x6c: {  	_ =	shalt  }
0x6d: {  	_ =	shalt  }
0x6e: {  	_ =	shalt  }
0x6f: {  	_ =	shalt  }
0x70: {  	_ =	shalt  }
0x71: {  	_ =	shalt  }
0x72: {  	_ =	shalt  }
0x73: {  	_ =	shalt  }
0x74: {  	_ =	shalt  }
0x75: {  	_ =	shalt  }
0x76: {  	_ =	shalt  }
0x77: {  	_ =	shalt  }
0x78: {  	_ =	shalt  }
0x79: {  	_ =	shalt  }
0x7a: {  	_ =	shalt  }
0x7b: {  	_ =	shalt  }
0x7c: {  	_ =	shalt  }
0x7d: {  	_ =	shalt  }
0x7e: {  	_ =	shalt  }
0x7f: {  	_ =	shalt  }
0x80: {  	_ =	shalt  }
0x81: {  	_ =	shalt  }
0x82: {  	_ =	shalt  }
0x83: {  	_ =	shalt  }
0x84: {  	_ =	shalt  }
0x85: {  	_ =	shalt  }
0x86: {  	_ =	shalt  }
0x87: {  	_ =	shalt  }
.Lfunc_end0:
.L_simem_size_0:
called_computation.1_lowered:
.L_overlay_start_0:
0x88: {  	s2 =	sld [smem:$0x3FD9]  }
0x89: {  	s3 =	sld [smem:$0x3FFE];
	_ =	sdelay $0x1  }
0x8a: {  	s1 =	srdreg.scid  }
0x8b: {  	s0 =	sand.u32 $0x1, s1  }
0x8c: {  	s17 =	sshll.u32 s0, $0xA;
	s2 =	sadd.s32 s3, s2  }
0x8d: {  	s2 =	sadd.s32 s2, s17  }
0x8e: {  	[smem:$0x3FC0] =	sst s2  }
0x8f: {  	_ = 	snop  }
0x90: {  	s2 =	sld [smem:$0x3FD0];
	(tm) =	ssettm $0x1  }
0x91: {  	s18 =	sld [smem:$0x3FFB];
	_ =	sdelay $0x3  }
0x92: {  	_ =	strace s18  }
0x93: {  	s3 =	sld [smem:$0x3FFC];
	_ =	sdelay $0x3  }
0x94: {  	_ =	strace s3  }
0x95: {  	s3 =	sld [smem:$0x3FFD];
	_ =	sdelay $0x3  }
0x96: {  	_ =	strace s3  }
0x97: {  	_ =	strace $0x8FFFFFFF  }
0x98: {  	s19 =	sld [smem:$0x3FDB];
	_ =	sdelay $0x1  }
0x99: {  	s4 =	simm.s32 $_scs_section_size  }
0x9a: {  	s5 =	simm.s32 $_size__tile_overlayer_lowered;
	s6 =	simm.s32 $_tile_overlayer_lowered  }
0x9b: {  	s22 =	simm.s32 $0x1BFF;
	s21 =	sshll.u32 s6, $0x1;
	s3 =	sadd.s32 s4, s19  }
0x9c: {  	s7 =	simm.s32 $0x0;
	s20 =	sshll.u32 s5, $0x1;
	s5 =	sadd.s32 s21, s3  }
0x9d: {  	[timem:s7], [sflag:s22] =	dma.local [hbm:s5], s20  }
0x9e: {  	_ =	swait.ge [sflag:s22], s20  }
0x9f: {  	s4 =	ssub.s32 $0x0, s20;
	[sflag:s22] =	ssyncset.done $0x0  }
0xa0: {  	[sflag:s22] =	ssyncadd.s32 s4;
	_ =	sdelay $0x1  }
0xa1: {  	s23 =	simm.s32 $0x1B8B  }
0xa2: {  	_ =	swait.ge [sflag:s23], $0x1  }
0xa3: {  	[sflag:s23] =	ssyncset.done $0x0  }
0xa4: {  	s25 =	simm.s32 $0x1B8E;
	s24 =	sld [smem:$0x3FFE];
	[sflag:s23] =	ssyncadd.s32 $0xFFFFFFFF  }
0xa5: {  	s26 =	simm.s32 $execute0_lowered;
	[smem:$0x3FD2] =	sst s25  }
0xa6: {  	s5 =	sshll.u32 s26, $0x1;
	_ =	strace $0x80000049;
	[dreg:$0x1] =	wrdreg $0xFFFFFFFF  }
0xa7: {  	s28 =	simm.s32 $_size_execute0_lowered;
	s3 =	sadd.s32 s3, s5;
	[dreg:$0x0] =	wrdreg $0x0  }
0xa8: {  	s5 =	sshll.u32 s28, $0x1;
	[dreg:$0x2] =	wrdreg s3  }
0xa9: {  	[dreg:$0x3] =	wrdreg s5  }
0xaa: {  	[dreg:$0x4] =	wrdreg $0xC0  }
0xab: {  	_ =	task [dreg:s7], $0x5FFFF  }
0xac: {  	[dreg:$0x1] =	wrdreg $0xFFFFFFFF  }
0xad: {  	[dreg:$0x0] =	wrdreg $0x60  }
0xae: {  	[dreg:$0x2] =	wrdreg s24  }
0xaf: {  	[dreg:$0x3] =	wrdreg s2  }
0xb0: {  	[dreg:$0x4] =	wrdreg $0xA8000  }
0xb1: {  	[dreg:$0x5] =	wrdreg $0x9  }
0xb2: {  	_ =	task.clear_ibuf [dreg:s7], $0x6FFFF;
	_ =	strace $0x90000049  }
0xb3: {  	s29 =	simm.s32 $0x9;
	_ =	strace $0x8000004B  }
0xb4: {  	_ =	swait.ge [sflag:s29], $0x1  }
0xb5: {  	[sflag:s29] =	ssyncadd.s32 $0xFFFFFFFF  }
0xb6: {  	_ =	strace $0x9000004B  }
0xb7: {  	_ =	sfence  }
0xb8: {  	s30 =	sld [smem:$0x0];
	_ =	sdelay $0x2  }
0xb9: {  	s31 =	sshll.u32 s1, $0xD;
	s1 =	sshrl.u32 s1, $0x2  }
0xba: {  	s3 =	sand.u32 $0x4000, s31;
	s1 =	sadd.s32 s1, s30  }
0xbb: {  	s0 =	sor.u32 s3, s0;
	s1 =	sshll.u32 s1, $0x11  }
0xbc: {  	s0 =	sor.u32 s1, s0  }
0xbd: {  	s0 =	sadd.s32 $0x8F2B, s0  }
0xbe: {  	[sflag:s0] =	ssyncadd.remote.s32 $0x1  }
0xbf: {  	_ =	sfence.sel $0xFFFF  }
0xc0: {  	[dreg:$0x0] =	wrdreg $0xFFFFFFFF;
	(pc) =	sbr.abs _section_cstart, $3  }
0xc1: {  	[dreg:$0x1] =	wrdreg $0xFFFFFFFF  }
0xc2: {  	_ =	task.clear_ibuf [dreg:s7], $0x2FFFF;
	_ =	strace $0x9FFFFFFF  }
0xc3: {  	(tm) =	ssettm $0x7FFFFFFF  }
tec
execute0_lowered:
.L_overlay_start_1:
0x0: {  	(tag) =	ssettag $0x1  }
0x1: {  	s0 =	rddreg [dreg:$0x0]  }
0x2: {  	s1 =	rddreg [dreg:$0x1]  }
0x3: {  	s2 =	rddreg [dreg:$0x2]  }
0x4: {  	s4 =	simm.s32 $0x0;
	s3 =	srdreg.scid;
	s10 =	stileid.u32  }
0x5: {  	s28 =	simm.s32 $0x80;
	s29 =	simm.s32 $0x2;
	s30 =	simm.s32 $0x1380  }
0x6: {  	s31 =	simm.s32 $0x13C0;
	[smem:$0x7FF] =	sst s4;
	s8 =	smul.u32 $0x50000, s10  }
0x7: {  	s3 =	sand.u32 $0x1, s3;
	s5 =	sadd.s32 $0x5CC00, s0;
	s12 =	smul.u32 $0x14000, s10  }
0x8: {  	s6 =	sadd.s32 $0x52C00, s0;
	s0 =	sadd.s32 $0x83E00, s0;
	s25 =	sshll.u32 s10, $0x1  }
0x9: {  	_ =	strace $0x8000004A;
	s7 =	ssub.s32 $0x2, s3;
	s15 =	sor.u32 s3, s25  }
0xa: {  	s3 =	smul.u32 $0x140000, s3;
	s9 =	sshrl.u32 s7, $0x1;
	s8 =	sshrl.u32 s8, $0x2  }
0xb: {  	s14 =	sadd.s32 $0x4000, s12;
	s16 =	sadd.s32 $0x8000, s12;
	s17 =	sadd.s32 $0xC000, s12  }
0xc: {  	s18 =	sadd.s32 $0x10000, s12;
	s13 =	ssub.s32 s7, s9;
	s7 =	sadd.s32 s8, s2  }
0xd: {  	s26 =	sadd.s32 s14, s2;
	s9 =	sadd.s32 s16, s2;
	s10 =	sadd.s32 s17, s2  }
0xe: {  	s11 =	sadd.s32 s18, s2;
	s19 =	sadd.s32 s12, s3;
	s14 =	sadd.s32 s3, s14  }
0xf: {  	s12 =	smul.u32 $0x2800, s15;
	s21 =	sadd.s32 s3, s16;
	s22 =	sadd.s32 s3, s17  }
0x10: {  	s3 =	sadd.s32 s3, s18;
	[dreg:$0x4] =	wrdreg s26;
	s8 =	sshrl.u32 s19, $0x3  }
0x11: {  	s14 =	sshrl.u32 s14, $0x3;
	s24 =	sshrl.u32 s22, $0x3;
	s3 =	sshrl.u32 s3, $0x3  }
0x12: {  	s26 =	smax.u32 s13, $0x1;
	s22 =	simm.s32 $0x40;
	s13 =	simm.s32 $0x0  }
0x13: {  	s19 =	sadd.s32 s0, s8;
	s20 =	sadd.s32 s0, s14;
	[dreg:$0xa] =	wrdreg s26  }
0x14: {  	s14 =	sshrl.u32 s21, $0x3;
	s25 =	sadd.s32 s0, s24;
	[dreg:$0x5] =	wrdreg s19  }
0x15: {  	s21 =	simm.s32 $0x1400;
	s24 =	simm.s32 $0x6800;
	[dreg:$0x6] =	wrdreg s20  }
0x16: {  	s26 =	simm.s32 $0x1;
	s23 =	sadd.s32 s0, s14;
	[dreg:$0x8] =	wrdreg s25  }
0x17: {  	s0 =	sadd.s32 s0, s3;
	s19 =	simm.s32 $0x2800;
	s20 =	simm.s32 $0x3  }
0x18: {  	s25 =	simm.s32 $0x8800;
	s3 =	simm.s32 $0x2780;
	[dreg:$0x7] =	wrdreg s23  }
0x19: {  	v0 =	vimm.f32 $0.0e+00;
	[dreg:$0x9] =	wrdreg s0;
	s23 =	simm.s32 $0x4800;
	s0 =	simm.s32 $0x2700  }
.LBB2_1:
0x1a: {  	s14 =	simm.s32 $0x0;
	s15 =	simm.s32 $0x200  }
.LBB2_2:
0x1b: {  	p0 =	sne.s32 s15, $0xFE00;
	[tilespmem:s14+$0x2870] =	vst v0  }
0x1c: {  	[tilespmem:s14+$0x2800] =	vst v0  }
0x1d: {  	[tilespmem:s14+$0x2810] =	vst v0  }
.Ltmp0:
0x1e: {  	[tilespmem:s14+$0x2820] =	vst v0;
	(pc) =	sbr.rel @p0 .LBB2_2-.Ltmp0, $4  }
0x1f: {  	[tilespmem:s14+$0x2830] =	vst v0  }
0x20: {  	[tilespmem:s14+$0x2840] =	vst v0  }
0x21: {  	[tilespmem:s14+$0x2850] =	vst v0  }
0x22: {  	[tilespmem:s14+$0x2860] =	vst v0;
	s14 =	sshra.s32 s15, $0x2;
	s15 =	sadd.s32 $0x200, s15  }
0x23: {  	[tilespmem:s14+$0x2870] =	vst v0  }
0x24: {  	[tilespmem:s14+$0x2800] =	vst v0  }
0x25: {  	[tilespmem:s14+$0x2810] =	vst v0  }
0x26: {  	[tilespmem:s14+$0x2820] =	vst v0  }
0x27: {  	[tilespmem:s14+$0x2830] =	vst v0  }
0x28: {  	[tilespmem:s14+$0x2840] =	vst v0  }
0x29: {  	[tilespmem:s14+$0x2850] =	vst v0  }
0x2a: {  	[tilespmem:s14+$0x2860] =	vst v0  }
0x2b: {  	[spmem:s7] =	stream.linear.scatter [tilespmem:s19], [sflag:$0x3], $0x4000, $0x38;
	[tilespmem:$0x1E800] =	vst v63  }
0x2c: {  	_ =	swait.ge [sflag:s20], $0x4000  }
0x2d: {  	[sflag:s20] =	ssyncset.done $0x0  }
0x2e: {  	s18 =	rddreg [dreg:$0x4];
	[sflag:s20] =	ssyncadd.s32 $0xFFFFC000  }
0x2f: {  	[spmem:s18] =	stream.linear.scatter [tilespmem:s19], [sflag:$0x3], $0x4000, $0x38;
	[tilespmem:$0x1E800] =	vst v63  }
0x30: {  	_ =	swait.ge [sflag:s20], $0x4000  }
0x31: {  	[sflag:s20] =	ssyncset.done $0x0  }
0x32: {  	[sflag:s20] =	ssyncadd.s32 $0xFFFFC000  }
0x33: {  	[spmem:s9] =	stream.linear.scatter [tilespmem:s19], [sflag:$0x3], $0x4000, $0x38;
	[tilespmem:$0x1E800] =	vst v63  }
0x34: {  	_ =	swait.ge [sflag:s20], $0x4000  }
0x35: {  	[sflag:s20] =	ssyncset.done $0x0  }
0x36: {  	[sflag:s20] =	ssyncadd.s32 $0xFFFFC000  }
0x37: {  	[spmem:s10] =	stream.linear.scatter [tilespmem:s19], [sflag:$0x3], $0x4000, $0x38;
	[tilespmem:$0x1E800] =	vst v63  }
0x38: {  	_ =	swait.ge [sflag:s20], $0x4000  }
0x39: {  	[sflag:s20] =	ssyncset.done $0x0  }
0x3a: {  	[sflag:s20] =	ssyncadd.s32 $0xFFFFC000  }
0x3b: {  	[spmem:s11] =	stream.linear.scatter [tilespmem:s19], [sflag:$0x3], $0x4000, $0x38;
	[tilespmem:$0x1E800] =	vst v63  }
0x3c: {  	_ =	swait.ge [sflag:s20], $0x4000  }
0x3d: {  	[sflag:s20] =	ssyncset.done $0x0  }
0x3e: {  	s8 =	smov.u32 s7;
	s14 =	simm.s32 $0x0;
	[sflag:s20] =	ssyncadd.s32 $0xFFFFC000  }
0x3f: {  	p1 =	por $0x1, $0x1;
	s15 =	simm.s32 $0x0;
	[bflag:$0x0] =	sbarrier.arrive $0xFFFF  }
.LBB2_4:
0x40: {  	s15 =	sadd.s32 s12, s15  }
0x41: {  	s15 =	sshrl.u32 s15, $0x3  }
0x42: {  	s16 =	sadd.s32 s6, s15  }
0x43: {  	[tilespmem:s14], [sflag:$0x3] =	stream.linear.gather [hbm4b:s16+s14], $0x1400, $0x38;
	[tilespmem:$0x1E800] =	vst v63  }
0x44: {  	_ =	swait.ge [sflag:s20], $0x1400  }
0x45: {  	[sflag:s20] =	ssyncset.done $0x0  }
0x46: {  	s15 =	sadd.s32 s1, s15;
	[sflag:s20] =	ssyncadd.s32 $0xFFFFEC00  }
0x47: {  	[tilespmem:s21], [sflag:$0x3] =	stream.linear.gather [hbm4b:s15+s14], $0x1400, $0x38;
	[tilespmem:$0x1E800] =	vst v63  }
0x48: {  	_ =	swait.ge [sflag:s20], $0x1400  }
0x49: {  	[sflag:s20] =	ssyncset.done $0x0  }
0x4a: {  	[sflag:s20] =	ssyncadd.s32 $0xFFFFEC00  }
0x4b: {  	[tilespmem:s19], [sflag:$0x1] =	stream.indirect.gather [hbm4b:s5+s22], $0x80, s14, s22, $0xb8;
	[tilespmem:$0x1E800] =	vst v63  }
0x4c: {  	_ = 	snop  }
0x4d: {  	[tilespmem:s23], [sflag:$0x1] =	stream.indirect.gather [hbm4b:s5+s22], $0x80, s22, s22, $0xb8;
	[tilespmem:$0x1E800] =	vst v63  }
0x4e: {  	s17 =	simm.s32 $0x80  }
0x4f: {  	[tilespmem:s24], [sflag:$0x2] =	stream.indirect.gather [hbm4b:s5+s22], $0x80, s17, s22, $0xb8;
	[tilespmem:$0x1E800] =	vst v63  }
0x50: {  	s18 =	simm.s32 $0xC0  }
0x51: {  	[tilespmem:s25], [sflag:$0x2] =	stream.indirect.gather [hbm4b:s5+s22], $0x80, s18, s22, $0xb8;
	[tilespmem:$0x1E800] =	vst v63  }
0x52: {  	_ =	swait.ge [sflag:s26], $0x2000  }
0x53: {  	[sflag:s26] =	ssyncset.done $0x0  }
0x54: {  	[sflag:s26] =	ssyncadd.s32 $0xFFFFE000  }
0x55: {  	_ =	swait.ge [sflag:s26], $0x2000  }
0x56: {  	[sflag:s26] =	ssyncset.done $0x0  }
0x57: {  	s7 =	simm.s32 $0x1400;
	[sflag:s26] =	ssyncadd.s32 $0xFFFFE000  }
0x58: {  	[spmem:s2] =	stream.indirect.scatter.add.f32 [tilespmem:s19], [sflag:$0x3], $0x80, s7, s28, $0xb8;
	[tilespmem:$0x1E800] =	vst v63  }
0x59: {  	_ =	swait.ge [sflag:s20], $0x4000  }
0x5a: {  	[sflag:s20] =	ssyncset.done $0x0  }
0x5b: {  	s16 =	simm.s32 $0x100;
	[sflag:s20] =	ssyncadd.s32 $0xFFFFC000  }
0x5c: {  	[tilespmem:s19], [sflag:$0x1] =	stream.indirect.gather [hbm4b:s5+s22], $0x80, s16, s22, $0xb8;
	[tilespmem:$0x1E800] =	vst v63  }
0x5d: {  	s17 =	simm.s32 $0x140  }
0x5e: {  	[tilespmem:s23], [sflag:$0x1] =	stream.indirect.gather [hbm4b:s5+s22], $0x80, s17, s22, $0xb8;
	[tilespmem:$0x1E800] =	vst v63  }
0x5f: {  	_ =	swait.ge [sflag:s29], $0x2000  }
0x60: {  	[sflag:s29] =	ssyncset.done $0x0  }
0x61: {  	[sflag:s29] =	ssyncadd.s32 $0xFFFFE000  }
0x62: {  	_ =	swait.ge [sflag:s29], $0x2000  }
0x63: {  	[sflag:s29] =	ssyncset.done $0x0  }
0x64: {  	s18 =	simm.s32 $0x1480;
	[sflag:s29] =	ssyncadd.s32 $0xFFFFE000  }
0x65: {  	[spmem:s2] =	stream.indirect.scatter.add.f32 [tilespmem:s24], [sflag:$0x3], $0x80, s18, s28, $0xb8;
	[tilespmem:$0x1E800] =	vst v63  }
0x66: {  	p0 =	por p1, p1;
	_ =	swait.ge [sflag:s20], $0x4000  }
0x67: {  	s15 =	simm.s32 $0x100;
	s16 =	simm.s32 $0x800;
	[sflag:s20] =	ssyncset.done $0x0  }
.LBB2_5:
0x68: {  	s17 =	sadd.s32 $0x80, s15  }
0x69: {  	[sflag:s20] =	ssyncadd.s32 $0xFFFFC000;
	s18 =	smov.u32 s16;
	s7 =	sadd.s32 $0x400, s16  }
0x6a: {  	[tilespmem:s24], [sflag:$0x2] =	stream.indirect.gather [hbm4b:s5+s22], $0x80, s17, s22, $0xb8;
	[tilespmem:$0x1E800] =	vst v63  }
0x6b: {  	p1 =	sne.s32 s16, $0x4800;
	s16 =	sadd.s32 $0xC0, s15  }
0x6c: {  	[tilespmem:s25], [sflag:$0x2] =	stream.indirect.gather [hbm4b:s5+s22], $0x80, s16, s22, $0xb8;
	[tilespmem:$0x1E800] =	vst v63  }
0x6d: {  	_ =	swait.ge [sflag:s26], $0x2000  }
0x6e: {  	[sflag:s26] =	ssyncset.done $0x0  }
0x6f: {  	[sflag:s26] =	ssyncadd.s32 $0xFFFFE000  }
0x70: {  	_ =	swait.ge [sflag:s26], $0x2000  }
0x71: {  	[sflag:s26] =	ssyncset.done $0x0  }
0x72: {  	s16 =	sadd.s32 $0x1400, s15;
	[sflag:s26] =	ssyncadd.s32 $0xFFFFE000  }
0x73: {  	[spmem:s2] =	stream.indirect.scatter.add.f32 [tilespmem:s19], [sflag:$0x3], $0x80, s16, s28, $0xb8;
	[tilespmem:$0x1E800] =	vst v63  }
0x74: {  	_ =	swait.ge [sflag:s20], $0x4000  }
0x75: {  	[sflag:s20] =	ssyncset.done $0x0  }
0x76: {  	s16 =	sadd.s32 $0x100, s15;
	[sflag:s20] =	ssyncadd.s32 $0xFFFFC000  }
0x77: {  	[tilespmem:s19], [sflag:$0x1] =	stream.indirect.gather [hbm4b:s5+s22], $0x80, s16, s22, $0xb8;
	[tilespmem:$0x1E800] =	vst v63  }
0x78: {  	s16 =	sadd.s32 $0x140, s15  }
0x79: {  	[tilespmem:s23], [sflag:$0x1] =	stream.indirect.gather [hbm4b:s5+s22], $0x80, s16, s22, $0xb8;
	[tilespmem:$0x1E800] =	vst v63  }
0x7a: {  	_ =	swait.ge [sflag:s29], $0x2000  }
0x7b: {  	[sflag:s29] =	ssyncset.done $0x0  }
0x7c: {  	[sflag:s29] =	ssyncadd.s32 $0xFFFFE000  }
0x7d: {  	_ =	swait.ge [sflag:s29], $0x2000  }
.Ltmp1:
0x7e: {  	[sflag:s29] =	ssyncset.done $0x0;
	(pc) =	sbr.rel @p1 .LBB2_5-.Ltmp1, $4  }
0x7f: {  	s15 =	sadd.s32 $0x1480, s15;
	[sflag:s29] =	ssyncadd.s32 $0xFFFFE000  }
0x80: {  	[spmem:s2] =	stream.indirect.scatter.add.f32 [tilespmem:s24], [sflag:$0x3], $0x80, s15, s28, $0xb8;
	[tilespmem:$0x1E800] =	vst v63  }
0x81: {  	_ =	swait.ge [sflag:s20], $0x4000  }
0x82: {  	s16 =	smov.u32 s7;
	s15 =	sshra.s32 s18, $0x2;
	[sflag:s20] =	ssyncset.done $0x0  }
0x83: {  	s7 =	sadd.s32 $0x80, s15;
	[sflag:s20] =	ssyncadd.s32 $0xFFFFC000  }
0x84: {  	[tilespmem:s24], [sflag:$0x2] =	stream.indirect.gather [hbm4b:s5+s22], $0x80, s7, s22, $0xb8;
	[tilespmem:$0x1E800] =	vst v63  }
0x85: {  	s17 =	sadd.s32 $0xC0, s15  }
0x86: {  	[tilespmem:s25], [sflag:$0x2] =	stream.indirect.gather [hbm4b:s5+s22], $0x80, s17, s22, $0xb8;
	[tilespmem:$0x1E800] =	vst v63  }
0x87: {  	_ =	swait.ge [sflag:s26], $0x2000  }
0x88: {  	[sflag:s26] =	ssyncset.done $0x0  }
0x89: {  	[sflag:s26] =	ssyncadd.s32 $0xFFFFE000  }
0x8a: {  	_ =	swait.ge [sflag:s26], $0x2000  }
0x8b: {  	[sflag:s26] =	ssyncset.done $0x0  }
0x8c: {  	s18 =	sadd.s32 $0x1400, s15;
	[sflag:s26] =	ssyncadd.s32 $0xFFFFE000  }
0x8d: {  	[spmem:s2] =	stream.indirect.scatter.add.f32 [tilespmem:s19], [sflag:$0x3], $0x80, s18, s28, $0xb8;
	[tilespmem:$0x1E800] =	vst v63  }
0x8e: {  	_ =	swait.ge [sflag:s20], $0x4000  }
0x8f: {  	[sflag:s20] =	ssyncset.done $0x0  }
0x90: {  	s16 =	sadd.s32 $0x100, s15;
	[sflag:s20] =	ssyncadd.s32 $0xFFFFC000  }
0x91: {  	[tilespmem:s19], [sflag:$0x1] =	stream.indirect.gather [hbm4b:s5+s22], $0x80, s16, s22, $0xb8;
	[tilespmem:$0x1E800] =	vst v63  }
0x92: {  	s17 =	sadd.s32 $0x140, s15  }
0x93: {  	[tilespmem:s23], [sflag:$0x1] =	stream.indirect.gather [hbm4b:s5+s22], $0x80, s17, s22, $0xb8;
	[tilespmem:$0x1E800] =	vst v63  }
0x94: {  	_ =	swait.ge [sflag:s29], $0x2000  }
0x95: {  	[sflag:s29] =	ssyncset.done $0x0  }
0x96: {  	[sflag:s29] =	ssyncadd.s32 $0xFFFFE000  }
0x97: {  	_ =	swait.ge [sflag:s29], $0x2000  }
0x98: {  	[sflag:s29] =	ssyncset.done $0x0  }
0x99: {  	s18 =	sadd.s32 $0x1480, s15;
	[sflag:s29] =	ssyncadd.s32 $0xFFFFE000  }
0x9a: {  	[spmem:s2] =	stream.indirect.scatter.add.f32 [tilespmem:s24], [sflag:$0x3], $0x80, s18, s28, $0xb8;
	[tilespmem:$0x1E800] =	vst v63  }
0x9b: {  	_ =	swait.ge [sflag:s20], $0x4000  }
0x9c: {  	[sflag:s20] =	ssyncset.done $0x0  }
0x9d: {  	[sflag:s20] =	ssyncadd.s32 $0xFFFFC000  }
0x9e: {  	[tilespmem:s24], [sflag:$0x2] =	stream.indirect.gather [hbm4b:s5+s22], $0x80, s30, s22, $0xb8;
	[tilespmem:$0x1E800] =	vst v63  }
0x9f: {  	_ = 	snop  }
0xa0: {  	[tilespmem:s25], [sflag:$0x2] =	stream.indirect.gather [hbm4b:s5+s22], $0x80, s31, s22, $0xb8;
	[tilespmem:$0x1E800] =	vst v63  }
0xa1: {  	_ =	swait.ge [sflag:s26], $0x2000  }
0xa2: {  	[sflag:s26] =	ssyncset.done $0x0  }
0xa3: {  	[sflag:s26] =	ssyncadd.s32 $0xFFFFE000  }
0xa4: {  	_ =	swait.ge [sflag:s26], $0x2000  }
0xa5: {  	[sflag:s26] =	ssyncset.done $0x0  }
0xa6: {  	[sflag:s26] =	ssyncadd.s32 $0xFFFFE000  }
0xa7: {  	[spmem:s2] =	stream.indirect.scatter.add.f32 [tilespmem:s19], [sflag:$0x3], $0x80, s0, s28, $0xb8;
	[tilespmem:$0x1E800] =	vst v63  }
0xa8: {  	_ =	swait.ge [sflag:s20], $0x4000  }
0xa9: {  	[sflag:s20] =	ssyncset.done $0x0  }
0xaa: {  	[sflag:s20] =	ssyncadd.s32 $0xFFFFC000  }
0xab: {  	_ =	swait.ge [sflag:s29], $0x2000  }
0xac: {  	[sflag:s29] =	ssyncset.done $0x0  }
0xad: {  	[sflag:s29] =	ssyncadd.s32 $0xFFFFE000  }
0xae: {  	_ =	swait.ge [sflag:s29], $0x2000  }
0xaf: {  	[sflag:s29] =	ssyncset.done $0x0  }
.Ltmp2:
0xb0: {  	[sflag:s29] =	ssyncadd.s32 $0xFFFFE000;
	(pc) =	sbr.rel @p0 .LBB2_4-.Ltmp2, $4  }
0xb1: {  	[spmem:s2] =	stream.indirect.scatter.add.f32 [tilespmem:s24], [sflag:$0x3], $0x80, s3, s28, $0xb8;
	[tilespmem:$0x1E800] =	vst v63  }
0xb2: {  	_ =	swait.ge [sflag:s20], $0x4000  }
0xb3: {  	[sflag:s20] =	ssyncset.done $0x0  }
0xb4: {  	p1 =	por $0x0, $0x0;
	s15 =	simm.s32 $0x1400;
	[sflag:s20] =	ssyncadd.s32 $0xFFFFC000  }
0xb5: {  	[bflag:$0x0] =	sbarrier.arrive $0xFFFF  }
0xb6: {  	[tilespmem:s19], [sflag:$0x3] =	stream.linear.gather [spmem:s8], $0x4000, $0x38;
	[tilespmem:$0x1E800] =	vst v63  }
0xb7: {  	_ =	swait.ge [sflag:s20], $0x4000  }
0xb8: {  	[sflag:s20] =	ssyncset.done $0x0  }
0xb9: {  	s17 =	rddreg [dreg:$0x5];
	[sflag:s20] =	ssyncadd.s32 $0xFFFFC000  }
0xba: {  	[hbm4b:s17+s4] =	stream.linear.scatter [tilespmem:s19], [sflag:$0x3], $0x4000, $0x38;
	[tilespmem:$0x1E800] =	vst v63  }
0xbb: {  	_ =	swait.ge [sflag:s20], $0x4000  }
0xbc: {  	[sflag:s20] =	ssyncset.done $0x0  }
0xbd: {  	s18 =	rddreg [dreg:$0x4];
	[sflag:s20] =	ssyncadd.s32 $0xFFFFC000  }
0xbe: {  	[tilespmem:s19], [sflag:$0x3] =	stream.linear.gather [spmem:s18], $0x4000, $0x38;
	[tilespmem:$0x1E800] =	vst v63  }
0xbf: {  	_ =	swait.ge [sflag:s20], $0x4000  }
0xc0: {  	[sflag:s20] =	ssyncset.done $0x0  }
0xc1: {  	s14 =	rddreg [dreg:$0x6];
	[sflag:s20] =	ssyncadd.s32 $0xFFFFC000  }
0xc2: {  	[hbm4b:s14+s4] =	stream.linear.scatter [tilespmem:s19], [sflag:$0x3], $0x4000, $0x38;
	[tilespmem:$0x1E800] =	vst v63  }
0xc3: {  	_ =	swait.ge [sflag:s20], $0x4000  }
0xc4: {  	[sflag:s20] =	ssyncset.done $0x0  }
0xc5: {  	[sflag:s20] =	ssyncadd.s32 $0xFFFFC000  }
0xc6: {  	[tilespmem:s19], [sflag:$0x3] =	stream.linear.gather [spmem:s9], $0x4000, $0x38;
	[tilespmem:$0x1E800] =	vst v63  }
0xc7: {  	_ =	swait.ge [sflag:s20], $0x4000  }
0xc8: {  	[sflag:s20] =	ssyncset.done $0x0  }
0xc9: {  	s15 =	rddreg [dreg:$0x7];
	[sflag:s20] =	ssyncadd.s32 $0xFFFFC000  }
0xca: {  	[hbm4b:s15+s4] =	stream.linear.scatter [tilespmem:s19], [sflag:$0x3], $0x4000, $0x38;
	[tilespmem:$0x1E800] =	vst v63  }
0xcb: {  	_ =	swait.ge [sflag:s20], $0x4000  }
0xcc: {  	[sflag:s20] =	ssyncset.done $0x0  }
0xcd: {  	[sflag:s20] =	ssyncadd.s32 $0xFFFFC000  }
0xce: {  	[tilespmem:s19], [sflag:$0x3] =	stream.linear.gather [spmem:s10], $0x4000, $0x38;
	[tilespmem:$0x1E800] =	vst v63  }
0xcf: {  	_ =	swait.ge [sflag:s20], $0x4000  }
0xd0: {  	[sflag:s20] =	ssyncset.done $0x0  }
0xd1: {  	s16 =	rddreg [dreg:$0x8];
	[sflag:s20] =	ssyncadd.s32 $0xFFFFC000  }
0xd2: {  	[hbm4b:s16+s4] =	stream.linear.scatter [tilespmem:s19], [sflag:$0x3], $0x4000, $0x38;
	[tilespmem:$0x1E800] =	vst v63  }
0xd3: {  	_ =	swait.ge [sflag:s20], $0x4000  }
0xd4: {  	[sflag:s20] =	ssyncset.done $0x0  }
0xd5: {  	[sflag:s20] =	ssyncadd.s32 $0xFFFFC000  }
0xd6: {  	[tilespmem:s19], [sflag:$0x3] =	stream.linear.gather [spmem:s11], $0x4000, $0x38;
	[tilespmem:$0x1E800] =	vst v63  }
0xd7: {  	_ =	swait.ge [sflag:s20], $0x4000  }
0xd8: {  	[sflag:s20] =	ssyncset.done $0x0  }
0xd9: {  	s17 =	rddreg [dreg:$0x9];
	[sflag:s20] =	ssyncadd.s32 $0xFFFFC000  }
0xda: {  	[hbm4b:s17+s4] =	stream.linear.scatter [tilespmem:s19], [sflag:$0x3], $0x4000, $0x38;
	[tilespmem:$0x1E800] =	vst v63  }
0xdb: {  	_ =	swait.ge [sflag:s20], $0x4000  }
0xdc: {  	s13 =	sadd.s32 $0x1, s13;
	s18 =	rddreg [dreg:$0xa]  }
0xdd: {  	p0 =	sne.s32 s13, s18  }
.Ltmp3:
0xde: {  	_ = 	snop;
	(pc) =	sbr.rel @p0 .LBB2_1-.Ltmp3, $3  }
0xdf: {  	_ =	sdelay $0x1  }
0xe0: {  	[sflag:s20] =	ssyncset.done $0x0  }
0xe1: {  	s7 =	smov.u32 s8;
	[sflag:s20] =	ssyncadd.s32 $0xFFFFC000  }
0xe2: {  	_ =	sfence.sel $0x180000  }
0xe3: {  	[bflag:$0x0] =	sbarrier.arrive $0xFFFF  }
0xe4: {  	_ =	strace $0x9000004A  }
0xe5: {  	s0 =	stileid.u32;
	[bflag:$0x2] =	sbarrier.arrive $0xFFFF  }
0xe6: {  	p0 =	sne.s32 s0, $0x0;
	s0 =	rddreg [dreg:$0x3]  }
0xe7: {  	s0 =	sadd.s32 @!p0 $0x100000, s0  }
0xe8: {  	[sflag:s0] =	ssyncadd.tile.s32 @!p0 $0x1;
	_ =	shalt  }
.Lfunc_end2:
_tile_overlayer_lowered:
.L_overlay_start_2:
0xe9: {  	(tag) =	ssettag $0x2  }
0xea: {  	s0 =	rddreg [dreg:$0x0];
	s2 =	stileid.u32  }
0xeb: {  	s1 =	rddreg [dreg:$0x1];
	p0 =	sne.s32 s2, $0x0  }
0xec: {  	s3 =	rddreg [dreg:$0x2];
	[bflag:$0x3] =	sbarrier.arrive $0xFFFF;
	s2 =	simm.s32 @!p0 $0x1C03  }
0xed: {  	[timem:s3], [sflag:s2] =	dma.local @!p0 [hbm:s0], s1  }
0xee: {  	s0 =	simm.s32 @!p0 $0x3  }
0xef: {  	_ =	swait.ge @!p0 [sflag:s0], s1  }
0xf0: {  	s1 =	ssub.s32 @!p0 $0x0, s1;
	[sflag:s0] =	ssyncset.done @!p0 $0x0  }
0xf1: {  	[sflag:s0] =	ssyncadd.s32 @!p0 s1  }
0xf2: {  	[bflag:$0x3] =	sbarrier.arrive $0xFFFF  }
0xf3: {  	_ =	shalt  }

// kernel: kernel.14.cloned.1.call-start
scs
__scs_entry_jumppad:
0x0: {  	(pc) =	sbr.rel $0x88, $3  }
0x1: {  	(tag) =	ssettag $0x0;
	lr =	simm.s32 $0x1  }
0x2: {  	[smem:$0x3F99] =	sst lr;
	_ =	strace $0xD0000000  }
0x3: {  	_ = 	snop  }
0x4: {  	_ = 	snop  }
0x5: {  	_ = 	snop  }
0x6: {  	_ = 	snop  }
0x7: {  	_ = 	snop  }
__scs_overlays_trampoline_lowered:
0x8: {  	[smem:$0x3FA8] =	sst s0  }
0x9: {  	[smem:$0x3FA9] =	sst s1  }
0xa: {  	[smem:$0x3FAA] =	sst s2  }
0xb: {  	[smem:$0x3FAB] =	sst s3  }
0xc: {  	[smem:$0x3FAC] =	sst s4  }
0xd: {  	[smem:$0x3FAD] =	sst s5  }
0xe: {  	[smem:$0x3FAE] =	sst s6  }
0xf: {  	[smem:$0x3FAF] =	sst s7  }
0x10: {  	[smem:$0x3FB0] =	sst s8  }
0x11: {  	[smem:$0x3FB1] =	sst s9;
	s0 =	simm.s32 @!p0 $0x0  }
0x12: {  	s1 =	sld [smem:$0x3F97];
	s0 =	simm.s32 @p0 $0x1  }
0x13: {  	[smem:$0x3FB2] =	sst s0;
	s0 =	simm.s32 @!p1 $0x0  }
0x14: {  	s2 =	sld [smem:$0x3F96];
	s0 =	simm.s32 @p1 $0x1  }
0x15: {  	[smem:$0x3FB3] =	sst s0;
	s0 =	simm.s32 @!p2 $0x0  }
0x16: {  	s3 =	sld [smem:$0x3FDB];
	s0 =	simm.s32 @p2 $0x1  }
0x17: {  	s4 =	simm.s32 $0x1BF5;
	[smem:$0x3FB5] =	sst s0  }
0x18: {  	s0 =	sld [smem:$0x3F98];
	_ =	swait.ge [sflag:s4], $0x0  }
0x19: {  	s7 =	sld [smem:$0x3F99]  }
0x1a: {  	s8 =	sadd.s32 $0xFFFFE003, lr  }
0x1b: {  	s9 =	sadd.s32 $0xFFFFFEF7, lr;
	s5 =	simm.s32 $0xFFFFFFFF;
	p2 =	slt.u32 s8, $0xFFFFF086  }
0x1c: {  	p1 =	slt.u32 s9, $0xF7A;
	s5 =	simm.s32 @!p2 $0x0  }
0x1d: {  	s5 =	simm.s32 @p1 $0x1;
	p0 =	seq.s32 s7, s2  }
0x1e: {  	s7 =	smul.u32 @!p0 $0xF7A, s2;
	p2 =	seq.s32 @!p0 s5, $0x0  }
0x1f: {  	s9 =	smul.u32 $0xF7A, s1;
	s8 =	simm.s32 @!p0 $0x1BF5;
	p2 =	por !p2, p0  }
0x20: {  	[sflag:s8] =	ssyncset.s32 @!p0 $0xFFFFF086;
	s6 =	sadd.s32 @!p0 s3, s7;
	s7 =	simm.s32 @!p0 $0x108  }
0x21: {  	s3 =	sadd.s32 s3, s9;
	s6 =	sadd.s32 @!p0 $0x88, s6;
	s7 =	simm.s32 @p2 $0x1082  }
0x22: {  	[simem:s7], [sflag:s8] =	dma.local @!p0 [hbm:s6], $0xF7A  }
0x23: {  	s9 =	sor.u32 $0xD0000000, s2;
	s6 =	simm.s32 $0x108;
	_ =	swait.ge @!p0 [sflag:s8], $0x0  }
0x24: {  	s3 =	sadd.s32 $0x88, s3;
	s6 =	simm.s32 @!p1 $0x1082;
	[sflag:s4] =	ssyncset.s32 $0xFFFFF086  }
0x25: {  	[simem:s6], [sflag:s4] =	dma.local [hbm:s3], $0xF7A  }
0x26: {  	[smem:$0x3F99] =	sst s1;
	(tag) =	ssettag s2;
	_ =	strace s9  }
0x27: {  	s1 =	sld [smem:$0x3FA9]  }
0x28: {  	s2 =	sld [smem:$0x3FAA]  }
0x29: {  	s4 =	sld [smem:$0x3FAC]  }
0x2a: {  	p0 =	seq.s32 s5, $0x0;
	s5 =	sld [smem:$0x3FAD]  }
0x2b: {  	s6 =	sld [smem:$0x3FAE]  }
0x2c: {  	s7 =	sld [smem:$0x3FAF]  }
0x2d: {  	s3 =	simm.s32 $0x108;
	s8 =	sld [smem:$0x3FB0]  }
0x2e: {  	s3 =	simm.s32 @!p0 $0x1082;
	s9 =	sld [smem:$0x3FB1]  }
0x2f: {  	lr =	sadd.s32 s0, s3;
	s0 =	sld [smem:$0x3FA8]  }
0x30: {  	s3 =	sld [smem:$0x3FAB]  }
0x31: {  	[smem:$0x3FB4] =	sst s10  }
0x32: {  	s10 =	sld [smem:$0x3FB2];
	_ =	sdelay $0x3  }
0x33: {  	p0 =	seq.s32 s10, $0x1;
	s10 =	sld [smem:$0x3FB4];
	_ =	sdelay $0x3  }
0x34: {  	[smem:$0x3FB4] =	sst s10  }
0x35: {  	s10 =	sld [smem:$0x3FB3];
	_ =	sdelay $0x3  }
0x36: {  	p1 =	seq.s32 s10, $0x1;
	s10 =	sld [smem:$0x3FB4];
	_ =	sdelay $0x3  }
0x37: {  	[smem:$0x3FB4] =	sst s10  }
0x38: {  	s10 =	sld [smem:$0x3FB5]  }
0x39: {  	_ = 	snop;
	(pc) =	sbr.ind lr, $3  }
0x3a: {  	_ = 	snop  }
0x3b: {  	_ = 	snop  }
0x3c: {  	p2 =	seq.s32 s10, $0x1;
	s10 =	sld [smem:$0x3FB4]  }
0x3d: {  	_ =	shalt  }
0x3e: {  	_ =	shalt  }
0x3f: {  	_ =	shalt  }
0x40: {  	_ =	shalt  }
0x41: {  	_ =	shalt  }
0x42: {  	_ =	shalt  }
0x43: {  	_ =	shalt  }
0x44: {  	_ =	shalt  }
0x45: {  	_ =	shalt  }
0x46: {  	_ =	shalt  }
0x47: {  	_ =	shalt  }
0x48: {  	_ =	shalt  }
0x49: {  	_ =	shalt  }
0x4a: {  	_ =	shalt  }
0x4b: {  	_ =	shalt  }
0x4c: {  	_ =	shalt  }
0x4d: {  	_ =	shalt  }
0x4e: {  	_ =	shalt  }
0x4f: {  	_ =	shalt  }
0x50: {  	_ =	shalt  }
0x51: {  	_ =	shalt  }
0x52: {  	_ =	shalt  }
0x53: {  	_ =	shalt  }
0x54: {  	_ =	shalt  }
0x55: {  	_ =	shalt  }
0x56: {  	_ =	shalt  }
0x57: {  	_ =	shalt  }
0x58: {  	_ =	shalt  }
0x59: {  	_ =	shalt  }
0x5a: {  	_ =	shalt  }
0x5b: {  	_ =	shalt  }
0x5c: {  	_ =	shalt  }
0x5d: {  	_ =	shalt  }
0x5e: {  	_ =	shalt  }
0x5f: {  	_ =	shalt  }
0x60: {  	_ =	shalt  }
0x61: {  	_ =	shalt  }
0x62: {  	_ =	shalt  }
0x63: {  	_ =	shalt  }
0x64: {  	_ =	shalt  }
0x65: {  	_ =	shalt  }
0x66: {  	_ =	shalt  }
0x67: {  	_ =	shalt  }
0x68: {  	_ =	shalt  }
0x69: {  	_ =	shalt  }
0x6a: {  	_ =	shalt  }
0x6b: {  	_ =	shalt  }
0x6c: {  	_ =	shalt  }
0x6d: {  	_ =	shalt  }
0x6e: {  	_ =	shalt  }
0x6f: {  	_ =	shalt  }
0x70: {  	_ =	shalt  }
0x71: {  	_ =	shalt  }
0x72: {  	_ =	shalt  }
0x73: {  	_ =	shalt  }
0x74: {  	_ =	shalt  }
0x75: {  	_ =	shalt  }
0x76: {  	_ =	shalt  }
0x77: {  	_ =	shalt  }
0x78: {  	_ =	shalt  }
0x79: {  	_ =	shalt  }
0x7a: {  	_ =	shalt  }
0x7b: {  	_ =	shalt  }
0x7c: {  	_ =	shalt  }
0x7d: {  	_ =	shalt  }
0x7e: {  	_ =	shalt  }
0x7f: {  	_ =	shalt  }
0x80: {  	_ =	shalt  }
0x81: {  	_ =	shalt  }
0x82: {  	_ =	shalt  }
0x83: {  	_ =	shalt  }
0x84: {  	_ =	shalt  }
0x85: {  	_ =	shalt  }
0x86: {  	_ =	shalt  }
0x87: {  	_ =	shalt  }
.Lfunc_end0:
.L_simem_size_0:
called_computation.2_lowered:
.L_overlay_start_0:
0x88: {  	s2 =	sld [smem:$0x3FD9]  }
0x89: {  	s3 =	sld [smem:$0x3FFE];
	_ =	sdelay $0x1  }
0x8a: {  	s1 =	srdreg.scid  }
0x8b: {  	s0 =	sand.u32 $0x1, s1  }
0x8c: {  	s17 =	sshll.u32 s0, $0xA;
	s2 =	sadd.s32 s3, s2  }
0x8d: {  	s2 =	sadd.s32 s2, s17  }
0x8e: {  	[smem:$0x3FC0] =	sst s2  }
0x8f: {  	_ = 	snop  }
0x90: {  	s2 =	sld [smem:$0x3FD0];
	(tm) =	ssettm $0x1  }
0x91: {  	s18 =	sld [smem:$0x3FFB];
	_ =	sdelay $0x3  }
0x92: {  	_ =	strace s18  }
0x93: {  	s3 =	sld [smem:$0x3FFC];
	_ =	sdelay $0x3  }
0x94: {  	_ =	strace s3  }
0x95: {  	s3 =	sld [smem:$0x3FFD];
	_ =	sdelay $0x3  }
0x96: {  	_ =	strace s3  }
0x97: {  	_ =	strace $0x8FFFFFFF  }
0x98: {  	s19 =	sld [smem:$0x3FDB];
	_ =	sdelay $0x1  }
0x99: {  	s4 =	simm.s32 $_scs_section_size  }
0x9a: {  	s5 =	simm.s32 $_size__tile_overlayer_lowered;
	s6 =	simm.s32 $_tile_overlayer_lowered  }
0x9b: {  	s22 =	simm.s32 $0x1BFF;
	s21 =	sshll.u32 s6, $0x1;
	s3 =	sadd.s32 s4, s19  }
0x9c: {  	s7 =	simm.s32 $0x0;
	s20 =	sshll.u32 s5, $0x1;
	s5 =	sadd.s32 s21, s3  }
0x9d: {  	[timem:s7], [sflag:s22] =	dma.local [hbm:s5], s20  }
0x9e: {  	_ =	swait.ge [sflag:s22], s20  }
0x9f: {  	s4 =	ssub.s32 $0x0, s20;
	[sflag:s22] =	ssyncset.done $0x0  }
0xa0: {  	[sflag:s22] =	ssyncadd.s32 s4;
	_ =	sdelay $0x1  }
0xa1: {  	s23 =	simm.s32 $0x1B8B  }
0xa2: {  	_ =	swait.ge [sflag:s23], $0x1  }
0xa3: {  	[sflag:s23] =	ssyncset.done $0x0  }
0xa4: {  	s25 =	simm.s32 $0x1B8E;
	s24 =	sld [smem:$0x3FFE];
	[sflag:s23] =	ssyncadd.s32 $0xFFFFFFFF  }
0xa5: {  	s26 =	simm.s32 $execute0_lowered;
	[smem:$0x3FD2] =	sst s25  }
0xa6: {  	s5 =	sshll.u32 s26, $0x1;
	_ =	strace $0x8000004C;
	[dreg:$0x1] =	wrdreg $0xFFFFFFFF  }
0xa7: {  	s28 =	simm.s32 $_size_execute0_lowered;
	s3 =	sadd.s32 s3, s5;
	[dreg:$0x0] =	wrdreg $0x0  }
0xa8: {  	s5 =	sshll.u32 s28, $0x1;
	[dreg:$0x2] =	wrdreg s3  }
0xa9: {  	[dreg:$0x3] =	wrdreg s5  }
0xaa: {  	[dreg:$0x4] =	wrdreg $0xC0  }
0xab: {  	_ =	task [dreg:s7], $0x5FFFF  }
0xac: {  	[dreg:$0x1] =	wrdreg $0xFFFFFFFF  }
0xad: {  	[dreg:$0x0] =	wrdreg $0x60  }
0xae: {  	[dreg:$0x2] =	wrdreg s24  }
0xaf: {  	[dreg:$0x3] =	wrdreg s2  }
0xb0: {  	[dreg:$0x4] =	wrdreg $0xA8000  }
0xb1: {  	[dreg:$0x5] =	wrdreg $0x9  }
0xb2: {  	_ =	task.clear_ibuf [dreg:s7], $0x6FFFF;
	_ =	strace $0x9000004C  }
0xb3: {  	s29 =	simm.s32 $0x9;
	_ =	strace $0x8000004E  }
0xb4: {  	_ =	swait.ge [sflag:s29], $0x1  }
0xb5: {  	[sflag:s29] =	ssyncadd.s32 $0xFFFFFFFF  }
0xb6: {  	_ =	strace $0x9000004E  }
0xb7: {  	_ =	sfence  }
0xb8: {  	s30 =	sld [smem:$0x0];
	_ =	sdelay $0x2  }
0xb9: {  	s31 =	sshll.u32 s1, $0xD;
	s1 =	sshrl.u32 s1, $0x2  }
0xba: {  	s3 =	sand.u32 $0x4000, s31;
	s1 =	sadd.s32 s1, s30  }
0xbb: {  	s0 =	sor.u32 s3, s0;
	s1 =	sshll.u32 s1, $0x11  }
0xbc: {  	s0 =	sor.u32 s1, s0  }
0xbd: {  	s0 =	sadd.s32 $0x8F2B, s0  }
0xbe: {  	[sflag:s0] =	ssyncadd.remote.s32 $0x1  }
0xbf: {  	_ =	sfence.sel $0xFFFF  }
0xc0: {  	[dreg:$0x0] =	wrdreg $0xFFFFFFFF;
	(pc) =	sbr.abs _section_cstart, $3  }
0xc1: {  	[dreg:$0x1] =	wrdreg $0xFFFFFFFF  }
0xc2: {  	_ =	task.clear_ibuf [dreg:s7], $0x2FFFF;
	_ =	strace $0x9FFFFFFF  }
0xc3: {  	(tm) =	ssettm $0x7FFFFFFF  }
tec
execute0_lowered:
.L_overlay_start_1:
0x0: {  	(tag) =	ssettag $0x1  }
0x1: {  	s0 =	rddreg [dreg:$0x0]  }
0x2: {  	s1 =	rddreg [dreg:$0x1]  }
0x3: {  	s2 =	rddreg [dreg:$0x2]  }
0x4: {  	s4 =	simm.s32 $0x0;
	s3 =	srdreg.scid;
	s10 =	stileid.u32  }
0x5: {  	s28 =	simm.s32 $0x80;
	s29 =	simm.s32 $0x2;
	s30 =	simm.s32 $0x1380  }
0x6: {  	s31 =	simm.s32 $0x13C0;
	[smem:$0x7FF] =	sst s4;
	s8 =	smul.u32 $0x50000, s10  }
0x7: {  	s3 =	sand.u32 $0x1, s3;
	s5 =	sadd.s32 $0x5CC00, s0;
	s12 =	smul.u32 $0x14000, s10  }
0x8: {  	s6 =	sadd.s32 $0x52C00, s0;
	s0 =	sadd.s32 $0x83E00, s0;
	s25 =	sshll.u32 s10, $0x1  }
0x9: {  	_ =	strace $0x8000004D;
	s7 =	ssub.s32 $0x2, s3;
	s15 =	sor.u32 s3, s25  }
0xa: {  	s3 =	smul.u32 $0x140000, s3;
	s9 =	sshrl.u32 s7, $0x1;
	s8 =	sshrl.u32 s8, $0x2  }
0xb: {  	s14 =	sadd.s32 $0x4000, s12;
	s16 =	sadd.s32 $0x8000, s12;
	s17 =	sadd.s32 $0xC000, s12  }
0xc: {  	s18 =	sadd.s32 $0x10000, s12;
	s13 =	ssub.s32 s7, s9;
	s7 =	sadd.s32 s8, s2  }
0xd: {  	s26 =	sadd.s32 s14, s2;
	s9 =	sadd.s32 s16, s2;
	s10 =	sadd.s32 s17, s2  }
0xe: {  	s11 =	sadd.s32 s18, s2;
	s19 =	sadd.s32 s12, s3;
	s14 =	sadd.s32 s3, s14  }
0xf: {  	s12 =	smul.u32 $0x2800, s15;
	s21 =	sadd.s32 s3, s16;
	s22 =	sadd.s32 s3, s17  }
0x10: {  	s3 =	sadd.s32 s3, s18;
	[dreg:$0x4] =	wrdreg s26;
	s8 =	sshrl.u32 s19, $0x3  }
0x11: {  	s14 =	sshrl.u32 s14, $0x3;
	s24 =	sshrl.u32 s22, $0x3;
	s3 =	sshrl.u32 s3, $0x3  }
0x12: {  	s26 =	smax.u32 s13, $0x1;
	s22 =	simm.s32 $0x40;
	s13 =	simm.s32 $0x0  }
0x13: {  	s19 =	sadd.s32 s0, s8;
	s20 =	sadd.s32 s0, s14;
	[dreg:$0xa] =	wrdreg s26  }
0x14: {  	s14 =	sshrl.u32 s21, $0x3;
	s25 =	sadd.s32 s0, s24;
	[dreg:$0x5] =	wrdreg s19  }
0x15: {  	s21 =	simm.s32 $0x1400;
	s24 =	simm.s32 $0x6800;
	[dreg:$0x6] =	wrdreg s20  }
0x16: {  	s26 =	simm.s32 $0x1;
	s23 =	sadd.s32 s0, s14;
	[dreg:$0x8] =	wrdreg s25  }
0x17: {  	s0 =	sadd.s32 s0, s3;
	s19 =	simm.s32 $0x2800;
	s20 =	simm.s32 $0x3  }
0x18: {  	s25 =	simm.s32 $0x8800;
	s3 =	simm.s32 $0x2780;
	[dreg:$0x7] =	wrdreg s23  }
0x19: {  	v0 =	vimm.f32 $0.0e+00;
	[dreg:$0x9] =	wrdreg s0;
	s23 =	simm.s32 $0x4800;
	s0 =	simm.s32 $0x2700  }
.LBB2_1:
0x1a: {  	s14 =	simm.s32 $0x0;
	s15 =	simm.s32 $0x200  }
.LBB2_2:
0x1b: {  	p0 =	sne.s32 s15, $0xFE00;
	[tilespmem:s14+$0x2870] =	vst v0  }
0x1c: {  	[tilespmem:s14+$0x2800] =	vst v0  }
0x1d: {  	[tilespmem:s14+$0x2810] =	vst v0  }
.Ltmp0:
0x1e: {  	[tilespmem:s14+$0x2820] =	vst v0;
	(pc) =	sbr.rel @p0 .LBB2_2-.Ltmp0, $4  }
0x1f: {  	[tilespmem:s14+$0x2830] =	vst v0  }
0x20: {  	[tilespmem:s14+$0x2840] =	vst v0  }
0x21: {  	[tilespmem:s14+$0x2850] =	vst v0  }
0x22: {  	[tilespmem:s14+$0x2860] =	vst v0;
	s14 =	sshra.s32 s15, $0x2;
	s15 =	sadd.s32 $0x200, s15  }
0x23: {  	[tilespmem:s14+$0x2870] =	vst v0  }
0x24: {  	[tilespmem:s14+$0x2800] =	vst v0  }
0x25: {  	[tilespmem:s14+$0x2810] =	vst v0  }
0x26: {  	[tilespmem:s14+$0x2820] =	vst v0  }
0x27: {  	[tilespmem:s14+$0x2830] =	vst v0  }
0x28: {  	[tilespmem:s14+$0x2840] =	vst v0  }
0x29: {  	[tilespmem:s14+$0x2850] =	vst v0  }
0x2a: {  	[tilespmem:s14+$0x2860] =	vst v0  }
0x2b: {  	[spmem:s7] =	stream.linear.scatter [tilespmem:s19], [sflag:$0x3], $0x4000, $0x38;
	[tilespmem:$0x1E800] =	vst v63  }
0x2c: {  	_ =	swait.ge [sflag:s20], $0x4000  }
0x2d: {  	[sflag:s20] =	ssyncset.done $0x0  }
0x2e: {  	s18 =	rddreg [dreg:$0x4];
	[sflag:s20] =	ssyncadd.s32 $0xFFFFC000  }
0x2f: {  	[spmem:s18] =	stream.linear.scatter [tilespmem:s19], [sflag:$0x3], $0x4000, $0x38;
	[tilespmem:$0x1E800] =	vst v63  }
0x30: {  	_ =	swait.ge [sflag:s20], $0x4000  }
0x31: {  	[sflag:s20] =	ssyncset.done $0x0  }
0x32: {  	[sflag:s20] =	ssyncadd.s32 $0xFFFFC000  }
0x33: {  	[spmem:s9] =	stream.linear.scatter [tilespmem:s19], [sflag:$0x3], $0x4000, $0x38;
	[tilespmem:$0x1E800] =	vst v63  }
0x34: {  	_ =	swait.ge [sflag:s20], $0x4000  }
0x35: {  	[sflag:s20] =	ssyncset.done $0x0  }
0x36: {  	[sflag:s20] =	ssyncadd.s32 $0xFFFFC000  }
0x37: {  	[spmem:s10] =	stream.linear.scatter [tilespmem:s19], [sflag:$0x3], $0x4000, $0x38;
	[tilespmem:$0x1E800] =	vst v63  }
0x38: {  	_ =	swait.ge [sflag:s20], $0x4000  }
0x39: {  	[sflag:s20] =	ssyncset.done $0x0  }
0x3a: {  	[sflag:s20] =	ssyncadd.s32 $0xFFFFC000  }
0x3b: {  	[spmem:s11] =	stream.linear.scatter [tilespmem:s19], [sflag:$0x3], $0x4000, $0x38;
	[tilespmem:$0x1E800] =	vst v63  }
0x3c: {  	_ =	swait.ge [sflag:s20], $0x4000  }
0x3d: {  	[sflag:s20] =	ssyncset.done $0x0  }
0x3e: {  	s8 =	smov.u32 s7;
	s14 =	simm.s32 $0x0;
	[sflag:s20] =	ssyncadd.s32 $0xFFFFC000  }
0x3f: {  	p1 =	por $0x1, $0x1;
	s15 =	simm.s32 $0x0;
	[bflag:$0x0] =	sbarrier.arrive $0xFFFF  }
.LBB2_4:
0x40: {  	s15 =	sadd.s32 s12, s15  }
0x41: {  	s15 =	sshrl.u32 s15, $0x3  }
0x42: {  	s16 =	sadd.s32 s6, s15  }
0x43: {  	[tilespmem:s14], [sflag:$0x3] =	stream.linear.gather [hbm4b:s16+s14], $0x1400, $0x38;
	[tilespmem:$0x1E800] =	vst v63  }
0x44: {  	_ =	swait.ge [sflag:s20], $0x1400  }
0x45: {  	[sflag:s20] =	ssyncset.done $0x0  }
0x46: {  	s15 =	sadd.s32 s1, s15;
	[sflag:s20] =	ssyncadd.s32 $0xFFFFEC00  }
0x47: {  	[tilespmem:s21], [sflag:$0x3] =	stream.linear.gather [hbm4b:s15+s14], $0x1400, $0x38;
	[tilespmem:$0x1E800] =	vst v63  }
0x48: {  	_ =	swait.ge [sflag:s20], $0x1400  }
0x49: {  	[sflag:s20] =	ssyncset.done $0x0  }
0x4a: {  	[sflag:s20] =	ssyncadd.s32 $0xFFFFEC00  }
0x4b: {  	[tilespmem:s19], [sflag:$0x1] =	stream.indirect.gather [hbm4b:s5+s22], $0x80, s14, s22, $0xb8;
	[tilespmem:$0x1E800] =	vst v63  }
0x4c: {  	_ = 	snop  }
0x4d: {  	[tilespmem:s23], [sflag:$0x1] =	stream.indirect.gather [hbm4b:s5+s22], $0x80, s22, s22, $0xb8;
	[tilespmem:$0x1E800] =	vst v63  }
0x4e: {  	s17 =	simm.s32 $0x80  }
0x4f: {  	[tilespmem:s24], [sflag:$0x2] =	stream.indirect.gather [hbm4b:s5+s22], $0x80, s17, s22, $0xb8;
	[tilespmem:$0x1E800] =	vst v63  }
0x50: {  	s18 =	simm.s32 $0xC0  }
0x51: {  	[tilespmem:s25], [sflag:$0x2] =	stream.indirect.gather [hbm4b:s5+s22], $0x80, s18, s22, $0xb8;
	[tilespmem:$0x1E800] =	vst v63  }
0x52: {  	_ =	swait.ge [sflag:s26], $0x2000  }
0x53: {  	[sflag:s26] =	ssyncset.done $0x0  }
0x54: {  	[sflag:s26] =	ssyncadd.s32 $0xFFFFE000  }
0x55: {  	_ =	swait.ge [sflag:s26], $0x2000  }
0x56: {  	[sflag:s26] =	ssyncset.done $0x0  }
0x57: {  	s7 =	simm.s32 $0x1400;
	[sflag:s26] =	ssyncadd.s32 $0xFFFFE000  }
0x58: {  	[spmem:s2] =	stream.indirect.scatter.add.f32 [tilespmem:s19], [sflag:$0x3], $0x80, s7, s28, $0xb8;
	[tilespmem:$0x1E800] =	vst v63  }
0x59: {  	_ =	swait.ge [sflag:s20], $0x4000  }
0x5a: {  	[sflag:s20] =	ssyncset.done $0x0  }
0x5b: {  	s16 =	simm.s32 $0x100;
	[sflag:s20] =	ssyncadd.s32 $0xFFFFC000  }
0x5c: {  	[tilespmem:s19], [sflag:$0x1] =	stream.indirect.gather [hbm4b:s5+s22], $0x80, s16, s22, $0xb8;
	[tilespmem:$0x1E800] =	vst v63  }
0x5d: {  	s17 =	simm.s32 $0x140  }
0x5e: {  	[tilespmem:s23], [sflag:$0x1] =	stream.indirect.gather [hbm4b:s5+s22], $0x80, s17, s22, $0xb8;
	[tilespmem:$0x1E800] =	vst v63  }
0x5f: {  	_ =	swait.ge [sflag:s29], $0x2000  }
0x60: {  	[sflag:s29] =	ssyncset.done $0x0  }
0x61: {  	[sflag:s29] =	ssyncadd.s32 $0xFFFFE000  }
0x62: {  	_ =	swait.ge [sflag:s29], $0x2000  }
0x63: {  	[sflag:s29] =	ssyncset.done $0x0  }
0x64: {  	s18 =	simm.s32 $0x1480;
	[sflag:s29] =	ssyncadd.s32 $0xFFFFE000  }
0x65: {  	[spmem:s2] =	stream.indirect.scatter.add.f32 [tilespmem:s24], [sflag:$0x3], $0x80, s18, s28, $0xb8;
	[tilespmem:$0x1E800] =	vst v63  }
0x66: {  	p0 =	por p1, p1;
	_ =	swait.ge [sflag:s20], $0x4000  }
0x67: {  	s15 =	simm.s32 $0x100;
	s16 =	simm.s32 $0x800;
	[sflag:s20] =	ssyncset.done $0x0  }
.LBB2_5:
0x68: {  	s17 =	sadd.s32 $0x80, s15  }
0x69: {  	[sflag:s20] =	ssyncadd.s32 $0xFFFFC000;
	s18 =	smov.u32 s16;
	s7 =	sadd.s32 $0x400, s16  }
0x6a: {  	[tilespmem:s24], [sflag:$0x2] =	stream.indirect.gather [hbm4b:s5+s22], $0x80, s17, s22, $0xb8;
	[tilespmem:$0x1E800] =	vst v63  }
0x6b: {  	p1 =	sne.s32 s16, $0x4800;
	s16 =	sadd.s32 $0xC0, s15  }
0x6c: {  	[tilespmem:s25], [sflag:$0x2] =	stream.indirect.gather [hbm4b:s5+s22], $0x80, s16, s22, $0xb8;
	[tilespmem:$0x1E800] =	vst v63  }
0x6d: {  	_ =	swait.ge [sflag:s26], $0x2000  }
0x6e: {  	[sflag:s26] =	ssyncset.done $0x0  }
0x6f: {  	[sflag:s26] =	ssyncadd.s32 $0xFFFFE000  }
0x70: {  	_ =	swait.ge [sflag:s26], $0x2000  }
0x71: {  	[sflag:s26] =	ssyncset.done $0x0  }
0x72: {  	s16 =	sadd.s32 $0x1400, s15;
	[sflag:s26] =	ssyncadd.s32 $0xFFFFE000  }
0x73: {  	[spmem:s2] =	stream.indirect.scatter.add.f32 [tilespmem:s19], [sflag:$0x3], $0x80, s16, s28, $0xb8;
	[tilespmem:$0x1E800] =	vst v63  }
0x74: {  	_ =	swait.ge [sflag:s20], $0x4000  }
0x75: {  	[sflag:s20] =	ssyncset.done $0x0  }
0x76: {  	s16 =	sadd.s32 $0x100, s15;
	[sflag:s20] =	ssyncadd.s32 $0xFFFFC000  }
0x77: {  	[tilespmem:s19], [sflag:$0x1] =	stream.indirect.gather [hbm4b:s5+s22], $0x80, s16, s22, $0xb8;
	[tilespmem:$0x1E800] =	vst v63  }
0x78: {  	s16 =	sadd.s32 $0x140, s15  }
0x79: {  	[tilespmem:s23], [sflag:$0x1] =	stream.indirect.gather [hbm4b:s5+s22], $0x80, s16, s22, $0xb8;
	[tilespmem:$0x1E800] =	vst v63  }
0x7a: {  	_ =	swait.ge [sflag:s29], $0x2000  }
0x7b: {  	[sflag:s29] =	ssyncset.done $0x0  }
0x7c: {  	[sflag:s29] =	ssyncadd.s32 $0xFFFFE000  }
0x7d: {  	_ =	swait.ge [sflag:s29], $0x2000  }
.Ltmp1:
0x7e: {  	[sflag:s29] =	ssyncset.done $0x0;
	(pc) =	sbr.rel @p1 .LBB2_5-.Ltmp1, $4  }
0x7f: {  	s15 =	sadd.s32 $0x1480, s15;
	[sflag:s29] =	ssyncadd.s32 $0xFFFFE000  }
0x80: {  	[spmem:s2] =	stream.indirect.scatter.add.f32 [tilespmem:s24], [sflag:$0x3], $0x80, s15, s28, $0xb8;
	[tilespmem:$0x1E800] =	vst v63  }
0x81: {  	_ =	swait.ge [sflag:s20], $0x4000  }
0x82: {  	s16 =	smov.u32 s7;
	s15 =	sshra.s32 s18, $0x2;
	[sflag:s20] =	ssyncset.done $0x0  }
0x83: {  	s7 =	sadd.s32 $0x80, s15;
	[sflag:s20] =	ssyncadd.s32 $0xFFFFC000  }
0x84: {  	[tilespmem:s24], [sflag:$0x2] =	stream.indirect.gather [hbm4b:s5+s22], $0x80, s7, s22, $0xb8;
	[tilespmem:$0x1E800] =	vst v63  }
0x85: {  	s17 =	sadd.s32 $0xC0, s15  }
0x86: {  	[tilespmem:s25], [sflag:$0x2] =	stream.indirect.gather [hbm4b:s5+s22], $0x80, s17, s22, $0xb8;
	[tilespmem:$0x1E800] =	vst v63  }
0x87: {  	_ =	swait.ge [sflag:s26], $0x2000  }
0x88: {  	[sflag:s26] =	ssyncset.done $0x0  }
0x89: {  	[sflag:s26] =	ssyncadd.s32 $0xFFFFE000  }
0x8a: {  	_ =	swait.ge [sflag:s26], $0x2000  }
0x8b: {  	[sflag:s26] =	ssyncset.done $0x0  }
0x8c: {  	s18 =	sadd.s32 $0x1400, s15;
	[sflag:s26] =	ssyncadd.s32 $0xFFFFE000  }
0x8d: {  	[spmem:s2] =	stream.indirect.scatter.add.f32 [tilespmem:s19], [sflag:$0x3], $0x80, s18, s28, $0xb8;
	[tilespmem:$0x1E800] =	vst v63  }
0x8e: {  	_ =	swait.ge [sflag:s20], $0x4000  }
0x8f: {  	[sflag:s20] =	ssyncset.done $0x0  }
0x90: {  	s16 =	sadd.s32 $0x100, s15;
	[sflag:s20] =	ssyncadd.s32 $0xFFFFC000  }
0x91: {  	[tilespmem:s19], [sflag:$0x1] =	stream.indirect.gather [hbm4b:s5+s22], $0x80, s16, s22, $0xb8;
	[tilespmem:$0x1E800] =	vst v63  }
0x92: {  	s17 =	sadd.s32 $0x140, s15  }
0x93: {  	[tilespmem:s23], [sflag:$0x1] =	stream.indirect.gather [hbm4b:s5+s22], $0x80, s17, s22, $0xb8;
	[tilespmem:$0x1E800] =	vst v63  }
0x94: {  	_ =	swait.ge [sflag:s29], $0x2000  }
0x95: {  	[sflag:s29] =	ssyncset.done $0x0  }
0x96: {  	[sflag:s29] =	ssyncadd.s32 $0xFFFFE000  }
0x97: {  	_ =	swait.ge [sflag:s29], $0x2000  }
0x98: {  	[sflag:s29] =	ssyncset.done $0x0  }
0x99: {  	s18 =	sadd.s32 $0x1480, s15;
	[sflag:s29] =	ssyncadd.s32 $0xFFFFE000  }
0x9a: {  	[spmem:s2] =	stream.indirect.scatter.add.f32 [tilespmem:s24], [sflag:$0x3], $0x80, s18, s28, $0xb8;
	[tilespmem:$0x1E800] =	vst v63  }
0x9b: {  	_ =	swait.ge [sflag:s20], $0x4000  }
0x9c: {  	[sflag:s20] =	ssyncset.done $0x0  }
0x9d: {  	[sflag:s20] =	ssyncadd.s32 $0xFFFFC000  }
0x9e: {  	[tilespmem:s24], [sflag:$0x2] =	stream.indirect.gather [hbm4b:s5+s22], $0x80, s30, s22, $0xb8;
	[tilespmem:$0x1E800] =	vst v63  }
0x9f: {  	_ = 	snop  }
0xa0: {  	[tilespmem:s25], [sflag:$0x2] =	stream.indirect.gather [hbm4b:s5+s22], $0x80, s31, s22, $0xb8;
	[tilespmem:$0x1E800] =	vst v63  }
0xa1: {  	_ =	swait.ge [sflag:s26], $0x2000  }
0xa2: {  	[sflag:s26] =	ssyncset.done $0x0  }
0xa3: {  	[sflag:s26] =	ssyncadd.s32 $0xFFFFE000  }
0xa4: {  	_ =	swait.ge [sflag:s26], $0x2000  }
0xa5: {  	[sflag:s26] =	ssyncset.done $0x0  }
0xa6: {  	[sflag:s26] =	ssyncadd.s32 $0xFFFFE000  }
0xa7: {  	[spmem:s2] =	stream.indirect.scatter.add.f32 [tilespmem:s19], [sflag:$0x3], $0x80, s0, s28, $0xb8;
	[tilespmem:$0x1E800] =	vst v63  }
0xa8: {  	_ =	swait.ge [sflag:s20], $0x4000  }
0xa9: {  	[sflag:s20] =	ssyncset.done $0x0  }
0xaa: {  	[sflag:s20] =	ssyncadd.s32 $0xFFFFC000  }
0xab: {  	_ =	swait.ge [sflag:s29], $0x2000  }
0xac: {  	[sflag:s29] =	ssyncset.done $0x0  }
0xad: {  	[sflag:s29] =	ssyncadd.s32 $0xFFFFE000  }
0xae: {  	_ =	swait.ge [sflag:s29], $0x2000  }
0xaf: {  	[sflag:s29] =	ssyncset.done $0x0  }
.Ltmp2:
0xb0: {  	[sflag:s29] =	ssyncadd.s32 $0xFFFFE000;
	(pc) =	sbr.rel @p0 .LBB2_4-.Ltmp2, $4  }
0xb1: {  	[spmem:s2] =	stream.indirect.scatter.add.f32 [tilespmem:s24], [sflag:$0x3], $0x80, s3, s28, $0xb8;
	[tilespmem:$0x1E800] =	vst v63  }
0xb2: {  	_ =	swait.ge [sflag:s20], $0x4000  }
0xb3: {  	[sflag:s20] =	ssyncset.done $0x0  }
0xb4: {  	p1 =	por $0x0, $0x0;
	s15 =	simm.s32 $0x1400;
	[sflag:s20] =	ssyncadd.s32 $0xFFFFC000  }
0xb5: {  	[bflag:$0x0] =	sbarrier.arrive $0xFFFF  }
0xb6: {  	[tilespmem:s19], [sflag:$0x3] =	stream.linear.gather [spmem:s8], $0x4000, $0x38;
	[tilespmem:$0x1E800] =	vst v63  }
0xb7: {  	_ =	swait.ge [sflag:s20], $0x4000  }
0xb8: {  	[sflag:s20] =	ssyncset.done $0x0  }
0xb9: {  	s17 =	rddreg [dreg:$0x5];
	[sflag:s20] =	ssyncadd.s32 $0xFFFFC000  }
0xba: {  	[hbm4b:s17+s4] =	stream.linear.scatter [tilespmem:s19], [sflag:$0x3], $0x4000, $0x38;
	[tilespmem:$0x1E800] =	vst v63  }
0xbb: {  	_ =	swait.ge [sflag:s20], $0x4000  }
0xbc: {  	[sflag:s20] =	ssyncset.done $0x0  }
0xbd: {  	s18 =	rddreg [dreg:$0x4];
	[sflag:s20] =	ssyncadd.s32 $0xFFFFC000  }
0xbe: {  	[tilespmem:s19], [sflag:$0x3] =	stream.linear.gather [spmem:s18], $0x4000, $0x38;
	[tilespmem:$0x1E800] =	vst v63  }
0xbf: {  	_ =	swait.ge [sflag:s20], $0x4000  }
0xc0: {  	[sflag:s20] =	ssyncset.done $0x0  }
0xc1: {  	s14 =	rddreg [dreg:$0x6];
	[sflag:s20] =	ssyncadd.s32 $0xFFFFC000  }
0xc2: {  	[hbm4b:s14+s4] =	stream.linear.scatter [tilespmem:s19], [sflag:$0x3], $0x4000, $0x38;
	[tilespmem:$0x1E800] =	vst v63  }
0xc3: {  	_ =	swait.ge [sflag:s20], $0x4000  }
0xc4: {  	[sflag:s20] =	ssyncset.done $0x0  }
0xc5: {  	[sflag:s20] =	ssyncadd.s32 $0xFFFFC000  }
0xc6: {  	[tilespmem:s19], [sflag:$0x3] =	stream.linear.gather [spmem:s9], $0x4000, $0x38;
	[tilespmem:$0x1E800] =	vst v63  }
0xc7: {  	_ =	swait.ge [sflag:s20], $0x4000  }
0xc8: {  	[sflag:s20] =	ssyncset.done $0x0  }
0xc9: {  	s15 =	rddreg [dreg:$0x7];
	[sflag:s20] =	ssyncadd.s32 $0xFFFFC000  }
0xca: {  	[hbm4b:s15+s4] =	stream.linear.scatter [tilespmem:s19], [sflag:$0x3], $0x4000, $0x38;
	[tilespmem:$0x1E800] =	vst v63  }
0xcb: {  	_ =	swait.ge [sflag:s20], $0x4000  }
0xcc: {  	[sflag:s20] =	ssyncset.done $0x0  }
0xcd: {  	[sflag:s20] =	ssyncadd.s32 $0xFFFFC000  }
0xce: {  	[tilespmem:s19], [sflag:$0x3] =	stream.linear.gather [spmem:s10], $0x4000, $0x38;
	[tilespmem:$0x1E800] =	vst v63  }
0xcf: {  	_ =	swait.ge [sflag:s20], $0x4000  }
0xd0: {  	[sflag:s20] =	ssyncset.done $0x0  }
0xd1: {  	s16 =	rddreg [dreg:$0x8];
	[sflag:s20] =	ssyncadd.s32 $0xFFFFC000  }
0xd2: {  	[hbm4b:s16+s4] =	stream.linear.scatter [tilespmem:s19], [sflag:$0x3], $0x4000, $0x38;
	[tilespmem:$0x1E800] =	vst v63  }
0xd3: {  	_ =	swait.ge [sflag:s20], $0x4000  }
0xd4: {  	[sflag:s20] =	ssyncset.done $0x0  }
0xd5: {  	[sflag:s20] =	ssyncadd.s32 $0xFFFFC000  }
0xd6: {  	[tilespmem:s19], [sflag:$0x3] =	stream.linear.gather [spmem:s11], $0x4000, $0x38;
	[tilespmem:$0x1E800] =	vst v63  }
0xd7: {  	_ =	swait.ge [sflag:s20], $0x4000  }
0xd8: {  	[sflag:s20] =	ssyncset.done $0x0  }
0xd9: {  	s17 =	rddreg [dreg:$0x9];
	[sflag:s20] =	ssyncadd.s32 $0xFFFFC000  }
0xda: {  	[hbm4b:s17+s4] =	stream.linear.scatter [tilespmem:s19], [sflag:$0x3], $0x4000, $0x38;
	[tilespmem:$0x1E800] =	vst v63  }
0xdb: {  	_ =	swait.ge [sflag:s20], $0x4000  }
0xdc: {  	s13 =	sadd.s32 $0x1, s13;
	s18 =	rddreg [dreg:$0xa]  }
0xdd: {  	p0 =	sne.s32 s13, s18  }
.Ltmp3:
0xde: {  	_ = 	snop;
	(pc) =	sbr.rel @p0 .LBB2_1-.Ltmp3, $3  }
0xdf: {  	_ =	sdelay $0x1  }
0xe0: {  	[sflag:s20] =	ssyncset.done $0x0  }
0xe1: {  	s7 =	smov.u32 s8;
	[sflag:s20] =	ssyncadd.s32 $0xFFFFC000  }
0xe2: {  	_ =	sfence.sel $0x180000  }
0xe3: {  	[bflag:$0x0] =	sbarrier.arrive $0xFFFF  }
0xe4: {  	_ =	strace $0x9000004D  }
0xe5: {  	s0 =	stileid.u32;
	[bflag:$0x2] =	sbarrier.arrive $0xFFFF  }
0xe6: {  	p0 =	sne.s32 s0, $0x0;
	s0 =	rddreg [dreg:$0x3]  }
0xe7: {  	s0 =	sadd.s32 @!p0 $0x100000, s0  }
0xe8: {  	[sflag:s0] =	ssyncadd.tile.s32 @!p0 $0x1;
	_ =	shalt  }
.Lfunc_end2:
_tile_overlayer_lowered:
.L_overlay_start_2:
0xe9: {  	(tag) =	ssettag $0x2  }
0xea: {  	s0 =	rddreg [dreg:$0x0];
	s2 =	stileid.u32  }
0xeb: {  	s1 =	rddreg [dreg:$0x1];
	p0 =	sne.s32 s2, $0x0  }
0xec: {  	s3 =	rddreg [dreg:$0x2];
	[bflag:$0x3] =	sbarrier.arrive $0xFFFF;
	s2 =	simm.s32 @!p0 $0x1C03  }
0xed: {  	[timem:s3], [sflag:s2] =	dma.local @!p0 [hbm:s0], s1  }
0xee: {  	s0 =	simm.s32 @!p0 $0x3  }
0xef: {  	_ =	swait.ge @!p0 [sflag:s0], s1  }
0xf0: {  	s1 =	ssub.s32 @!p0 $0x0, s1;
	[sflag:s0] =	ssyncset.done @!p0 $0x0  }
0xf1: {  	[sflag:s0] =	ssyncadd.s32 @!p0 s1  }
0xf2: {  	[bflag:$0x3] =	sbarrier.arrive $0xFFFF  }
0xf3: {  	_ =	shalt  }

// kernel: kernel.8.cloned.1.call-start
scs
__scs_entry_jumppad:
0x0: {  	(pc) =	sbr.rel $0x88, $3  }
0x1: {  	(tag) =	ssettag $0x0;
	lr =	simm.s32 $0x1  }
0x2: {  	[smem:$0x3F99] =	sst lr;
	_ =	strace $0xD0000000  }
0x3: {  	_ = 	snop  }
0x4: {  	_ = 	snop  }
0x5: {  	_ = 	snop  }
0x6: {  	_ = 	snop  }
0x7: {  	_ = 	snop  }
__scs_overlays_trampoline_lowered:
0x8: {  	[smem:$0x3FA8] =	sst s0  }
0x9: {  	[smem:$0x3FA9] =	sst s1  }
0xa: {  	[smem:$0x3FAA] =	sst s2  }
0xb: {  	[smem:$0x3FAB] =	sst s3  }
0xc: {  	[smem:$0x3FAC] =	sst s4  }
0xd: {  	[smem:$0x3FAD] =	sst s5  }
0xe: {  	[smem:$0x3FAE] =	sst s6  }
0xf: {  	[smem:$0x3FAF] =	sst s7  }
0x10: {  	[smem:$0x3FB0] =	sst s8  }
0x11: {  	[smem:$0x3FB1] =	sst s9;
	s0 =	simm.s32 @!p0 $0x0  }
0x12: {  	s1 =	sld [smem:$0x3F97];
	s0 =	simm.s32 @p0 $0x1  }
0x13: {  	[smem:$0x3FB2] =	sst s0;
	s0 =	simm.s32 @!p1 $0x0  }
0x14: {  	s2 =	sld [smem:$0x3F96];
	s0 =	simm.s32 @p1 $0x1  }
0x15: {  	[smem:$0x3FB3] =	sst s0;
	s0 =	simm.s32 @!p2 $0x0  }
0x16: {  	s3 =	sld [smem:$0x3FDB];
	s0 =	simm.s32 @p2 $0x1  }
0x17: {  	s4 =	simm.s32 $0x1BF5;
	[smem:$0x3FB5] =	sst s0  }
0x18: {  	s0 =	sld [smem:$0x3F98];
	_ =	swait.ge [sflag:s4], $0x0  }
0x19: {  	s7 =	sld [smem:$0x3F99]  }
0x1a: {  	s8 =	sadd.s32 $0xFFFFE003, lr  }
0x1b: {  	s9 =	sadd.s32 $0xFFFFFEF7, lr;
	s5 =	simm.s32 $0xFFFFFFFF;
	p2 =	slt.u32 s8, $0xFFFFF086  }
0x1c: {  	p1 =	slt.u32 s9, $0xF7A;
	s5 =	simm.s32 @!p2 $0x0  }
0x1d: {  	s5 =	simm.s32 @p1 $0x1;
	p0 =	seq.s32 s7, s2  }
0x1e: {  	s7 =	smul.u32 @!p0 $0xF7A, s2;
	p2 =	seq.s32 @!p0 s5, $0x0  }
0x1f: {  	s9 =	smul.u32 $0xF7A, s1;
	s8 =	simm.s32 @!p0 $0x1BF5;
	p2 =	por !p2, p0  }
0x20: {  	[sflag:s8] =	ssyncset.s32 @!p0 $0xFFFFF086;
	s6 =	sadd.s32 @!p0 s3, s7;
	s7 =	simm.s32 @!p0 $0x108  }
0x21: {  	s3 =	sadd.s32 s3, s9;
	s6 =	sadd.s32 @!p0 $0x88, s6;
	s7 =	simm.s32 @p2 $0x1082  }
0x22: {  	[simem:s7], [sflag:s8] =	dma.local @!p0 [hbm:s6], $0xF7A  }
0x23: {  	s9 =	sor.u32 $0xD0000000, s2;
	s6 =	simm.s32 $0x108;
	_ =	swait.ge @!p0 [sflag:s8], $0x0  }
0x24: {  	s3 =	sadd.s32 $0x88, s3;
	s6 =	simm.s32 @!p1 $0x1082;
	[sflag:s4] =	ssyncset.s32 $0xFFFFF086  }
0x25: {  	[simem:s6], [sflag:s4] =	dma.local [hbm:s3], $0xF7A  }
0x26: {  	[smem:$0x3F99] =	sst s1;
	(tag) =	ssettag s2;
	_ =	strace s9  }
0x27: {  	s1 =	sld [smem:$0x3FA9]  }
0x28: {  	s2 =	sld [smem:$0x3FAA]  }
0x29: {  	s4 =	sld [smem:$0x3FAC]  }
0x2a: {  	p0 =	seq.s32 s5, $0x0;
	s5 =	sld [smem:$0x3FAD]  }
0x2b: {  	s6 =	sld [smem:$0x3FAE]  }
0x2c: {  	s7 =	sld [smem:$0x3FAF]  }
0x2d: {  	s3 =	simm.s32 $0x108;
	s8 =	sld [smem:$0x3FB0]  }
0x2e: {  	s3 =	simm.s32 @!p0 $0x1082;
	s9 =	sld [smem:$0x3FB1]  }
0x2f: {  	lr =	sadd.s32 s0, s3;
	s0 =	sld [smem:$0x3FA8]  }
0x30: {  	s3 =	sld [smem:$0x3FAB]  }
0x31: {  	[smem:$0x3FB4] =	sst s10  }
0x32: {  	s10 =	sld [smem:$0x3FB2];
	_ =	sdelay $0x3  }
0x33: {  	p0 =	seq.s32 s10, $0x1;
	s10 =	sld [smem:$0x3FB4];
	_ =	sdelay $0x3  }
0x34: {  	[smem:$0x3FB4] =	sst s10  }
0x35: {  	s10 =	sld [smem:$0x3FB3];
	_ =	sdelay $0x3  }
0x36: {  	p1 =	seq.s32 s10, $0x1;
	s10 =	sld [smem:$0x3FB4];
	_ =	sdelay $0x3  }
0x37: {  	[smem:$0x3FB4] =	sst s10  }
0x38: {  	s10 =	sld [smem:$0x3FB5]  }
0x39: {  	_ = 	snop;
	(pc) =	sbr.ind lr, $3  }
0x3a: {  	_ = 	snop  }
0x3b: {  	_ = 	snop  }
0x3c: {  	p2 =	seq.s32 s10, $0x1;
	s10 =	sld [smem:$0x3FB4]  }
0x3d: {  	_ =	shalt  }
0x3e: {  	_ =	shalt  }
0x3f: {  	_ =	shalt  }
0x40: {  	_ =	shalt  }
0x41: {  	_ =	shalt  }
0x42: {  	_ =	shalt  }
0x43: {  	_ =	shalt  }
0x44: {  	_ =	shalt  }
0x45: {  	_ =	shalt  }
0x46: {  	_ =	shalt  }
0x47: {  	_ =	shalt  }
0x48: {  	_ =	shalt  }
0x49: {  	_ =	shalt  }
0x4a: {  	_ =	shalt  }
0x4b: {  	_ =	shalt  }
0x4c: {  	_ =	shalt  }
0x4d: {  	_ =	shalt  }
0x4e: {  	_ =	shalt  }
0x4f: {  	_ =	shalt  }
0x50: {  	_ =	shalt  }
0x51: {  	_ =	shalt  }
0x52: {  	_ =	shalt  }
0x53: {  	_ =	shalt  }
0x54: {  	_ =	shalt  }
0x55: {  	_ =	shalt  }
0x56: {  	_ =	shalt  }
0x57: {  	_ =	shalt  }
0x58: {  	_ =	shalt  }
0x59: {  	_ =	shalt  }
0x5a: {  	_ =	shalt  }
0x5b: {  	_ =	shalt  }
0x5c: {  	_ =	shalt  }
0x5d: {  	_ =	shalt  }
0x5e: {  	_ =	shalt  }
0x5f: {  	_ =	shalt  }
0x60: {  	_ =	shalt  }
0x61: {  	_ =	shalt  }
0x62: {  	_ =	shalt  }
0x63: {  	_ =	shalt  }
0x64: {  	_ =	shalt  }
0x65: {  	_ =	shalt  }
0x66: {  	_ =	shalt  }
0x67: {  	_ =	shalt  }
0x68: {  	_ =	shalt  }
0x69: {  	_ =	shalt  }
0x6a: {  	_ =	shalt  }
0x6b: {  	_ =	shalt  }
0x6c: {  	_ =	shalt  }
0x6d: {  	_ =	shalt  }
0x6e: {  	_ =	shalt  }
0x6f: {  	_ =	shalt  }
0x70: {  	_ =	shalt  }
0x71: {  	_ =	shalt  }
0x72: {  	_ =	shalt  }
0x73: {  	_ =	shalt  }
0x74: {  	_ =	shalt  }
0x75: {  	_ =	shalt  }
0x76: {  	_ =	shalt  }
0x77: {  	_ =	shalt  }
0x78: {  	_ =	shalt  }
0x79: {  	_ =	shalt  }
0x7a: {  	_ =	shalt  }
0x7b: {  	_ =	shalt  }
0x7c: {  	_ =	shalt  }
0x7d: {  	_ =	shalt  }
0x7e: {  	_ =	shalt  }
0x7f: {  	_ =	shalt  }
0x80: {  	_ =	shalt  }
0x81: {  	_ =	shalt  }
0x82: {  	_ =	shalt  }
0x83: {  	_ =	shalt  }
0x84: {  	_ =	shalt  }
0x85: {  	_ =	shalt  }
0x86: {  	_ =	shalt  }
0x87: {  	_ =	shalt  }
.Lfunc_end0:
.L_simem_size_0:
called_computation_lowered:
.L_overlay_start_0:
0x88: {  	s2 =	sld [smem:$0x3FD9]  }
0x89: {  	s3 =	sld [smem:$0x3FFE];
	_ =	sdelay $0x1  }
0x8a: {  	s1 =	srdreg.scid  }
0x8b: {  	s0 =	sand.u32 $0x1, s1  }
0x8c: {  	s17 =	sshll.u32 s0, $0xA;
	s2 =	sadd.s32 s3, s2  }
0x8d: {  	s2 =	sadd.s32 s2, s17  }
0x8e: {  	[smem:$0x3FC0] =	sst s2  }
0x8f: {  	_ = 	snop  }
0x90: {  	s2 =	sld [smem:$0x3FD0];
	(tm) =	ssettm $0x1  }
0x91: {  	s18 =	sld [smem:$0x3FFB];
	_ =	sdelay $0x3  }
0x92: {  	_ =	strace s18  }
0x93: {  	s3 =	sld [smem:$0x3FFC];
	_ =	sdelay $0x3  }
0x94: {  	_ =	strace s3  }
0x95: {  	s3 =	sld [smem:$0x3FFD];
	_ =	sdelay $0x3  }
0x96: {  	_ =	strace s3  }
0x97: {  	_ =	strace $0x8FFFFFFF  }
0x98: {  	s19 =	sld [smem:$0x3FDB];
	_ =	sdelay $0x1  }
0x99: {  	s4 =	simm.s32 $_scs_section_size  }
0x9a: {  	s5 =	simm.s32 $_size__tile_overlayer_lowered;
	s6 =	simm.s32 $_tile_overlayer_lowered  }
0x9b: {  	s22 =	simm.s32 $0x1BFF;
	s21 =	sshll.u32 s6, $0x1;
	s3 =	sadd.s32 s4, s19  }
0x9c: {  	s7 =	simm.s32 $0x0;
	s20 =	sshll.u32 s5, $0x1;
	s5 =	sadd.s32 s21, s3  }
0x9d: {  	[timem:s7], [sflag:s22] =	dma.local [hbm:s5], s20  }
0x9e: {  	_ =	swait.ge [sflag:s22], s20  }
0x9f: {  	s4 =	ssub.s32 $0x0, s20;
	[sflag:s22] =	ssyncset.done $0x0  }
0xa0: {  	[sflag:s22] =	ssyncadd.s32 s4;
	_ =	sdelay $0x1  }
0xa1: {  	s23 =	simm.s32 $0x1B8B  }
0xa2: {  	_ =	swait.ge [sflag:s23], $0x1  }
0xa3: {  	[sflag:s23] =	ssyncset.done $0x0  }
0xa4: {  	s25 =	simm.s32 $0x1B8E;
	s24 =	sld [smem:$0x3FFE];
	[sflag:s23] =	ssyncadd.s32 $0xFFFFFFFF  }
0xa5: {  	s26 =	simm.s32 $execute0_lowered;
	[smem:$0x3FD2] =	sst s25  }
0xa6: {  	s5 =	sshll.u32 s26, $0x1;
	_ =	strace $0x80000046;
	[dreg:$0x1] =	wrdreg $0xFFFFFFFF  }
0xa7: {  	s28 =	simm.s32 $_size_execute0_lowered;
	s3 =	sadd.s32 s3, s5;
	[dreg:$0x0] =	wrdreg $0x0  }
0xa8: {  	s5 =	sshll.u32 s28, $0x1;
	[dreg:$0x2] =	wrdreg s3  }
0xa9: {  	[dreg:$0x3] =	wrdreg s5  }
0xaa: {  	[dreg:$0x4] =	wrdreg $0xC0  }
0xab: {  	_ =	task [dreg:s7], $0x5FFFF  }
0xac: {  	[dreg:$0x1] =	wrdreg $0xFFFFFFFF  }
0xad: {  	[dreg:$0x0] =	wrdreg $0x60  }
0xae: {  	[dreg:$0x2] =	wrdreg s2  }
0xaf: {  	[dreg:$0x3] =	wrdreg s24  }
0xb0: {  	[dreg:$0x4] =	wrdreg $0x88000  }
0xb1: {  	[dreg:$0x5] =	wrdreg $0x9  }
0xb2: {  	_ =	task.clear_ibuf [dreg:s7], $0x6FFFF;
	_ =	strace $0x90000046  }
0xb3: {  	s29 =	simm.s32 $0x9;
	_ =	strace $0x80000048  }
0xb4: {  	_ =	swait.ge [sflag:s29], $0x1  }
0xb5: {  	[sflag:s29] =	ssyncadd.s32 $0xFFFFFFFF  }
0xb6: {  	_ =	strace $0x90000048  }
0xb7: {  	_ =	sfence  }
0xb8: {  	s30 =	sld [smem:$0x0];
	_ =	sdelay $0x2  }
0xb9: {  	s31 =	sshll.u32 s1, $0xD;
	s1 =	sshrl.u32 s1, $0x2  }
0xba: {  	s3 =	sand.u32 $0x4000, s31;
	s1 =	sadd.s32 s1, s30  }
0xbb: {  	s0 =	sor.u32 s3, s0;
	s1 =	sshll.u32 s1, $0x11  }
0xbc: {  	s0 =	sor.u32 s1, s0  }
0xbd: {  	s0 =	sadd.s32 $0x8F2B, s0  }
0xbe: {  	[sflag:s0] =	ssyncadd.remote.s32 $0x1  }
0xbf: {  	_ =	sfence.sel $0xFFFF  }
0xc0: {  	[dreg:$0x0] =	wrdreg $0xFFFFFFFF;
	(pc) =	sbr.abs _section_cstart, $3  }
0xc1: {  	[dreg:$0x1] =	wrdreg $0xFFFFFFFF  }
0xc2: {  	_ =	task.clear_ibuf [dreg:s7], $0x2FFFF;
	_ =	strace $0x9FFFFFFF  }
0xc3: {  	(tm) =	ssettm $0x7FFFFFFF  }
tec
execute0_lowered:
.L_overlay_start_1:
0x0: {  	(tag) =	ssettag $0x1  }
0x1: {  	s0 =	srdreg.scid;
	s3 =	rddreg [dreg:$0x0]  }
0x2: {  	s9 =	stileid.u32;
	s4 =	rddreg [dreg:$0x1]  }
0x3: {  	s2 =	simm.s32 $0x0;
	s28 =	simm.s32 $0x6800;
	s29 =	simm.s32 $0x80  }
0x4: {  	s30 =	simm.s32 $0x2800;
	s31 =	simm.s32 $0x0;
	s7 =	smul.u32 $0x50000, s9  }
0x5: {  	s0 =	sand.u32 $0x1, s0;
	s1 =	sshll.u32 s9, $0x1;
	s9 =	smul.u32 $0x14000, s9  }
0x6: {  	s1 =	sor.u32 s0, s1;
	s6 =	ssub.s32 $0x2, s0;
	s0 =	smul.u32 $0x140000, s0  }
0x7: {  	[smem:$0x7FF] =	sst s2;
	s11 =	sadd.s32 $0x2C00, s4;
	s5 =	smul.u32 $0x500, s1  }
0x8: {  	s1 =	rddreg [dreg:$0x2];
	s8 =	sshrl.u32 s6, $0x1;
	s15 =	sshrl.u32 s7, $0x2  }
0x9: {  	s16 =	sor.u32 $0x2000, s9;
	s17 =	sadd.s32 $0x4000, s9;
	s18 =	sadd.s32 $0x6000, s9  }
0xa: {  	s19 =	sadd.s32 $0x8000, s9;
	s20 =	sadd.s32 $0xA000, s9;
	s21 =	sadd.s32 $0xC000, s9  }
0xb: {  	s22 =	sadd.s32 $0xE000, s9;
	s23 =	sadd.s32 $0x10000, s9;
	s24 =	sadd.s32 $0x12000, s9  }
0xc: {  	_ =	strace $0x80000047;
	s25 =	ssub.s32 s6, s8;
	s8 =	sadd.s32 s9, s0  }
0xd: {  	s10 =	sadd.s32 s0, s16;
	s12 =	sadd.s32 s0, s17;
	s13 =	sadd.s32 s0, s18  }
0xe: {  	s14 =	sadd.s32 s0, s19;
	s26 =	sadd.s32 s0, s20;
	s15 =	sadd.s32 s15, s1  }
0xf: {  	s16 =	sadd.s32 s16, s1;
	s17 =	sadd.s32 s17, s1;
	s18 =	sadd.s32 s18, s1  }
0x10: {  	s19 =	sadd.s32 s19, s1;
	s20 =	sadd.s32 s20, s1;
	s3 =	sadd.s32 s3, s5  }
0x11: {  	s4 =	sshrl.u32 s8, $0x3;
	s5 =	sshrl.u32 s10, $0x3;
	s6 =	sshrl.u32 s12, $0x3  }
0x12: {  	s7 =	sshrl.u32 s13, $0x3;
	s8 =	sshrl.u32 s14, $0x3;
	s9 =	sshrl.u32 s26, $0x3  }
0x13: {  	s10 =	sadd.s32 s0, s21;
	s12 =	sadd.s32 s0, s22;
	s13 =	sadd.s32 s0, s23  }
0x14: {  	s0 =	sadd.s32 s0, s24;
	s21 =	sadd.s32 s21, s1;
	s22 =	sadd.s32 s22, s1  }
0x15: {  	s23 =	sadd.s32 s23, s1;
	s24 =	sadd.s32 s24, s1;
	s25 =	smax.u32 s25, $0x1  }
0x16: {  	s26 =	simm.s32 $0x1;
	s4 =	sadd.s32 s11, s4;
	s5 =	sadd.s32 s11, s5  }
0x17: {  	s6 =	sadd.s32 s11, s6;
	s7 =	sadd.s32 s11, s7;
	s8 =	sadd.s32 s11, s8  }
0x18: {  	s9 =	sadd.s32 s11, s9;
	s10 =	sshrl.u32 s10, $0x3;
	s12 =	sshrl.u32 s12, $0x3  }
0x19: {  	s13 =	sshrl.u32 s13, $0x3;
	s0 =	sshrl.u32 s0, $0x3;
	s10 =	sadd.s32 s11, s10  }
0x1a: {  	v0 =	vimm.f32 $1.000000000e+00;
	v1 =	vimm.f32 $0.0e+00;
	s12 =	sadd.s32 s11, s12;
	s13 =	sadd.s32 s11, s13;
	s14 =	sadd.s32 s11, s0  }
.LBB2_1:
0x1b: {  	[tilespmem:s2], [sflag:$0x1] =	stream.linear.gather [hbm4b:s3+s2], $0x2800, $0x38;
	[tilespmem:$0xB000] =	vst v63  }
0x1c: {  	_ =	swait.ge [sflag:s26], $0x2800  }
0x1d: {  	[sflag:s26] =	ssyncset.done $0x0  }
0x1e: {  	s0 =	simm.s32 $0x0;
	[sflag:s26] =	ssyncadd.s32 $0xFFFFD800  }
.LBB2_2:
0x1f: {  	p0 =	sne.s32 s0, $0xFE00  }
.Ltmp0:
0x20: {  	_ = 	snop;
	(pc) =	sbr.rel @p0 .LBB2_2-.Ltmp0, $3  }
0x21: {  	_ =	sdelay $0x1  }
0x22: {  	s11 =	sshra.s32 s0, $0x2  }
0x23: {  	s0 =	sadd.s32 $0x200, s0;
	[tilespmem:s11+$0x2800] =	vst v0  }
0x24: {  	s11 =	simm.s32 $0x200;
	s0 =	simm.s32 $0x0  }
.LBB2_4:
0x25: {  	p0 =	sne.s32 s11, $0x7E00;
	[tilespmem:s0+$0x6800] =	vst v1;
	s0 =	smov.u32 s11;
	s11 =	sadd.s32 $0x200, s11  }
.Ltmp1:
0x26: {  	(pc) =	sbr.rel @p0 .LBB2_4-.Ltmp1, $2  }
0x27: {  	_ =	sdelay $0x2  }
0x28: {  	s0 =	sshra.s32 s0, $0x2  }
0x29: {  	[tilespmem:s0+$0x6800] =	vst v1  }
0x2a: {  	[spmem:s15] =	stream.linear.scatter [tilespmem:s28], [sflag:$0x1], $0x2000, $0x38;
	[tilespmem:$0xB000] =	vst v63  }
0x2b: {  	_ =	swait.ge [sflag:s26], $0x2000  }
0x2c: {  	[sflag:s26] =	ssyncset.done $0x0  }
0x2d: {  	[sflag:s26] =	ssyncadd.s32 $0xFFFFE000  }
0x2e: {  	[spmem:s16] =	stream.linear.scatter [tilespmem:s28], [sflag:$0x1], $0x2000, $0x38;
	[tilespmem:$0xB000] =	vst v63  }
0x2f: {  	_ =	swait.ge [sflag:s26], $0x2000  }
0x30: {  	[sflag:s26] =	ssyncset.done $0x0  }
0x31: {  	[sflag:s26] =	ssyncadd.s32 $0xFFFFE000  }
0x32: {  	[spmem:s17] =	stream.linear.scatter [tilespmem:s28], [sflag:$0x1], $0x2000, $0x38;
	[tilespmem:$0xB000] =	vst v63  }
0x33: {  	_ =	swait.ge [sflag:s26], $0x2000  }
0x34: {  	[sflag:s26] =	ssyncset.done $0x0  }
0x35: {  	[sflag:s26] =	ssyncadd.s32 $0xFFFFE000  }
0x36: {  	[spmem:s18] =	stream.linear.scatter [tilespmem:s28], [sflag:$0x1], $0x2000, $0x38;
	[tilespmem:$0xB000] =	vst v63  }
0x37: {  	_ =	swait.ge [sflag:s26], $0x2000  }
0x38: {  	[sflag:s26] =	ssyncset.done $0x0  }
0x39: {  	[sflag:s26] =	ssyncadd.s32 $0xFFFFE000  }
0x3a: {  	[spmem:s19] =	stream.linear.scatter [tilespmem:s28], [sflag:$0x1], $0x2000, $0x38;
	[tilespmem:$0xB000] =	vst v63  }
0x3b: {  	_ =	swait.ge [sflag:s26], $0x2000  }
0x3c: {  	[sflag:s26] =	ssyncset.done $0x0  }
0x3d: {  	[sflag:s26] =	ssyncadd.s32 $0xFFFFE000  }
0x3e: {  	[spmem:s20] =	stream.linear.scatter [tilespmem:s28], [sflag:$0x1], $0x2000, $0x38;
	[tilespmem:$0xB000] =	vst v63  }
0x3f: {  	_ =	swait.ge [sflag:s26], $0x2000  }
0x40: {  	[sflag:s26] =	ssyncset.done $0x0  }
0x41: {  	[sflag:s26] =	ssyncadd.s32 $0xFFFFE000  }
0x42: {  	[spmem:s21] =	stream.linear.scatter [tilespmem:s28], [sflag:$0x1], $0x2000, $0x38;
	[tilespmem:$0xB000] =	vst v63  }
0x43: {  	_ =	swait.ge [sflag:s26], $0x2000  }
0x44: {  	[sflag:s26] =	ssyncset.done $0x0  }
0x45: {  	[sflag:s26] =	ssyncadd.s32 $0xFFFFE000  }
0x46: {  	[spmem:s22] =	stream.linear.scatter [tilespmem:s28], [sflag:$0x1], $0x2000, $0x38;
	[tilespmem:$0xB000] =	vst v63  }
0x47: {  	_ =	swait.ge [sflag:s26], $0x2000  }
0x48: {  	[sflag:s26] =	ssyncset.done $0x0  }
0x49: {  	[sflag:s26] =	ssyncadd.s32 $0xFFFFE000  }
0x4a: {  	[spmem:s23] =	stream.linear.scatter [tilespmem:s28], [sflag:$0x1], $0x2000, $0x38;
	[tilespmem:$0xB000] =	vst v63  }
0x4b: {  	_ =	swait.ge [sflag:s26], $0x2000  }
0x4c: {  	[sflag:s26] =	ssyncset.done $0x0  }
0x4d: {  	[sflag:s26] =	ssyncadd.s32 $0xFFFFE000  }
0x4e: {  	[spmem:s24] =	stream.linear.scatter [tilespmem:s28], [sflag:$0x1], $0x2000, $0x38;
	[tilespmem:$0xB000] =	vst v63  }
0x4f: {  	_ =	swait.ge [sflag:s26], $0x2000  }
0x50: {  	[sflag:s26] =	ssyncset.done $0x0  }
0x51: {  	[sflag:s26] =	ssyncadd.s32 $0xFFFFE000  }
0x52: {  	s11 =	simm.s32 $0x0;
	[bflag:$0x0] =	sbarrier.arrive $0xFFFF  }
0x53: {  	[spmem:s1] =	stream.indirect.scatter.add.f32 [tilespmem:s30], [sflag:$0x1], $0x10, s11, s29, $0xb8;
	[tilespmem:$0xB000] =	vst v63  }
0x54: {  	_ =	swait.ge [sflag:s26], $0x800  }
0x55: {  	s11 =	simm.s32 $0x200;
	[sflag:s26] =	ssyncset.done $0x0  }
.LBB2_6:
0x56: {  	s0 =	sshra.s32 s11, $0x2;
	[sflag:s26] =	ssyncadd.s32 $0xFFFFF800;
	p0 =	sne.s32 s11, $0x9E00  }
0x57: {  	[spmem:s1] =	stream.indirect.scatter.add.f32 [tilespmem:s30], [sflag:$0x1], $0x10, s0, s29, $0xb8;
	[tilespmem:$0xB000] =	vst v63  }
.Ltmp2:
0x58: {  	_ = 	snop;
	(pc) =	sbr.rel @p0 .LBB2_6-.Ltmp2, $4  }
0x59: {  	_ = 	snop  }
0x5a: {  	s11 =	sadd.s32 $0x200, s11  }
0x5b: {  	_ =	swait.ge [sflag:s26], $0x800  }
0x5c: {  	[sflag:s26] =	ssyncset.done $0x0  }
0x5d: {  	[sflag:s26] =	ssyncadd.s32 $0xFFFFF800  }
0x5e: {  	[bflag:$0x0] =	sbarrier.arrive $0xFFFF  }
0x5f: {  	[tilespmem:s28], [sflag:$0x1] =	stream.linear.gather [spmem:s15], $0x2000, $0x38;
	[tilespmem:$0xB000] =	vst v63  }
0x60: {  	_ =	swait.ge [sflag:s26], $0x2000  }
0x61: {  	[sflag:s26] =	ssyncset.done $0x0  }
0x62: {  	[sflag:s26] =	ssyncadd.s32 $0xFFFFE000  }
0x63: {  	[hbm4b:s4+s2] =	stream.linear.scatter [tilespmem:s28], [sflag:$0x1], $0x2000, $0x38;
	[tilespmem:$0xB000] =	vst v63  }
0x64: {  	_ =	swait.ge [sflag:s26], $0x2000  }
0x65: {  	[sflag:s26] =	ssyncset.done $0x0  }
0x66: {  	[sflag:s26] =	ssyncadd.s32 $0xFFFFE000  }
0x67: {  	[tilespmem:s28], [sflag:$0x1] =	stream.linear.gather [spmem:s16], $0x2000, $0x38;
	[tilespmem:$0xB000] =	vst v63  }
0x68: {  	_ =	swait.ge [sflag:s26], $0x2000  }
0x69: {  	[sflag:s26] =	ssyncset.done $0x0  }
0x6a: {  	[sflag:s26] =	ssyncadd.s32 $0xFFFFE000  }
0x6b: {  	[hbm4b:s5+s2] =	stream.linear.scatter [tilespmem:s28], [sflag:$0x1], $0x2000, $0x38;
	[tilespmem:$0xB000] =	vst v63  }
0x6c: {  	_ =	swait.ge [sflag:s26], $0x2000  }
0x6d: {  	[sflag:s26] =	ssyncset.done $0x0  }
0x6e: {  	[sflag:s26] =	ssyncadd.s32 $0xFFFFE000  }
0x6f: {  	[tilespmem:s28], [sflag:$0x1] =	stream.linear.gather [spmem:s17], $0x2000, $0x38;
	[tilespmem:$0xB000] =	vst v63  }
0x70: {  	_ =	swait.ge [sflag:s26], $0x2000  }
0x71: {  	[sflag:s26] =	ssyncset.done $0x0  }
0x72: {  	[sflag:s26] =	ssyncadd.s32 $0xFFFFE000  }
0x73: {  	[hbm4b:s6+s2] =	stream.linear.scatter [tilespmem:s28], [sflag:$0x1], $0x2000, $0x38;
	[tilespmem:$0xB000] =	vst v63  }
0x74: {  	_ =	swait.ge [sflag:s26], $0x2000  }
0x75: {  	[sflag:s26] =	ssyncset.done $0x0  }
0x76: {  	[sflag:s26] =	ssyncadd.s32 $0xFFFFE000  }
0x77: {  	[tilespmem:s28], [sflag:$0x1] =	stream.linear.gather [spmem:s18], $0x2000, $0x38;
	[tilespmem:$0xB000] =	vst v63  }
0x78: {  	_ =	swait.ge [sflag:s26], $0x2000  }
0x79: {  	[sflag:s26] =	ssyncset.done $0x0  }
0x7a: {  	[sflag:s26] =	ssyncadd.s32 $0xFFFFE000  }
0x7b: {  	[hbm4b:s7+s2] =	stream.linear.scatter [tilespmem:s28], [sflag:$0x1], $0x2000, $0x38;
	[tilespmem:$0xB000] =	vst v63  }
0x7c: {  	_ =	swait.ge [sflag:s26], $0x2000  }
0x7d: {  	[sflag:s26] =	ssyncset.done $0x0  }
0x7e: {  	[sflag:s26] =	ssyncadd.s32 $0xFFFFE000  }
0x7f: {  	[tilespmem:s28], [sflag:$0x1] =	stream.linear.gather [spmem:s19], $0x2000, $0x38;
	[tilespmem:$0xB000] =	vst v63  }
0x80: {  	_ =	swait.ge [sflag:s26], $0x2000  }
0x81: {  	[sflag:s26] =	ssyncset.done $0x0  }
0x82: {  	[sflag:s26] =	ssyncadd.s32 $0xFFFFE000  }
0x83: {  	[hbm4b:s8+s2] =	stream.linear.scatter [tilespmem:s28], [sflag:$0x1], $0x2000, $0x38;
	[tilespmem:$0xB000] =	vst v63  }
0x84: {  	_ =	swait.ge [sflag:s26], $0x2000  }
0x85: {  	[sflag:s26] =	ssyncset.done $0x0  }
0x86: {  	[sflag:s26] =	ssyncadd.s32 $0xFFFFE000  }
0x87: {  	[tilespmem:s28], [sflag:$0x1] =	stream.linear.gather [spmem:s20], $0x2000, $0x38;
	[tilespmem:$0xB000] =	vst v63  }
0x88: {  	_ =	swait.ge [sflag:s26], $0x2000  }
0x89: {  	[sflag:s26] =	ssyncset.done $0x0  }
0x8a: {  	[sflag:s26] =	ssyncadd.s32 $0xFFFFE000  }
0x8b: {  	[hbm4b:s9+s2] =	stream.linear.scatter [tilespmem:s28], [sflag:$0x1], $0x2000, $0x38;
	[tilespmem:$0xB000] =	vst v63  }
0x8c: {  	_ =	swait.ge [sflag:s26], $0x2000  }
0x8d: {  	[sflag:s26] =	ssyncset.done $0x0  }
0x8e: {  	[sflag:s26] =	ssyncadd.s32 $0xFFFFE000  }
0x8f: {  	[tilespmem:s28], [sflag:$0x1] =	stream.linear.gather [spmem:s21], $0x2000, $0x38;
	[tilespmem:$0xB000] =	vst v63  }
0x90: {  	_ =	swait.ge [sflag:s26], $0x2000  }
0x91: {  	[sflag:s26] =	ssyncset.done $0x0  }
0x92: {  	[sflag:s26] =	ssyncadd.s32 $0xFFFFE000  }
0x93: {  	[hbm4b:s10+s2] =	stream.linear.scatter [tilespmem:s28], [sflag:$0x1], $0x2000, $0x38;
	[tilespmem:$0xB000] =	vst v63  }
0x94: {  	_ =	swait.ge [sflag:s26], $0x2000  }
0x95: {  	[sflag:s26] =	ssyncset.done $0x0  }
0x96: {  	[sflag:s26] =	ssyncadd.s32 $0xFFFFE000  }
0x97: {  	[tilespmem:s28], [sflag:$0x1] =	stream.linear.gather [spmem:s22], $0x2000, $0x38;
	[tilespmem:$0xB000] =	vst v63  }
0x98: {  	_ =	swait.ge [sflag:s26], $0x2000  }
0x99: {  	[sflag:s26] =	ssyncset.done $0x0  }
0x9a: {  	[sflag:s26] =	ssyncadd.s32 $0xFFFFE000  }
0x9b: {  	[hbm4b:s12+s2] =	stream.linear.scatter [tilespmem:s28], [sflag:$0x1], $0x2000, $0x38;
	[tilespmem:$0xB000] =	vst v63  }
0x9c: {  	_ =	swait.ge [sflag:s26], $0x2000  }
0x9d: {  	[sflag:s26] =	ssyncset.done $0x0  }
0x9e: {  	[sflag:s26] =	ssyncadd.s32 $0xFFFFE000  }
0x9f: {  	[tilespmem:s28], [sflag:$0x1] =	stream.linear.gather [spmem:s23], $0x2000, $0x38;
	[tilespmem:$0xB000] =	vst v63  }
0xa0: {  	_ =	swait.ge [sflag:s26], $0x2000  }
0xa1: {  	[sflag:s26] =	ssyncset.done $0x0  }
0xa2: {  	[sflag:s26] =	ssyncadd.s32 $0xFFFFE000  }
0xa3: {  	[hbm4b:s13+s2] =	stream.linear.scatter [tilespmem:s28], [sflag:$0x1], $0x2000, $0x38;
	[tilespmem:$0xB000] =	vst v63  }
0xa4: {  	_ =	swait.ge [sflag:s26], $0x2000  }
0xa5: {  	[sflag:s26] =	ssyncset.done $0x0  }
0xa6: {  	[sflag:s26] =	ssyncadd.s32 $0xFFFFE000  }
0xa7: {  	[tilespmem:s28], [sflag:$0x1] =	stream.linear.gather [spmem:s24], $0x2000, $0x38;
	[tilespmem:$0xB000] =	vst v63  }
0xa8: {  	s31 =	sadd.s32 $0x1, s31;
	_ =	swait.ge [sflag:s26], $0x2000  }
0xa9: {  	p0 =	sne.s32 s31, s25;
	[sflag:s26] =	ssyncset.done $0x0  }
.Ltmp3:
0xaa: {  	[sflag:s26] =	ssyncadd.s32 $0xFFFFE000;
	(pc) =	sbr.rel @p0 .LBB2_1-.Ltmp3, $4  }
0xab: {  	[hbm4b:s14+s2] =	stream.linear.scatter [tilespmem:s28], [sflag:$0x1], $0x2000, $0x38;
	[tilespmem:$0xB000] =	vst v63  }
0xac: {  	_ =	swait.ge [sflag:s26], $0x2000  }
0xad: {  	[sflag:s26] =	ssyncset.done $0x0  }
0xae: {  	[sflag:s26] =	ssyncadd.s32 $0xFFFFE000  }
0xaf: {  	_ =	sfence.sel $0x180000  }
0xb0: {  	[bflag:$0x0] =	sbarrier.arrive $0xFFFF  }
0xb1: {  	_ =	strace $0x90000047  }
0xb2: {  	s0 =	stileid.u32;
	[bflag:$0x2] =	sbarrier.arrive $0xFFFF  }
0xb3: {  	p0 =	sne.s32 s0, $0x0;
	s0 =	rddreg [dreg:$0x3]  }
0xb4: {  	s0 =	sadd.s32 @!p0 $0x100000, s0  }
0xb5: {  	[sflag:s0] =	ssyncadd.tile.s32 @!p0 $0x1;
	_ =	shalt  }
.Lfunc_end2:
_tile_overlayer_lowered:
.L_overlay_start_2:
0xb6: {  	(tag) =	ssettag $0x2  }
0xb7: {  	s0 =	rddreg [dreg:$0x0];
	s2 =	stileid.u32  }
0xb8: {  	s1 =	rddreg [dreg:$0x1];
	p0 =	sne.s32 s2, $0x0  }
0xb9: {  	s3 =	rddreg [dreg:$0x2];
	[bflag:$0x3] =	sbarrier.arrive $0xFFFF;
	s2 =	simm.s32 @!p0 $0x1C01  }
0xba: {  	[timem:s3], [sflag:s2] =	dma.local @!p0 [hbm:s0], s1  }
0xbb: {  	s0 =	simm.s32 @!p0 $0x1  }
0xbc: {  	_ =	swait.ge @!p0 [sflag:s0], s1  }
0xbd: {  	s1 =	ssub.s32 @!p0 $0x0, s1;
	[sflag:s0] =	ssyncset.done @!p0 $0x0  }
0xbe: {  	[sflag:s0] =	ssyncadd.s32 @!p0 s1  }
0xbf: {  	[bflag:$0x3] =	sbarrier.arrive $0xFFFF  }
0xc0: {  	_ =	shalt  }

</sc_bundles>
